<compile_context>
chip_gen: v7x
topology: tpu7x:2x2x1
jax: 0.10.2.dev20260603
libtpu: 0.0.44.dev20260713+nightly
codegen_flags: <defaults>
</compile_context>

<pallas_src>
import functools

import jax
import jax.numpy as jnp
from jax import lax
from jax.experimental import pallas as pl
from jax.experimental.pallas import tpu as pltpu
from jax.experimental.pallas import tpu_sc as plsc

N_NODES = 10000
N_EDGES = 160000
D_IN = 256
D_HID1 = 512
HID = 256
HEADS = 8
NCLS = 64
DGAT = HEADS * NCLS

ROWBLK = 256
NPAD = 10240
NBLK = NPAD // ROWBLK
EPAD = 163840
EROWS = EPAD // 128
SENT = N_NODES

NC, NS = 2, 16
NW = NC * NS
WROWS = EROWS // NW


def _dense_body(x_ref, w1_ref, b1_ref, w2_ref, b2_ref, wl_ref, bl_ref,
                wg_ref, asel_ref, dsel_ref, esel_ref,
                xw_ref, atabs_ref, atabd_ref, bacc_ref):
    i = pl.program_id(0)
    x = x_ref[...]
    h = jnp.maximum(
        jnp.dot(x, w1_ref[...], preferred_element_type=jnp.float32)
        + b1_ref[...], 0.0)
    h = jnp.dot(h, w2_ref[...], preferred_element_type=jnp.float32) + b2_ref[...]
    h = jnp.dot(h, wl_ref[...], preferred_element_type=jnp.float32) + bl_ref[...]
    xw = jnp.dot(h, wg_ref[...], preferred_element_type=jnp.float32)
    xw_ref[...] = xw
    asrc = jnp.dot(xw * asel_ref[...], esel_ref[...],
                   preferred_element_type=jnp.float32)
    adst = jnp.dot(xw * dsel_ref[...], esel_ref[...],
                   preferred_element_type=jnp.float32)
    row = i * ROWBLK + lax.broadcasted_iota(jnp.int32, (ROWBLK, 1), 0)
    valid = row < N_NODES
    neg = jnp.full_like(asrc, -1e30)
    asrc_m = jnp.where(valid, asrc, neg)
    adst_m = jnp.where(valid, adst, neg)
    zpad = jnp.zeros((ROWBLK, 8), jnp.float32)
    atabs_ref[...] = jnp.concatenate([asrc_m, zpad], axis=1)
    atabd_ref[...] = jnp.concatenate([adst_m, zpad], axis=1)
    cur = jnp.concatenate(
        [jnp.max(asrc_m, axis=0, keepdims=True),
         jnp.max(adst_m, axis=0, keepdims=True)], axis=0)
    cur16 = jnp.concatenate([cur, jnp.zeros((2, 8), jnp.float32)], axis=1)
    prev = jnp.where(i == 0, jnp.full((2, 16), -1e30), bacc_ref[...])
    bacc_ref[...] = jnp.maximum(prev, cur16)


_dense = pl.pallas_call(
    _dense_body,
    grid=(NBLK,),
    in_specs=[
        pl.BlockSpec((ROWBLK, D_IN), lambda i: (i, 0)),
        pl.BlockSpec((D_IN, D_HID1), lambda i: (0, 0)),
        pl.BlockSpec((1, D_HID1), lambda i: (0, 0)),
        pl.BlockSpec((D_HID1, HID), lambda i: (0, 0)),
        pl.BlockSpec((1, HID), lambda i: (0, 0)),
        pl.BlockSpec((HID, HID), lambda i: (0, 0)),
        pl.BlockSpec((1, HID), lambda i: (0, 0)),
        pl.BlockSpec((HID, DGAT), lambda i: (0, 0)),
        pl.BlockSpec((1, DGAT), lambda i: (0, 0)),
        pl.BlockSpec((1, DGAT), lambda i: (0, 0)),
        pl.BlockSpec((DGAT, HEADS), lambda i: (0, 0)),
    ],
    out_specs=[
        pl.BlockSpec((ROWBLK, DGAT), lambda i: (i, 0)),
        pl.BlockSpec((ROWBLK, 16), lambda i: (i, 0)),
        pl.BlockSpec((ROWBLK, 16), lambda i: (i, 0)),
        pl.BlockSpec((2, 16), lambda i: (0, 0)),
    ],
    out_shape=[
        jax.ShapeDtypeStruct((NPAD, DGAT), jnp.float32),
        jax.ShapeDtypeStruct((NPAD, 16), jnp.float32),
        jax.ShapeDtypeStruct((NPAD, 16), jnp.float32),
        jax.ShapeDtypeStruct((2, 16), jnp.float32),
    ],
)


_sc_mesh = plsc.VectorSubcoreMesh(core_axis_name="c", subcore_axis_name="s")


@functools.partial(
    pl.kernel,
    out_type=(
        jax.ShapeDtypeStruct((EPAD, 16), jnp.float32),
        jax.ShapeDtypeStruct((NPAD, 16), jnp.float32),
        jax.ShapeDtypeStruct((NPAD, 16), jnp.float32),
    ),
    mesh=_sc_mesh,
    compiler_params=pltpu.CompilerParams(use_tc_tiling_on_sc=False),
    scratch_types=[
        pltpu.VMEM((8, 128), jnp.int32),
        pltpu.VMEM((8, 128), jnp.int32),
        pltpu.VMEM((1024, 16), jnp.float32),
        pltpu.VMEM((1024, 16), jnp.float32),
        pltpu.VMEM((1024, 16), jnp.float32),
        pltpu.VMEM((2, 16), jnp.float32),
        pltpu.VMEM((640, 16), jnp.float32),
        pltpu.VMEM_SHARED((NPAD, 16), jnp.float32),
        pltpu.SemaphoreType.DMA,
    ],
)
def _sc_b1(srcm, dstm, atabs, atabd, bacc, w_hbm, d0_hbm, d1_hbm,
           sidx, didx, g1, g2, wbuf, bvm, zbuf, denom_sh, sem):
    cid = lax.axis_index("c")
    sid = lax.axis_index("s")
    wid = sid * NC + cid
    zv = jnp.zeros((16,), jnp.float32)

    def _zero(i, carry):
        zbuf[i, :] = zv
        return carry

    lax.fori_loop(0, 640, _zero, 0)
    pltpu.sync_copy(zbuf, denom_sh.at[pl.ds(sid * 640, 640)])
    pltpu.sync_copy(bacc, bvm)
    plsc.subcore_barrier()

    bv = jnp.maximum(bvm[0, :] + bvm[1, :], 0.0)
    lane8 = lax.iota(jnp.int32, 16) < 8
    rows0 = wid * WROWS

    def _chunk(t, carry):
        r = rows0 + t * 8
        pltpu.sync_copy(srcm.at[pl.ds(r, 8)], sidx)
        pltpu.sync_copy(dstm.at[pl.ds(r, 8)], didx)
        cps = []
        for j in range(8):
            cps.append(pltpu.async_copy(
                atabs.at[sidx.at[j]], g1.at[pl.ds(j * 128, 128)], sem))
            cps.append(pltpu.async_copy(
                atabd.at[didx.at[j]], g2.at[pl.ds(j * 128, 128)], sem))
        for cp in cps:
            cp.wait()

        def _edge(i, c2):
            s = g1[i, :] + g2[i, :]
            a = jnp.where(s >= 0.0, s, 0.2 * s)
            w = jnp.exp(a - bv)
            wbuf[i, :] = jnp.where(lane8, w, 0.0)
            return c2

        lax.fori_loop(0, 1024, _edge, 0)
        for j in range(8):
            pltpu.sync_copy(wbuf.at[pl.ds(j * 128, 128)],
                            denom_sh.at[didx.at[j]], add=True)
        pltpu.sync_copy(wbuf, w_hbm.at[pl.ds(r * 128, 1024)])
        return carry

    lax.fori_loop(0, WROWS // 8, _chunk, 0)
    plsc.subcore_barrier()

    @pl.when(jnp.logical_and(sid == 0, cid == 0))
    def _():
        pltpu.sync_copy(denom_sh, d0_hbm)

    @pl.when(jnp.logical_and(sid == 0, cid == 1))
    def _():
        pltpu.sync_copy(denom_sh, d1_hbm)


@functools.partial(
    pl.kernel,
    out_type=(
        jax.ShapeDtypeStruct((NPAD, NCLS), jnp.float32),
        jax.ShapeDtypeStruct((NPAD, NCLS), jnp.float32),
    ),
    mesh=_sc_mesh,
    compiler_params=pltpu.CompilerParams(use_tc_tiling_on_sc=False),
    scratch_types=[
        pltpu.VMEM((1, 128), jnp.int32),
        pltpu.VMEM((1, 128), jnp.int32),
        pltpu.VMEM((128, DGAT), jnp.float32),
        pltpu.VMEM((128, 16), jnp.float32),
        pltpu.VMEM((128, 16), jnp.float32),
        pltpu.VMEM((128, 16), jnp.float32),
        pltpu.VMEM((128, 16), jnp.float32),
        pltpu.VMEM((128, NCLS), jnp.float32),
        pltpu.VMEM((64, NCLS), jnp.float32),
        pltpu.VMEM_SHARED((NPAD, NCLS), jnp.float32),
        pltpu.SemaphoreType.DMA,
    ],
)
def _sc_b2(srcm, dstm, w_hbm, d0_hbm, d1_hbm, xw_hbm, o0_hbm, o1_hbm,
           sidx, didx, xwbuf, wbuf, g3, g4, cbuf, msg, zbuf, out_sh, sem):
    cid = lax.axis_index("c")
    sid = lax.axis_index("s")
    wid = sid * NC + cid
    zv = jnp.zeros((16,), jnp.float32)

    def _zero(i, carry):
        for q in range(NCLS // 16):
            zbuf[i, pl.ds(q * 16, 16)] = zv
        return carry

    lax.fori_loop(0, 64, _zero, 0)
    for k in range(10):
        pltpu.sync_copy(zbuf, out_sh.at[pl.ds(sid * 640 + k * 64, 64)])
    plsc.subcore_barrier()

    rows0 = wid * WROWS

    def _chunk(t, carry):
        r = rows0 + t
        pltpu.sync_copy(srcm.at[pl.ds(r, 1)], sidx)
        pltpu.sync_copy(dstm.at[pl.ds(r, 1)], didx)
        cp1 = pltpu.async_copy(xw_hbm.at[sidx.at[0]], xwbuf, sem)
        cp2 = pltpu.async_copy(d0_hbm.at[didx.at[0]], g3, sem)
        cp3 = pltpu.async_copy(d1_hbm.at[didx.at[0]], g4, sem)
        cp4 = pltpu.async_copy(w_hbm.at[pl.ds(r * 128, 128)], wbuf, sem)
        cp1.wait()
        cp2.wait()
        cp3.wait()
        cp4.wait()

        def _coef(i, c2):
            dv = g3[i, :] + g4[i, :]
            cbuf[i, :] = wbuf[i, :] / (dv + 1e-16) * (1.0 / HEADS)
            return c2

        lax.fori_loop(0, 128, _coef, 0)

        def _msg(i, c2):
            cv = cbuf[i, :]
            for q in range(NCLS // 16):
                acc = jnp.zeros((16,), jnp.float32)
                for hh in range(HEADS):
                    acc = acc + cv[hh] * xwbuf[i, pl.ds(hh * NCLS + q * 16, 16)]
                msg[i, pl.ds(q * 16, 16)] = acc
            return c2

        lax.fori_loop(0, 128, _msg, 0)
        pltpu.sync_copy(msg, out_sh.at[didx.at[0]], add=True)
        return carry

    lax.fori_loop(0, WROWS, _chunk, 0)
    plsc.subcore_barrier()

    @pl.when(jnp.logical_and(sid == 0, cid == 0))
    def _():
        pltpu.sync_copy(out_sh, o0_hbm)

    @pl.when(jnp.logical_and(sid == 0, cid == 1))
    def _():
        pltpu.sync_copy(out_sh, o1_hbm)


def _comb_body(o0_ref, o1_ref, bg_ref, out_ref):
    out_ref[...] = o0_ref[...] + o1_ref[...] + bg_ref[...]


_comb = pl.pallas_call(
    _comb_body,
    grid=(NBLK,),
    in_specs=[
        pl.BlockSpec((ROWBLK, NCLS), lambda i: (i, 0)),
        pl.BlockSpec((ROWBLK, NCLS), lambda i: (i, 0)),
        pl.BlockSpec((1, NCLS), lambda i: (0, 0)),
    ],
    out_specs=pl.BlockSpec((ROWBLK, NCLS), lambda i: (i, 0)),
    out_shape=jax.ShapeDtypeStruct((NPAD, NCLS), jnp.float32),
)


def kernel(x, edge_index, W_emb1, b_emb1, W_emb2, b_emb2, W_lin, b_lin,
           W_gat, att_src, att_dst, b_gat):
    xp = jnp.pad(x, ((0, NPAD - N_NODES), (0, 0)))
    ei = edge_index.astype(jnp.int32)
    src = jnp.pad(ei[0], (0, EPAD - N_EDGES),
                  constant_values=SENT).reshape(EROWS, 128)
    dst = jnp.pad(ei[1], (0, EPAD - N_EDGES),
                  constant_values=SENT).reshape(EROWS, 128)
    asel = att_src.reshape(1, DGAT)
    dsel = att_dst.reshape(1, DGAT)
    esel = (jnp.arange(DGAT)[:, None] // NCLS
            == jnp.arange(HEADS)[None, :]).astype(jnp.float32)

    xw, atabs, atabd, bacc = _dense(
        xp, W_emb1, b_emb1.reshape(1, -1), W_emb2, b_emb2.reshape(1, -1),
        W_lin, b_lin.reshape(1, -1), W_gat, asel, dsel, esel)
    w, d0, d1 = _sc_b1(src, dst, atabs, atabd, bacc)
    o0, o1 = _sc_b2(src, dst, w, d0, d1, xw)
    out = _comb(o0, o1, b_gat.reshape(1, NCLS))
    return out[:N_NODES]

# --- scband reference (transcript-rebuilt; emitter-appended) ---
"""Pipeline reference for scband-gat-90666759619101 (READ-ONLY COPY).

The authoritative reference and input builder live on the scoring server;
editing this copy changes nothing except your own understanding.
"""

import jax, jax.numpy as jnp
import numpy as np

N_NODES = 10000
N_EDGES = 160000
D_IN = 256
D_EMB_HID = 512
HID = 256
HEADS = 8
N_CLASSES = 64


def setup_inputs(seed: int = 0) -> dict:
    key = jax.random.key(seed)
    ks = jax.random.split(key, 12)
    x = jax.random.normal(ks[0], (N_NODES, D_IN), dtype=jnp.float32)
    edge_index = jax.random.randint(ks[1], (2, N_EDGES), 0, N_NODES, dtype=jnp.int64)
    s = lambda fi, fo: (1.0 / np.sqrt(fi))
    W_emb1 = jax.random.normal(ks[2], (D_IN, D_EMB_HID), dtype=jnp.float32) * s(D_IN, D_EMB_HID)
    b_emb1 = jnp.zeros((D_EMB_HID,), dtype=jnp.float32)
    W_emb2 = jax.random.normal(ks[3], (D_EMB_HID, HID), dtype=jnp.float32) * s(D_EMB_HID, HID)
    b_emb2 = jnp.zeros((HID,), dtype=jnp.float32)
    W_lin = jax.random.normal(ks[4], (HID, HID), dtype=jnp.float32) * s(HID, HID)
    b_lin = jnp.zeros((HID,), dtype=jnp.float32)
    W_gat = jax.random.normal(ks[5], (HID, HEADS * N_CLASSES), dtype=jnp.float32) * s(HID, HEADS * N_CLASSES)
    att_src = jax.random.normal(ks[6], (1, HEADS, N_CLASSES), dtype=jnp.float32) * 0.1
    att_dst = jax.random.normal(ks[7], (1, HEADS, N_CLASSES), dtype=jnp.float32) * 0.1
    b_gat = jnp.zeros((N_CLASSES,), dtype=jnp.float32)
    return {"x": x, "edge_index": edge_index, "W_emb1": W_emb1, "b_emb1": b_emb1,
            "W_emb2": W_emb2, "b_emb2": b_emb2, "W_lin": W_lin, "b_lin": b_lin,
            "W_gat": W_gat, "att_src": att_src, "att_dst": att_dst, "b_gat": b_gat}


def _gat_conv(x, edge_index, W_gat, att_src, att_dst, b_gat):
    N = x.shape[0]
    xw = (x @ W_gat).reshape(N, HEADS, N_CLASSES)
    a_src = jnp.sum(xw * att_src, axis=-1)  # [N, H]
    a_dst = jnp.sum(xw * att_dst, axis=-1)  # [N, H]
    src = edge_index[0]
    dst = edge_index[1]
    alpha = jax.nn.leaky_relu(a_src[src] + a_dst[dst], negative_slope=0.2)  # [E, H]
    amax = jax.ops.segment_max(alpha, dst, num_segments=N)
    amax = jnp.where(jnp.isfinite(amax), amax, 0.0)
    alpha = jnp.exp(alpha - jax.lax.stop_gradient(amax)[dst])
    denom = jax.ops.segment_sum(alpha, dst, num_segments=N)
    alpha = alpha / (denom[dst] + 1e-16)
    msg = xw[src] * alpha[:, :, None]  # [E, H, C]
    out = jax.ops.segment_sum(msg, dst, num_segments=N)  # [N, H, C]
    out = out.mean(axis=1) + b_gat  # concat=False -> mean over heads
    return out


def reference(x, edge_index, W_emb1, b_emb1, W_emb2, b_emb2, W_lin, b_lin,
              W_gat, att_src, att_dst, b_gat):
    # embedder: Linear(256->512) -> ReLU -> Linear(512->256)
    h = jax.nn.relu(x @ W_emb1 + b_emb1)
    h = h @ W_emb2 + b_emb2
    # linear: Linear(256 -> hid=256)
    h = h @ W_lin + b_lin
    # GATConv(hid=256 -> n_classes=64, heads=8, concat=False)
    out = _gat_conv(h, edge_index, W_gat, att_src, att_dst, b_gat)
    return out

if __name__ == "__main__":
    import jax
    _d = setup_inputs()
    print(jax.jit(kernel)(*tuple(_d.values())))

</pallas_src>

<mosaic_0001>
#map = affine_map<(d0, d1) -> (0, 0)>
module attributes {stable_mosaic.version = 14 : i64} {
  func.func @_sc_b1(%arg0: i32, %arg1: i32, %arg2: memref<1280x128xi32, #tpu.memory_space<hbm>>, %arg3: memref<1280x128xi32, #tpu.memory_space<hbm>>, %arg4: memref<10240x16xf32, #tpu.memory_space<hbm>>, %arg5: memref<10240x16xf32, #tpu.memory_space<hbm>>, %arg6: memref<2x16xf32, #tpu.memory_space<hbm>>, %arg7: memref<163840x16xf32, #tpu.memory_space<hbm>>, %arg8: memref<10240x16xf32, #tpu.memory_space<hbm>>, %arg9: memref<10240x16xf32, #tpu.memory_space<hbm>>, %arg10: memref<8x128xi32, #tpu.memory_space<vmem>>, %arg11: memref<8x128xi32, #tpu.memory_space<vmem>>, %arg12: memref<1024x16xf32, #tpu.memory_space<vmem>>, %arg13: memref<1024x16xf32, #tpu.memory_space<vmem>>, %arg14: memref<1024x16xf32, #tpu.memory_space<vmem>>, %arg15: memref<2x16xf32, #tpu.memory_space<vmem>>, %arg16: memref<640x16xf32, #tpu.memory_space<vmem>>, %arg17: memref<10240x16xf32, #tpu.memory_space<vmem_shared>>, %arg18: memref<!tpu.dma_semaphore, #tpu.memory_space<semaphore_mem>>) attributes {dimension_semantics = [#tpu.dimension_semantics<core_parallel>, #tpu.dimension_semantics<subcore_parallel>], iteration_bounds = array<i64: 2, 16>, scalar_prefetch = 0 : i64, scratch_operands = 9 : i64, tpu.core_type = #tpu.core_type<sc_vector_subcore>, window_params = [{transform_indices = #map}, {transform_indices = #map}, {transform_indices = #map}, {transform_indices = #map}, {transform_indices = #map}, {transform_indices = #map}, {transform_indices = #map}, {transform_indices = #map}]} {
    %mul3A = arith.constant 2 : i32
    %mul3A_0 = arith.muli %arg1, %mul3A : i32
    %add3A = arith.addi %mul3A_0, %arg0 : i32
    %broadcast_in_dim3A = arith.constant 0.000000e+00 : f32
    %broadcast_in_dim3A_1 = vector.broadcast %broadcast_in_dim3A : f32 to vector<16xf32>
    %scan3A = arith.constant 0 : i32
    %scan3A_2 = arith.constant 0 : i32
    %scan3A_3 = arith.constant 640 : i32
    %scan3A_4 = arith.addi %scan3A_2, %scan3A_3 : i32
    %scan3A_5 = arith.constant 1 : i32
    scf.for %scan3A_44 = %scan3A_2 to %scan3A_4 step %scan3A_5  : i32 {
      %swap3A = arith.index_cast %scan3A_44 : i32 to index
      %swap3A_45 = arith.constant 0 : index
      %swap3A_46 = tpu.vector_load %arg16[%swap3A, %swap3A_45] {strides = array<i32>} : memref<640x16xf32, #tpu.memory_space<vmem>>, vector<1x16xf32>,
      %swap3A_47 = vector.shape_cast %swap3A_46 : vector<1x16xf32> to vector<16xf32>
      %swap3A_48 = vector.shape_cast %broadcast_in_dim3A_1 : vector<16xf32> to vector<1x16xf32>
      tpu.vector_store %arg16[%swap3A, %swap3A_45], %swap3A_48 {strides = array<i32>} : memref<640x16xf32, #tpu.memory_space<vmem>>, vector<1x16xf32>,
    }
    %scan3A_6 = arith.constant 640 : i32
    %mul3A_7 = arith.constant 640 : i32
    %mul3A_8 = arith.muli %arg1, %mul3A_7 : i32
    "tpu.region"() ({
      %run_scoped3A = tpu.sem_alloc : memref<!tpu.dma_semaphore, #tpu.memory_space<semaphore_mem>>
      %dma_start3A = arith.constant 0 : i32
      %dma_start3A_44 = tpu.memref_slice %arg17[%mul3A_8, %dma_start3A] : memref<10240x16xf32, #tpu.memory_space<vmem_shared>> -> memref<640x16xf32, #tpu.memory_space<vmem_shared>>
      %dma_start3A_45 = arith.constant 0 : i32
      %dma_start3A_46 = tpu.memref_slice %arg17[%mul3A_8, %dma_start3A_45] : memref<10240x16xf32, #tpu.memory_space<vmem_shared>> -> memref<640x16xf32, #tpu.memory_space<vmem_shared>>
      tpu.enqueue_dma source(%arg16 : memref<640x16xf32, #tpu.memory_space<vmem>>) target(%dma_start3A_46 : memref<640x16xf32, #tpu.memory_space<vmem_shared>>) target_semaphore(%run_scoped3A : memref<!tpu.dma_semaphore, #tpu.memory_space<semaphore_mem>>)
      %dma_wait3A = arith.constant 0 : i32
      %dma_wait3A_47 = tpu.memref_slice %arg17[%mul3A_8, %dma_wait3A] : memref<10240x16xf32, #tpu.memory_space<vmem_shared>> -> memref<640x16xf32, #tpu.memory_space<vmem_shared>>
      %dma_wait3A_48 = arith.constant 0 : i32
      %dma_wait3A_49 = tpu.memref_slice %arg17[%mul3A_8, %dma_wait3A_48] : memref<10240x16xf32, #tpu.memory_space<vmem_shared>> -> memref<640x16xf32, #tpu.memory_space<vmem_shared>>
      tpu.wait_dma2 semaphore(%run_scoped3A : memref<!tpu.dma_semaphore, #tpu.memory_space<semaphore_mem>>) src(%arg16 : memref<640x16xf32, #tpu.memory_space<vmem>>) dst(%dma_wait3A_49 : memref<640x16xf32, #tpu.memory_space<vmem_shared>>)
      tpu.yield
    }) : () -> ()
    "tpu.region"() ({
      %run_scoped3A = tpu.sem_alloc : memref<!tpu.dma_semaphore, #tpu.memory_space<semaphore_mem>>
      tpu.enqueue_dma source(%arg6 : memref<2x16xf32, #tpu.memory_space<hbm>>) target(%arg15 : memref<2x16xf32, #tpu.memory_space<vmem>>) target_semaphore(%run_scoped3A : memref<!tpu.dma_semaphore, #tpu.memory_space<semaphore_mem>>)
      tpu.wait_dma2 semaphore(%run_scoped3A : memref<!tpu.dma_semaphore, #tpu.memory_space<semaphore_mem>>) src(%arg6 : memref<2x16xf32, #tpu.memory_space<hbm>>) dst(%arg15 : memref<2x16xf32, #tpu.memory_space<vmem>>)
      tpu.yield
    }) : () -> ()
    %barrier3A = arith.constant 0 : index
    tpu.barrier barrier_id(%barrier3A)
    %get3A = arith.constant 0 : i32
    %get3A_9 = arith.index_cast %get3A : i32 to index
    %get3A_10 = arith.constant 0 : index
    %get3A_11 = tpu.vector_load %arg15[%get3A_9, %get3A_10] {strides = array<i32>} : memref<2x16xf32, #tpu.memory_space<vmem>>, vector<1x16xf32>,
    %get3A_12 = vector.shape_cast %get3A_11 : vector<1x16xf32> to vector<16xf32>
    %get3A_13 = arith.constant 1 : i32
    %get3A_14 = arith.index_cast %get3A_13 : i32 to index
    %get3A_15 = arith.constant 0 : index
    %get3A_16 = tpu.vector_load %arg15[%get3A_14, %get3A_15] {strides = array<i32>} : memref<2x16xf32, #tpu.memory_space<vmem>>, vector<1x16xf32>,
    %get3A_17 = vector.shape_cast %get3A_16 : vector<1x16xf32> to vector<16xf32>
    %add3A_18 = arith.addf %get3A_12, %get3A_17 : vector<16xf32>
    %max3A = arith.constant 0.000000e+00 : f32
    %max3A_19 = vector.broadcast %max3A : f32 to vector<16xf32>
    %max3A_20 = arith.maximumf %add3A_18, %max3A_19 : vector<16xf32>
    %iota3A = tpu.iota {dimensions = array<i32: 0>} : vector<16xi32>
    %lt3A = arith.constant 8 : i32
    %lt3A_21 = vector.broadcast %lt3A : i32 to vector<16xi32>
    %lt3A_22 = arith.cmpi slt, %iota3A, %lt3A_21 : vector<16xi32>
    %mul3A_23 = arith.constant 40 : i32
    %mul3A_24 = arith.muli %add3A, %mul3A_23 : i32
    %scan3A_25 = arith.constant 0 : i32
    %scan3A_26 = arith.constant 0 : i32
    %scan3A_27 = arith.constant 5 : i32
    %scan3A_28 = arith.addi %scan3A_26, %scan3A_27 : i32
    %scan3A_29 = arith.constant 1 : i32
    scf.for %scan3A_44 = %scan3A_26 to %scan3A_28 step %scan3A_29  : i32 {
      %mul3A_45 = arith.constant 8 : i32
      %mul3A_46 = arith.muli %scan3A_44, %mul3A_45 : i32
      %add3A_47 = arith.addi %mul3A_24, %mul3A_46 : i32
      "tpu.region"() ({
        %run_scoped3A_381 = tpu.sem_alloc : memref<!tpu.dma_semaphore, #tpu.memory_space<semaphore_mem>>
        %dma_start3A_382 = arith.constant 0 : i32
        %dma_start3A_383 = tpu.memref_slice %arg2[%add3A_47, %dma_start3A_382] : memref<1280x128xi32, #tpu.memory_space<hbm>> -> memref<8x128xi32, #tpu.memory_space<hbm>>
        %dma_start3A_384 = arith.constant 0 : i32
        %dma_start3A_385 = tpu.memref_slice %arg2[%add3A_47, %dma_start3A_384] : memref<1280x128xi32, #tpu.memory_space<hbm>> -> memref<8x128xi32, #tpu.memory_space<hbm>>
        tpu.enqueue_dma source(%dma_start3A_385 : memref<8x128xi32, #tpu.memory_space<hbm>>) target(%arg10 : memref<8x128xi32, #tpu.memory_space<vmem>>) target_semaphore(%run_scoped3A_381 : memref<!tpu.dma_semaphore, #tpu.memory_space<semaphore_mem>>)
        %dma_wait3A_386 = arith.constant 0 : i32
        %dma_wait3A_387 = tpu.memref_slice %arg2[%add3A_47, %dma_wait3A_386] : memref<1280x128xi32, #tpu.memory_space<hbm>> -> memref<8x128xi32, #tpu.memory_space<hbm>>
        %dma_wait3A_388 = arith.constant 0 : i32
        %dma_wait3A_389 = tpu.memref_slice %arg2[%add3A_47, %dma_wait3A_388] : memref<1280x128xi32, #tpu.memory_space<hbm>> -> memref<8x128xi32, #tpu.memory_space<hbm>>
        tpu.wait_dma2 semaphore(%run_scoped3A_381 : memref<!tpu.dma_semaphore, #tpu.memory_space<semaphore_mem>>) src(%dma_wait3A_389 : memref<8x128xi32, #tpu.memory_space<hbm>>) dst(%arg10 : memref<8x128xi32, #tpu.memory_space<vmem>>)
        tpu.yield
      }) : () -> ()
      "tpu.region"() ({
        %run_scoped3A_381 = tpu.sem_alloc : memref<!tpu.dma_semaphore, #tpu.memory_space<semaphore_mem>>
        %dma_start3A_382 = arith.constant 0 : i32
        %dma_start3A_383 = tpu.memref_slice %arg3[%add3A_47, %dma_start3A_382] : memref<1280x128xi32, #tpu.memory_space<hbm>> -> memref<8x128xi32, #tpu.memory_space<hbm>>
        %dma_start3A_384 = arith.constant 0 : i32
        %dma_start3A_385 = tpu.memref_slice %arg3[%add3A_47, %dma_start3A_384] : memref<1280x128xi32, #tpu.memory_space<hbm>> -> memref<8x128xi32, #tpu.memory_space<hbm>>
        tpu.enqueue_dma source(%dma_start3A_385 : memref<8x128xi32, #tpu.memory_space<hbm>>) target(%arg11 : memref<8x128xi32, #tpu.memory_space<vmem>>) target_semaphore(%run_scoped3A_381 : memref<!tpu.dma_semaphore, #tpu.memory_space<semaphore_mem>>)
        %dma_wait3A_386 = arith.constant 0 : i32
        %dma_wait3A_387 = tpu.memref_slice %arg3[%add3A_47, %dma_wait3A_386] : memref<1280x128xi32, #tpu.memory_space<hbm>> -> memref<8x128xi32, #tpu.memory_space<hbm>>
        %dma_wait3A_388 = arith.constant 0 : i32
        %dma_wait3A_389 = tpu.memref_slice %arg3[%add3A_47, %dma_wait3A_388] : memref<1280x128xi32, #tpu.memory_space<hbm>> -> memref<8x128xi32, #tpu.memory_space<hbm>>
        tpu.wait_dma2 semaphore(%run_scoped3A_381 : memref<!tpu.dma_semaphore, #tpu.memory_space<semaphore_mem>>) src(%dma_wait3A_389 : memref<8x128xi32, #tpu.memory_space<hbm>>) dst(%arg11 : memref<8x128xi32, #tpu.memory_space<vmem>>)
        tpu.yield
      }) : () -> ()
      %dma_start3A = arith.constant 0 : i32
      %dma_start3A_48 = arith.constant 0 : i32
      %dma_start3A_49 = arith.constant 0 : i32
      %dma_start3A_50 = tpu.memref_slice %arg12[%dma_start3A_48, %dma_start3A_49] : memref<1024x16xf32, #tpu.memory_space<vmem>> -> memref<128x16xf32, #tpu.memory_space<vmem>>
      %dma_start3A_51 = arith.constant 0 : i32
      %dma_start3A_52 = tpu.memref_slice %arg10[%dma_start3A, %dma_start3A_51] : memref<8x128xi32, #tpu.memory_space<vmem>> -> memref<1x128xi32, #tpu.memory_space<vmem>>
      %dma_start3A_53 = tpu.memref_squeeze %dma_start3A_52 : memref<1x128xi32, #tpu.memory_space<vmem>> -> memref<128xi32, #tpu.memory_space<vmem>>
      %dma_start3A_54 = arith.constant 0 : i32
      %dma_start3A_55 = arith.constant 0 : i32
      %dma_start3A_56 = tpu.memref_slice %arg4[%dma_start3A_54, %dma_start3A_55] : memref<10240x16xf32, #tpu.memory_space<hbm>> -> memref<10240x16xf32, #tpu.memory_space<hbm>>
      tpu.enqueue_indirect_dma source(%dma_start3A_56 : memref<10240x16xf32, #tpu.memory_space<hbm>>) target(%dma_start3A_50 : memref<128x16xf32, #tpu.memory_space<vmem>>) offsets(%dma_start3A_53 : memref<128xi32, #tpu.memory_space<vmem>>) semaphore(%arg18 : memref<!tpu.dma_semaphore, #tpu.memory_space<semaphore_mem>>)
      %dma_start3A_57 = arith.constant 0 : i32
      %dma_start3A_58 = arith.constant 0 : i32
      %dma_start3A_59 = arith.constant 0 : i32
      %dma_start3A_60 = tpu.memref_slice %arg13[%dma_start3A_58, %dma_start3A_59] : memref<1024x16xf32, #tpu.memory_space<vmem>> -> memref<128x16xf32, #tpu.memory_space<vmem>>
      %dma_start3A_61 = arith.constant 0 : i32
      %dma_start3A_62 = tpu.memref_slice %arg11[%dma_start3A_57, %dma_start3A_61] : memref<8x128xi32, #tpu.memory_space<vmem>> -> memref<1x128xi32, #tpu.memory_space<vmem>>
      %dma_start3A_63 = tpu.memref_squeeze %dma_start3A_62 : memref<1x128xi32, #tpu.memory_space<vmem>> -> memref<128xi32, #tpu.memory_space<vmem>>
      %dma_start3A_64 = arith.constant 0 : i32
      %dma_start3A_65 = arith.constant 0 : i32
      %dma_start3A_66 = tpu.memref_slice %arg5[%dma_start3A_64, %dma_start3A_65] : memref<10240x16xf32, #tpu.memory_space<hbm>> -> memref<10240x16xf32, #tpu.memory_space<hbm>>
      tpu.enqueue_indirect_dma source(%dma_start3A_66 : memref<10240x16xf32, #tpu.memory_space<hbm>>) target(%dma_start3A_60 : memref<128x16xf32, #tpu.memory_space<vmem>>) offsets(%dma_start3A_63 : memref<128xi32, #tpu.memory_space<vmem>>) semaphore(%arg18 : memref<!tpu.dma_semaphore, #tpu.memory_space<semaphore_mem>>)
      %dma_start3A_67 = arith.constant 1 : i32
      %dma_start3A_68 = arith.constant 128 : i32
      %dma_start3A_69 = arith.constant 0 : i32
      %dma_start3A_70 = tpu.memref_slice %arg12[%dma_start3A_68, %dma_start3A_69] : memref<1024x16xf32, #tpu.memory_space<vmem>> -> memref<128x16xf32, #tpu.memory_space<vmem>>
      %dma_start3A_71 = arith.constant 0 : i32
      %dma_start3A_72 = tpu.memref_slice %arg10[%dma_start3A_67, %dma_start3A_71] : memref<8x128xi32, #tpu.memory_space<vmem>> -> memref<1x128xi32, #tpu.memory_space<vmem>>
      %dma_start3A_73 = tpu.memref_squeeze %dma_start3A_72 : memref<1x128xi32, #tpu.memory_space<vmem>> -> memref<128xi32, #tpu.memory_space<vmem>>
      %dma_start3A_74 = arith.constant 0 : i32
      %dma_start3A_75 = arith.constant 0 : i32
      %dma_start3A_76 = tpu.memref_slice %arg4[%dma_start3A_74, %dma_start3A_75] : memref<10240x16xf32, #tpu.memory_space<hbm>> -> memref<10240x16xf32, #tpu.memory_space<hbm>>
      tpu.enqueue_indirect_dma source(%dma_start3A_76 : memref<10240x16xf32, #tpu.memory_space<hbm>>) target(%dma_start3A_70 : memref<128x16xf32, #tpu.memory_space<vmem>>) offsets(%dma_start3A_73 : memref<128xi32, #tpu.memory_space<vmem>>) semaphore(%arg18 : memref<!tpu.dma_semaphore, #tpu.memory_space<semaphore_mem>>)
      %dma_start3A_77 = arith.constant 1 : i32
      %dma_start3A_78 = arith.constant 128 : i32
      %dma_start3A_79 = arith.constant 0 : i32
      %dma_start3A_80 = tpu.memref_slice %arg13[%dma_start3A_78, %dma_start3A_79] : memref<1024x16xf32, #tpu.memory_space<vmem>> -> memref<128x16xf32, #tpu.memory_space<vmem>>
      %dma_start3A_81 = arith.constant 0 : i32
      %dma_start3A_82 = tpu.memref_slice %arg11[%dma_start3A_77, %dma_start3A_81] : memref<8x128xi32, #tpu.memory_space<vmem>> -> memref<1x128xi32, #tpu.memory_space<vmem>>
      %dma_start3A_83 = tpu.memref_squeeze %dma_start3A_82 : memref<1x128xi32, #tpu.memory_space<vmem>> -> memref<128xi32, #tpu.memory_space<vmem>>
      %dma_start3A_84 = arith.constant 0 : i32
      %dma_start3A_85 = arith.constant 0 : i32
      %dma_start3A_86 = tpu.memref_slice %arg5[%dma_start3A_84, %dma_start3A_85] : memref<10240x16xf32, #tpu.memory_space<hbm>> -> memref<10240x16xf32, #tpu.memory_space<hbm>>
      tpu.enqueue_indirect_dma source(%dma_start3A_86 : memref<10240x16xf32, #tpu.memory_space<hbm>>) target(%dma_start3A_80 : memref<128x16xf32, #tpu.memory_space<vmem>>) offsets(%dma_start3A_83 : memref<128xi32, #tpu.memory_space<vmem>>) semaphore(%arg18 : memref<!tpu.dma_semaphore, #tpu.memory_space<semaphore_mem>>)
      %dma_start3A_87 = arith.constant 2 : i32
      %dma_start3A_88 = arith.constant 256 : i32
      %dma_start3A_89 = arith.constant 0 : i32
      %dma_start3A_90 = tpu.memref_slice %arg12[%dma_start3A_88, %dma_start3A_89] : memref<1024x16xf32, #tpu.memory_space<vmem>> -> memref<128x16xf32, #tpu.memory_space<vmem>>
      %dma_start3A_91 = arith.constant 0 : i32
      %dma_start3A_92 = tpu.memref_slice %arg10[%dma_start3A_87, %dma_start3A_91] : memref<8x128xi32, #tpu.memory_space<vmem>> -> memref<1x128xi32, #tpu.memory_space<vmem>>
      %dma_start3A_93 = tpu.memref_squeeze %dma_start3A_92 : memref<1x128xi32, #tpu.memory_space<vmem>> -> memref<128xi32, #tpu.memory_space<vmem>>
      %dma_start3A_94 = arith.constant 0 : i32
      %dma_start3A_95 = arith.constant 0 : i32
      %dma_start3A_96 = tpu.memref_slice %arg4[%dma_start3A_94, %dma_start3A_95] : memref<10240x16xf32, #tpu.memory_space<hbm>> -> memref<10240x16xf32, #tpu.memory_space<hbm>>
      tpu.enqueue_indirect_dma source(%dma_start3A_96 : memref<10240x16xf32, #tpu.memory_space<hbm>>) target(%dma_start3A_90 : memref<128x16xf32, #tpu.memory_space<vmem>>) offsets(%dma_start3A_93 : memref<128xi32, #tpu.memory_space<vmem>>) semaphore(%arg18 : memref<!tpu.dma_semaphore, #tpu.memory_space<semaphore_mem>>)
      %dma_start3A_97 = arith.constant 2 : i32
      %dma_start3A_98 = arith.constant 256 : i32
      %dma_start3A_99 = arith.constant 0 : i32
      %dma_start3A_100 = tpu.memref_slice %arg13[%dma_start3A_98, %dma_start3A_99] : memref<1024x16xf32, #tpu.memory_space<vmem>> -> memref<128x16xf32, #tpu.memory_space<vmem>>
      %dma_start3A_101 = arith.constant 0 : i32
      %dma_start3A_102 = tpu.memref_slice %arg11[%dma_start3A_97, %dma_start3A_101] : memref<8x128xi32, #tpu.memory_space<vmem>> -> memref<1x128xi32, #tpu.memory_space<vmem>>
      %dma_start3A_103 = tpu.memref_squeeze %dma_start3A_102 : memref<1x128xi32, #tpu.memory_space<vmem>> -> memref<128xi32, #tpu.memory_space<vmem>>
      %dma_start3A_104 = arith.constant 0 : i32
      %dma_start3A_105 = arith.constant 0 : i32
      %dma_start3A_106 = tpu.memref_slice %arg5[%dma_start3A_104, %dma_start3A_105] : memref<10240x16xf32, #tpu.memory_space<hbm>> -> memref<10240x16xf32, #tpu.memory_space<hbm>>
      tpu.enqueue_indirect_dma source(%dma_start3A_106 : memref<10240x16xf32, #tpu.memory_space<hbm>>) target(%dma_start3A_100 : memref<128x16xf32, #tpu.memory_space<vmem>>) offsets(%dma_start3A_103 : memref<128xi32, #tpu.memory_space<vmem>>) semaphore(%arg18 : memref<!tpu.dma_semaphore, #tpu.memory_space<semaphore_mem>>)
      %dma_start3A_107 = arith.constant 3 : i32
      %dma_start3A_108 = arith.constant 384 : i32
      %dma_start3A_109 = arith.constant 0 : i32
      %dma_start3A_110 = tpu.memref_slice %arg12[%dma_start3A_108, %dma_start3A_109] : memref<1024x16xf32, #tpu.memory_space<vmem>> -> memref<128x16xf32, #tpu.memory_space<vmem>>
      %dma_start3A_111 = arith.constant 0 : i32
      %dma_start3A_112 = tpu.memref_slice %arg10[%dma_start3A_107, %dma_start3A_111] : memref<8x128xi32, #tpu.memory_space<vmem>> -> memref<1x128xi32, #tpu.memory_space<vmem>>
      %dma_start3A_113 = tpu.memref_squeeze %dma_start3A_112 : memref<1x128xi32, #tpu.memory_space<vmem>> -> memref<128xi32, #tpu.memory_space<vmem>>
      %dma_start3A_114 = arith.constant 0 : i32
      %dma_start3A_115 = arith.constant 0 : i32
      %dma_start3A_116 = tpu.memref_slice %arg4[%dma_start3A_114, %dma_start3A_115] : memref<10240x16xf32, #tpu.memory_space<hbm>> -> memref<10240x16xf32, #tpu.memory_space<hbm>>
      tpu.enqueue_indirect_dma source(%dma_start3A_116 : memref<10240x16xf32, #tpu.memory_space<hbm>>) target(%dma_start3A_110 : memref<128x16xf32, #tpu.memory_space<vmem>>) offsets(%dma_start3A_113 : memref<128xi32, #tpu.memory_space<vmem>>) semaphore(%arg18 : memref<!tpu.dma_semaphore, #tpu.memory_space<semaphore_mem>>)
      %dma_start3A_117 = arith.constant 3 : i32
      %dma_start3A_118 = arith.constant 384 : i32
      %dma_start3A_119 = arith.constant 0 : i32
      %dma_start3A_120 = tpu.memref_slice %arg13[%dma_start3A_118, %dma_start3A_119] : memref<1024x16xf32, #tpu.memory_space<vmem>> -> memref<128x16xf32, #tpu.memory_space<vmem>>
      %dma_start3A_121 = arith.constant 0 : i32
      %dma_start3A_122 = tpu.memref_slice %arg11[%dma_start3A_117, %dma_start3A_121] : memref<8x128xi32, #tpu.memory_space<vmem>> -> memref<1x128xi32, #tpu.memory_space<vmem>>
      %dma_start3A_123 = tpu.memref_squeeze %dma_start3A_122 : memref<1x128xi32, #tpu.memory_space<vmem>> -> memref<128xi32, #tpu.memory_space<vmem>>
      %dma_start3A_124 = arith.constant 0 : i32
      %dma_start3A_125 = arith.constant 0 : i32
      %dma_start3A_126 = tpu.memref_slice %arg5[%dma_start3A_124, %dma_start3A_125] : memref<10240x16xf32, #tpu.memory_space<hbm>> -> memref<10240x16xf32, #tpu.memory_space<hbm>>
      tpu.enqueue_indirect_dma source(%dma_start3A_126 : memref<10240x16xf32, #tpu.memory_space<hbm>>) target(%dma_start3A_120 : memref<128x16xf32, #tpu.memory_space<vmem>>) offsets(%dma_start3A_123 : memref<128xi32, #tpu.memory_space<vmem>>) semaphore(%arg18 : memref<!tpu.dma_semaphore, #tpu.memory_space<semaphore_mem>>)
      %dma_start3A_127 = arith.constant 4 : i32
      %dma_start3A_128 = arith.constant 512 : i32
      %dma_start3A_129 = arith.constant 0 : i32
      %dma_start3A_130 = tpu.memref_slice %arg12[%dma_start3A_128, %dma_start3A_129] : memref<1024x16xf32, #tpu.memory_space<vmem>> -> memref<128x16xf32, #tpu.memory_space<vmem>>
      %dma_start3A_131 = arith.constant 0 : i32
      %dma_start3A_132 = tpu.memref_slice %arg10[%dma_start3A_127, %dma_start3A_131] : memref<8x128xi32, #tpu.memory_space<vmem>> -> memref<1x128xi32, #tpu.memory_space<vmem>>
      %dma_start3A_133 = tpu.memref_squeeze %dma_start3A_132 : memref<1x128xi32, #tpu.memory_space<vmem>> -> memref<128xi32, #tpu.memory_space<vmem>>
      %dma_start3A_134 = arith.constant 0 : i32
      %dma_start3A_135 = arith.constant 0 : i32
      %dma_start3A_136 = tpu.memref_slice %arg4[%dma_start3A_134, %dma_start3A_135] : memref<10240x16xf32, #tpu.memory_space<hbm>> -> memref<10240x16xf32, #tpu.memory_space<hbm>>
      tpu.enqueue_indirect_dma source(%dma_start3A_136 : memref<10240x16xf32, #tpu.memory_space<hbm>>) target(%dma_start3A_130 : memref<128x16xf32, #tpu.memory_space<vmem>>) offsets(%dma_start3A_133 : memref<128xi32, #tpu.memory_space<vmem>>) semaphore(%arg18 : memref<!tpu.dma_semaphore, #tpu.memory_space<semaphore_mem>>)
      %dma_start3A_137 = arith.constant 4 : i32
      %dma_start3A_138 = arith.constant 512 : i32
      %dma_start3A_139 = arith.constant 0 : i32
      %dma_start3A_140 = tpu.memref_slice %arg13[%dma_start3A_138, %dma_start3A_139] : memref<1024x16xf32, #tpu.memory_space<vmem>> -> memref<128x16xf32, #tpu.memory_space<vmem>>
      %dma_start3A_141 = arith.constant 0 : i32
      %dma_start3A_142 = tpu.memref_slice %arg11[%dma_start3A_137, %dma_start3A_141] : memref<8x128xi32, #tpu.memory_space<vmem>> -> memref<1x128xi32, #tpu.memory_space<vmem>>
      %dma_start3A_143 = tpu.memref_squeeze %dma_start3A_142 : memref<1x128xi32, #tpu.memory_space<vmem>> -> memref<128xi32, #tpu.memory_space<vmem>>
      %dma_start3A_144 = arith.constant 0 : i32
      %dma_start3A_145 = arith.constant 0 : i32
      %dma_start3A_146 = tpu.memref_slice %arg5[%dma_start3A_144, %dma_start3A_145] : memref<10240x16xf32, #tpu.memory_space<hbm>> -> memref<10240x16xf32, #tpu.memory_space<hbm>>
      tpu.enqueue_indirect_dma source(%dma_start3A_146 : memref<10240x16xf32, #tpu.memory_space<hbm>>) target(%dma_start3A_140 : memref<128x16xf32, #tpu.memory_space<vmem>>) offsets(%dma_start3A_143 : memref<128xi32, #tpu.memory_space<vmem>>) semaphore(%arg18 : memref<!tpu.dma_semaphore, #tpu.memory_space<semaphore_mem>>)
      %dma_start3A_147 = arith.constant 5 : i32
      %dma_start3A_148 = arith.constant 640 : i32
      %dma_start3A_149 = arith.constant 0 : i32
      %dma_start3A_150 = tpu.memref_slice %arg12[%dma_start3A_148, %dma_start3A_149] : memref<1024x16xf32, #tpu.memory_space<vmem>> -> memref<128x16xf32, #tpu.memory_space<vmem>>
      %dma_start3A_151 = arith.constant 0 : i32
      %dma_start3A_152 = tpu.memref_slice %arg10[%dma_start3A_147, %dma_start3A_151] : memref<8x128xi32, #tpu.memory_space<vmem>> -> memref<1x128xi32, #tpu.memory_space<vmem>>
      %dma_start3A_153 = tpu.memref_squeeze %dma_start3A_152 : memref<1x128xi32, #tpu.memory_space<vmem>> -> memref<128xi32, #tpu.memory_space<vmem>>
      %dma_start3A_154 = arith.constant 0 : i32
      %dma_start3A_155 = arith.constant 0 : i32
      %dma_start3A_156 = tpu.memref_slice %arg4[%dma_start3A_154, %dma_start3A_155] : memref<10240x16xf32, #tpu.memory_space<hbm>> -> memref<10240x16xf32, #tpu.memory_space<hbm>>
      tpu.enqueue_indirect_dma source(%dma_start3A_156 : memref<10240x16xf32, #tpu.memory_space<hbm>>) target(%dma_start3A_150 : memref<128x16xf32, #tpu.memory_space<vmem>>) offsets(%dma_start3A_153 : memref<128xi32, #tpu.memory_space<vmem>>) semaphore(%arg18 : memref<!tpu.dma_semaphore, #tpu.memory_space<semaphore_mem>>)
      %dma_start3A_157 = arith.constant 5 : i32
      %dma_start3A_158 = arith.constant 640 : i32
      %dma_start3A_159 = arith.constant 0 : i32
      %dma_start3A_160 = tpu.memref_slice %arg13[%dma_start3A_158, %dma_start3A_159] : memref<1024x16xf32, #tpu.memory_space<vmem>> -> memref<128x16xf32, #tpu.memory_space<vmem>>
      %dma_start3A_161 = arith.constant 0 : i32
      %dma_start3A_162 = tpu.memref_slice %arg11[%dma_start3A_157, %dma_start3A_161] : memref<8x128xi32, #tpu.memory_space<vmem>> -> memref<1x128xi32, #tpu.memory_space<vmem>>
      %dma_start3A_163 = tpu.memref_squeeze %dma_start3A_162 : memref<1x128xi32, #tpu.memory_space<vmem>> -> memref<128xi32, #tpu.memory_space<vmem>>
      %dma_start3A_164 = arith.constant 0 : i32
      %dma_start3A_165 = arith.constant 0 : i32
      %dma_start3A_166 = tpu.memref_slice %arg5[%dma_start3A_164, %dma_start3A_165] : memref<10240x16xf32, #tpu.memory_space<hbm>> -> memref<10240x16xf32, #tpu.memory_space<hbm>>
      tpu.enqueue_indirect_dma source(%dma_start3A_166 : memref<10240x16xf32, #tpu.memory_space<hbm>>) target(%dma_start3A_160 : memref<128x16xf32, #tpu.memory_space<vmem>>) offsets(%dma_start3A_163 : memref<128xi32, #tpu.memory_space<vmem>>) semaphore(%arg18 : memref<!tpu.dma_semaphore, #tpu.memory_space<semaphore_mem>>)
      %dma_start3A_167 = arith.constant 6 : i32
      %dma_start3A_168 = arith.constant 768 : i32
      %dma_start3A_169 = arith.constant 0 : i32
      %dma_start3A_170 = tpu.memref_slice %arg12[%dma_start3A_168, %dma_start3A_169] : memref<1024x16xf32, #tpu.memory_space<vmem>> -> memref<128x16xf32, #tpu.memory_space<vmem>>
      %dma_start3A_171 = arith.constant 0 : i32
      %dma_start3A_172 = tpu.memref_slice %arg10[%dma_start3A_167, %dma_start3A_171] : memref<8x128xi32, #tpu.memory_space<vmem>> -> memref<1x128xi32, #tpu.memory_space<vmem>>
      %dma_start3A_173 = tpu.memref_squeeze %dma_start3A_172 : memref<1x128xi32, #tpu.memory_space<vmem>> -> memref<128xi32, #tpu.memory_space<vmem>>
      %dma_start3A_174 = arith.constant 0 : i32
      %dma_start3A_175 = arith.constant 0 : i32
      %dma_start3A_176 = tpu.memref_slice %arg4[%dma_start3A_174, %dma_start3A_175] : memref<10240x16xf32, #tpu.memory_space<hbm>> -> memref<10240x16xf32, #tpu.memory_space<hbm>>
      tpu.enqueue_indirect_dma source(%dma_start3A_176 : memref<10240x16xf32, #tpu.memory_space<hbm>>) target(%dma_start3A_170 : memref<128x16xf32, #tpu.memory_space<vmem>>) offsets(%dma_start3A_173 : memref<128xi32, #tpu.memory_space<vmem>>) semaphore(%arg18 : memref<!tpu.dma_semaphore, #tpu.memory_space<semaphore_mem>>)
      %dma_start3A_177 = arith.constant 6 : i32
      %dma_start3A_178 = arith.constant 768 : i32
      %dma_start3A_179 = arith.constant 0 : i32
      %dma_start3A_180 = tpu.memref_slice %arg13[%dma_start3A_178, %dma_start3A_179] : memref<1024x16xf32, #tpu.memory_space<vmem>> -> memref<128x16xf32, #tpu.memory_space<vmem>>
      %dma_start3A_181 = arith.constant 0 : i32
      %dma_start3A_182 = tpu.memref_slice %arg11[%dma_start3A_177, %dma_start3A_181] : memref<8x128xi32, #tpu.memory_space<vmem>> -> memref<1x128xi32, #tpu.memory_space<vmem>>
      %dma_start3A_183 = tpu.memref_squeeze %dma_start3A_182 : memref<1x128xi32, #tpu.memory_space<vmem>> -> memref<128xi32, #tpu.memory_space<vmem>>
      %dma_start3A_184 = arith.constant 0 : i32
      %dma_start3A_185 = arith.constant 0 : i32
      %dma_start3A_186 = tpu.memref_slice %arg5[%dma_start3A_184, %dma_start3A_185] : memref<10240x16xf32, #tpu.memory_space<hbm>> -> memref<10240x16xf32, #tpu.memory_space<hbm>>
      tpu.enqueue_indirect_dma source(%dma_start3A_186 : memref<10240x16xf32, #tpu.memory_space<hbm>>) target(%dma_start3A_180 : memref<128x16xf32, #tpu.memory_space<vmem>>) offsets(%dma_start3A_183 : memref<128xi32, #tpu.memory_space<vmem>>) semaphore(%arg18 : memref<!tpu.dma_semaphore, #tpu.memory_space<semaphore_mem>>)
      %dma_start3A_187 = arith.constant 7 : i32
      %dma_start3A_188 = arith.constant 896 : i32
      %dma_start3A_189 = arith.constant 0 : i32
      %dma_start3A_190 = tpu.memref_slice %arg12[%dma_start3A_188, %dma_start3A_189] : memref<1024x16xf32, #tpu.memory_space<vmem>> -> memref<128x16xf32, #tpu.memory_space<vmem>>
      %dma_start3A_191 = arith.constant 0 : i32
      %dma_start3A_192 = tpu.memref_slice %arg10[%dma_start3A_187, %dma_start3A_191] : memref<8x128xi32, #tpu.memory_space<vmem>> -> memref<1x128xi32, #tpu.memory_space<vmem>>
      %dma_start3A_193 = tpu.memref_squeeze %dma_start3A_192 : memref<1x128xi32, #tpu.memory_space<vmem>> -> memref<128xi32, #tpu.memory_space<vmem>>
      %dma_start3A_194 = arith.constant 0 : i32
      %dma_start3A_195 = arith.constant 0 : i32
      %dma_start3A_196 = tpu.memref_slice %arg4[%dma_start3A_194, %dma_start3A_195] : memref<10240x16xf32, #tpu.memory_space<hbm>> -> memref<10240x16xf32, #tpu.memory_space<hbm>>
      tpu.enqueue_indirect_dma source(%dma_start3A_196 : memref<10240x16xf32, #tpu.memory_space<hbm>>) target(%dma_start3A_190 : memref<128x16xf32, #tpu.memory_space<vmem>>) offsets(%dma_start3A_193 : memref<128xi32, #tpu.memory_space<vmem>>) semaphore(%arg18 : memref<!tpu.dma_semaphore, #tpu.memory_space<semaphore_mem>>)
      %dma_start3A_197 = arith.constant 7 : i32
      %dma_start3A_198 = arith.constant 896 : i32
      %dma_start3A_199 = arith.constant 0 : i32
      %dma_start3A_200 = tpu.memref_slice %arg13[%dma_start3A_198, %dma_start3A_199] : memref<1024x16xf32, #tpu.memory_space<vmem>> -> memref<128x16xf32, #tpu.memory_space<vmem>>
      %dma_start3A_201 = arith.constant 0 : i32
      %dma_start3A_202 = tpu.memref_slice %arg11[%dma_start3A_197, %dma_start3A_201] : memref<8x128xi32, #tpu.memory_space<vmem>> -> memref<1x128xi32, #tpu.memory_space<vmem>>
      %dma_start3A_203 = tpu.memref_squeeze %dma_start3A_202 : memref<1x128xi32, #tpu.memory_space<vmem>> -> memref<128xi32, #tpu.memory_space<vmem>>
      %dma_start3A_204 = arith.constant 0 : i32
      %dma_start3A_205 = arith.constant 0 : i32
      %dma_start3A_206 = tpu.memref_slice %arg5[%dma_start3A_204, %dma_start3A_205] : memref<10240x16xf32, #tpu.memory_space<hbm>> -> memref<10240x16xf32, #tpu.memory_space<hbm>>
      tpu.enqueue_indirect_dma source(%dma_start3A_206 : memref<10240x16xf32, #tpu.memory_space<hbm>>) target(%dma_start3A_200 : memref<128x16xf32, #tpu.memory_space<vmem>>) offsets(%dma_start3A_203 : memref<128xi32, #tpu.memory_space<vmem>>) semaphore(%arg18 : memref<!tpu.dma_semaphore, #tpu.memory_space<semaphore_mem>>)
      %dma_wait3A = arith.constant 0 : i32
      %dma_wait3A_207 = arith.constant 0 : i32
      %dma_wait3A_208 = arith.constant 0 : i32
      %dma_wait3A_209 = tpu.memref_slice %arg12[%dma_wait3A_207, %dma_wait3A_208] : memref<1024x16xf32, #tpu.memory_space<vmem>> -> memref<128x16xf32, #tpu.memory_space<vmem>>
      %dma_wait3A_210 = arith.constant 0 : i32
      %dma_wait3A_211 = tpu.memref_slice %arg10[%dma_wait3A, %dma_wait3A_210] : memref<8x128xi32, #tpu.memory_space<vmem>> -> memref<1x128xi32, #tpu.memory_space<vmem>>
      %dma_wait3A_212 = tpu.memref_squeeze %dma_wait3A_211 : memref<1x128xi32, #tpu.memory_space<vmem>> -> memref<128xi32, #tpu.memory_space<vmem>>
      %dma_wait3A_213 = arith.constant 0 : i32
      %dma_wait3A_214 = arith.constant 0 : i32
      %dma_wait3A_215 = tpu.memref_slice %arg4[%dma_wait3A_213, %dma_wait3A_214] : memref<10240x16xf32, #tpu.memory_space<hbm>> -> memref<10240x16xf32, #tpu.memory_space<hbm>>
      tpu.wait_indirect_dma semaphore(%arg18 : memref<!tpu.dma_semaphore, #tpu.memory_space<semaphore_mem>>) src(%dma_wait3A_215 : memref<10240x16xf32, #tpu.memory_space<hbm>>) dst(%dma_wait3A_209 : memref<128x16xf32, #tpu.memory_space<vmem>>)
      %dma_wait3A_216 = arith.constant 0 : i32
      %dma_wait3A_217 = arith.constant 0 : i32
      %dma_wait3A_218 = arith.constant 0 : i32
      %dma_wait3A_219 = tpu.memref_slice %arg13[%dma_wait3A_217, %dma_wait3A_218] : memref<1024x16xf32, #tpu.memory_space<vmem>> -> memref<128x16xf32, #tpu.memory_space<vmem>>
      %dma_wait3A_220 = arith.constant 0 : i32
      %dma_wait3A_221 = tpu.memref_slice %arg11[%dma_wait3A_216, %dma_wait3A_220] : memref<8x128xi32, #tpu.memory_space<vmem>> -> memref<1x128xi32, #tpu.memory_space<vmem>>
      %dma_wait3A_222 = tpu.memref_squeeze %dma_wait3A_221 : memref<1x128xi32, #tpu.memory_space<vmem>> -> memref<128xi32, #tpu.memory_space<vmem>>
      %dma_wait3A_223 = arith.constant 0 : i32
      %dma_wait3A_224 = arith.constant 0 : i32
      %dma_wait3A_225 = tpu.memref_slice %arg5[%dma_wait3A_223, %dma_wait3A_224] : memref<10240x16xf32, #tpu.memory_space<hbm>> -> memref<10240x16xf32, #tpu.memory_space<hbm>>
      tpu.wait_indirect_dma semaphore(%arg18 : memref<!tpu.dma_semaphore, #tpu.memory_space<semaphore_mem>>) src(%dma_wait3A_225 : memref<10240x16xf32, #tpu.memory_space<hbm>>) dst(%dma_wait3A_219 : memref<128x16xf32, #tpu.memory_space<vmem>>)
      %dma_wait3A_226 = arith.constant 1 : i32
      %dma_wait3A_227 = arith.constant 128 : i32
      %dma_wait3A_228 = arith.constant 0 : i32
      %dma_wait3A_229 = tpu.memref_slice %arg12[%dma_wait3A_227, %dma_wait3A_228] : memref<1024x16xf32, #tpu.memory_space<vmem>> -> memref<128x16xf32, #tpu.memory_space<vmem>>
      %dma_wait3A_230 = arith.constant 0 : i32
      %dma_wait3A_231 = tpu.memref_slice %arg10[%dma_wait3A_226, %dma_wait3A_230] : memref<8x128xi32, #tpu.memory_space<vmem>> -> memref<1x128xi32, #tpu.memory_space<vmem>>
      %dma_wait3A_232 = tpu.memref_squeeze %dma_wait3A_231 : memref<1x128xi32, #tpu.memory_space<vmem>> -> memref<128xi32, #tpu.memory_space<vmem>>
      %dma_wait3A_233 = arith.constant 0 : i32
      %dma_wait3A_234 = arith.constant 0 : i32
      %dma_wait3A_235 = tpu.memref_slice %arg4[%dma_wait3A_233, %dma_wait3A_234] : memref<10240x16xf32, #tpu.memory_space<hbm>> -> memref<10240x16xf32, #tpu.memory_space<hbm>>
      tpu.wait_indirect_dma semaphore(%arg18 : memref<!tpu.dma_semaphore, #tpu.memory_space<semaphore_mem>>) src(%dma_wait3A_235 : memref<10240x16xf32, #tpu.memory_space<hbm>>) dst(%dma_wait3A_229 : memref<128x16xf32, #tpu.memory_space<vmem>>)
      %dma_wait3A_236 = arith.constant 1 : i32
      %dma_wait3A_237 = arith.constant 128 : i32
      %dma_wait3A_238 = arith.constant 0 : i32
      %dma_wait3A_239 = tpu.memref_slice %arg13[%dma_wait3A_237, %dma_wait3A_238] : memref<1024x16xf32, #tpu.memory_space<vmem>> -> memref<128x16xf32, #tpu.memory_space<vmem>>
      %dma_wait3A_240 = arith.constant 0 : i32
      %dma_wait3A_241 = tpu.memref_slice %arg11[%dma_wait3A_236, %dma_wait3A_240] : memref<8x128xi32, #tpu.memory_space<vmem>> -> memref<1x128xi32, #tpu.memory_space<vmem>>
      %dma_wait3A_242 = tpu.memref_squeeze %dma_wait3A_241 : memref<1x128xi32, #tpu.memory_space<vmem>> -> memref<128xi32, #tpu.memory_space<vmem>>
      %dma_wait3A_243 = arith.constant 0 : i32
      %dma_wait3A_244 = arith.constant 0 : i32
      %dma_wait3A_245 = tpu.memref_slice %arg5[%dma_wait3A_243, %dma_wait3A_244] : memref<10240x16xf32, #tpu.memory_space<hbm>> -> memref<10240x16xf32, #tpu.memory_space<hbm>>
      tpu.wait_indirect_dma semaphore(%arg18 : memref<!tpu.dma_semaphore, #tpu.memory_space<semaphore_mem>>) src(%dma_wait3A_245 : memref<10240x16xf32, #tpu.memory_space<hbm>>) dst(%dma_wait3A_239 : memref<128x16xf32, #tpu.memory_space<vmem>>)
      %dma_wait3A_246 = arith.constant 2 : i32
      %dma_wait3A_247 = arith.constant 256 : i32
      %dma_wait3A_248 = arith.constant 0 : i32
      %dma_wait3A_249 = tpu.memref_slice %arg12[%dma_wait3A_247, %dma_wait3A_248] : memref<1024x16xf32, #tpu.memory_space<vmem>> -> memref<128x16xf32, #tpu.memory_space<vmem>>
      %dma_wait3A_250 = arith.constant 0 : i32
      %dma_wait3A_251 = tpu.memref_slice %arg10[%dma_wait3A_246, %dma_wait3A_250] : memref<8x128xi32, #tpu.memory_space<vmem>> -> memref<1x128xi32, #tpu.memory_space<vmem>>
      %dma_wait3A_252 = tpu.memref_squeeze %dma_wait3A_251 : memref<1x128xi32, #tpu.memory_space<vmem>> -> memref<128xi32, #tpu.memory_space<vmem>>
      %dma_wait3A_253 = arith.constant 0 : i32
      %dma_wait3A_254 = arith.constant 0 : i32
      %dma_wait3A_255 = tpu.memref_slice %arg4[%dma_wait3A_253, %dma_wait3A_254] : memref<10240x16xf32, #tpu.memory_space<hbm>> -> memref<10240x16xf32, #tpu.memory_space<hbm>>
      tpu.wait_indirect_dma semaphore(%arg18 : memref<!tpu.dma_semaphore, #tpu.memory_space<semaphore_mem>>) src(%dma_wait3A_255 : memref<10240x16xf32, #tpu.memory_space<hbm>>) dst(%dma_wait3A_249 : memref<128x16xf32, #tpu.memory_space<vmem>>)
      %dma_wait3A_256 = arith.constant 2 : i32
      %dma_wait3A_257 = arith.constant 256 : i32
      %dma_wait3A_258 = arith.constant 0 : i32
      %dma_wait3A_259 = tpu.memref_slice %arg13[%dma_wait3A_257, %dma_wait3A_258] : memref<1024x16xf32, #tpu.memory_space<vmem>> -> memref<128x16xf32, #tpu.memory_space<vmem>>
      %dma_wait3A_260 = arith.constant 0 : i32
      %dma_wait3A_261 = tpu.memref_slice %arg11[%dma_wait3A_256, %dma_wait3A_260] : memref<8x128xi32, #tpu.memory_space<vmem>> -> memref<1x128xi32, #tpu.memory_space<vmem>>
      %dma_wait3A_262 = tpu.memref_squeeze %dma_wait3A_261 : memref<1x128xi32, #tpu.memory_space<vmem>> -> memref<128xi32, #tpu.memory_space<vmem>>
      %dma_wait3A_263 = arith.constant 0 : i32
      %dma_wait3A_264 = arith.constant 0 : i32
      %dma_wait3A_265 = tpu.memref_slice %arg5[%dma_wait3A_263, %dma_wait3A_264] : memref<10240x16xf32, #tpu.memory_space<hbm>> -> memref<10240x16xf32, #tpu.memory_space<hbm>>
      tpu.wait_indirect_dma semaphore(%arg18 : memref<!tpu.dma_semaphore, #tpu.memory_space<semaphore_mem>>) src(%dma_wait3A_265 : memref<10240x16xf32, #tpu.memory_space<hbm>>) dst(%dma_wait3A_259 : memref<128x16xf32, #tpu.memory_space<vmem>>)
      %dma_wait3A_266 = arith.constant 3 : i32
      %dma_wait3A_267 = arith.constant 384 : i32
      %dma_wait3A_268 = arith.constant 0 : i32
      %dma_wait3A_269 = tpu.memref_slice %arg12[%dma_wait3A_267, %dma_wait3A_268] : memref<1024x16xf32, #tpu.memory_space<vmem>> -> memref<128x16xf32, #tpu.memory_space<vmem>>
      %dma_wait3A_270 = arith.constant 0 : i32
      %dma_wait3A_271 = tpu.memref_slice %arg10[%dma_wait3A_266, %dma_wait3A_270] : memref<8x128xi32, #tpu.memory_space<vmem>> -> memref<1x128xi32, #tpu.memory_space<vmem>>
      %dma_wait3A_272 = tpu.memref_squeeze %dma_wait3A_271 : memref<1x128xi32, #tpu.memory_space<vmem>> -> memref<128xi32, #tpu.memory_space<vmem>>
      %dma_wait3A_273 = arith.constant 0 : i32
      %dma_wait3A_274 = arith.constant 0 : i32
      %dma_wait3A_275 = tpu.memref_slice %arg4[%dma_wait3A_273, %dma_wait3A_274] : memref<10240x16xf32, #tpu.memory_space<hbm>> -> memref<10240x16xf32, #tpu.memory_space<hbm>>
      tpu.wait_indirect_dma semaphore(%arg18 : memref<!tpu.dma_semaphore, #tpu.memory_space<semaphore_mem>>) src(%dma_wait3A_275 : memref<10240x16xf32, #tpu.memory_space<hbm>>) dst(%dma_wait3A_269 : memref<128x16xf32, #tpu.memory_space<vmem>>)
      %dma_wait3A_276 = arith.constant 3 : i32
      %dma_wait3A_277 = arith.constant 384 : i32
      %dma_wait3A_278 = arith.constant 0 : i32
      %dma_wait3A_279 = tpu.memref_slice %arg13[%dma_wait3A_277, %dma_wait3A_278] : memref<1024x16xf32, #tpu.memory_space<vmem>> -> memref<128x16xf32, #tpu.memory_space<vmem>>
      %dma_wait3A_280 = arith.constant 0 : i32
      %dma_wait3A_281 = tpu.memref_slice %arg11[%dma_wait3A_276, %dma_wait3A_280] : memref<8x128xi32, #tpu.memory_space<vmem>> -> memref<1x128xi32, #tpu.memory_space<vmem>>
      %dma_wait3A_282 = tpu.memref_squeeze %dma_wait3A_281 : memref<1x128xi32, #tpu.memory_space<vmem>> -> memref<128xi32, #tpu.memory_space<vmem>>
      %dma_wait3A_283 = arith.constant 0 : i32
      %dma_wait3A_284 = arith.constant 0 : i32
      %dma_wait3A_285 = tpu.memref_slice %arg5[%dma_wait3A_283, %dma_wait3A_284] : memref<10240x16xf32, #tpu.memory_space<hbm>> -> memref<10240x16xf32, #tpu.memory_space<hbm>>
      tpu.wait_indirect_dma semaphore(%arg18 : memref<!tpu.dma_semaphore, #tpu.memory_space<semaphore_mem>>) src(%dma_wait3A_285 : memref<10240x16xf32, #tpu.memory_space<hbm>>) dst(%dma_wait3A_279 : memref<128x16xf32, #tpu.memory_space<vmem>>)
      %dma_wait3A_286 = arith.constant 4 : i32
      %dma_wait3A_287 = arith.constant 512 : i32
      %dma_wait3A_288 = arith.constant 0 : i32
      %dma_wait3A_289 = tpu.memref_slice %arg12[%dma_wait3A_287, %dma_wait3A_288] : memref<1024x16xf32, #tpu.memory_space<vmem>> -> memref<128x16xf32, #tpu.memory_space<vmem>>
      %dma_wait3A_290 = arith.constant 0 : i32
      %dma_wait3A_291 = tpu.memref_slice %arg10[%dma_wait3A_286, %dma_wait3A_290] : memref<8x128xi32, #tpu.memory_space<vmem>> -> memref<1x128xi32, #tpu.memory_space<vmem>>
      %dma_wait3A_292 = tpu.memref_squeeze %dma_wait3A_291 : memref<1x128xi32, #tpu.memory_space<vmem>> -> memref<128xi32, #tpu.memory_space<vmem>>
      %dma_wait3A_293 = arith.constant 0 : i32
      %dma_wait3A_294 = arith.constant 0 : i32
      %dma_wait3A_295 = tpu.memref_slice %arg4[%dma_wait3A_293, %dma_wait3A_294] : memref<10240x16xf32, #tpu.memory_space<hbm>> -> memref<10240x16xf32, #tpu.memory_space<hbm>>
      tpu.wait_indirect_dma semaphore(%arg18 : memref<!tpu.dma_semaphore, #tpu.memory_space<semaphore_mem>>) src(%dma_wait3A_295 : memref<10240x16xf32, #tpu.memory_space<hbm>>) dst(%dma_wait3A_289 : memref<128x16xf32, #tpu.memory_space<vmem>>)
      %dma_wait3A_296 = arith.constant 4 : i32
      %dma_wait3A_297 = arith.constant 512 : i32
      %dma_wait3A_298 = arith.constant 0 : i32
      %dma_wait3A_299 = tpu.memref_slice %arg13[%dma_wait3A_297, %dma_wait3A_298] : memref<1024x16xf32, #tpu.memory_space<vmem>> -> memref<128x16xf32, #tpu.memory_space<vmem>>
      %dma_wait3A_300 = arith.constant 0 : i32
      %dma_wait3A_301 = tpu.memref_slice %arg11[%dma_wait3A_296, %dma_wait3A_300] : memref<8x128xi32, #tpu.memory_space<vmem>> -> memref<1x128xi32, #tpu.memory_space<vmem>>
      %dma_wait3A_302 = tpu.memref_squeeze %dma_wait3A_301 : memref<1x128xi32, #tpu.memory_space<vmem>> -> memref<128xi32, #tpu.memory_space<vmem>>
      %dma_wait3A_303 = arith.constant 0 : i32
      %dma_wait3A_304 = arith.constant 0 : i32
      %dma_wait3A_305 = tpu.memref_slice %arg5[%dma_wait3A_303, %dma_wait3A_304] : memref<10240x16xf32, #tpu.memory_space<hbm>> -> memref<10240x16xf32, #tpu.memory_space<hbm>>
      tpu.wait_indirect_dma semaphore(%arg18 : memref<!tpu.dma_semaphore, #tpu.memory_space<semaphore_mem>>) src(%dma_wait3A_305 : memref<10240x16xf32, #tpu.memory_space<hbm>>) dst(%dma_wait3A_299 : memref<128x16xf32, #tpu.memory_space<vmem>>)
      %dma_wait3A_306 = arith.constant 5 : i32
      %dma_wait3A_307 = arith.constant 640 : i32
      %dma_wait3A_308 = arith.constant 0 : i32
      %dma_wait3A_309 = tpu.memref_slice %arg12[%dma_wait3A_307, %dma_wait3A_308] : memref<1024x16xf32, #tpu.memory_space<vmem>> -> memref<128x16xf32, #tpu.memory_space<vmem>>
      %dma_wait3A_310 = arith.constant 0 : i32
      %dma_wait3A_311 = tpu.memref_slice %arg10[%dma_wait3A_306, %dma_wait3A_310] : memref<8x128xi32, #tpu.memory_space<vmem>> -> memref<1x128xi32, #tpu.memory_space<vmem>>
      %dma_wait3A_312 = tpu.memref_squeeze %dma_wait3A_311 : memref<1x128xi32, #tpu.memory_space<vmem>> -> memref<128xi32, #tpu.memory_space<vmem>>
      %dma_wait3A_313 = arith.constant 0 : i32
      %dma_wait3A_314 = arith.constant 0 : i32
      %dma_wait3A_315 = tpu.memref_slice %arg4[%dma_wait3A_313, %dma_wait3A_314] : memref<10240x16xf32, #tpu.memory_space<hbm>> -> memref<10240x16xf32, #tpu.memory_space<hbm>>
      tpu.wait_indirect_dma semaphore(%arg18 : memref<!tpu.dma_semaphore, #tpu.memory_space<semaphore_mem>>) src(%dma_wait3A_315 : memref<10240x16xf32, #tpu.memory_space<hbm>>) dst(%dma_wait3A_309 : memref<128x16xf32, #tpu.memory_space<vmem>>)
      %dma_wait3A_316 = arith.constant 5 : i32
      %dma_wait3A_317 = arith.constant 640 : i32
      %dma_wait3A_318 = arith.constant 0 : i32
      %dma_wait3A_319 = tpu.memref_slice %arg13[%dma_wait3A_317, %dma_wait3A_318] : memref<1024x16xf32, #tpu.memory_space<vmem>> -> memref<128x16xf32, #tpu.memory_space<vmem>>
      %dma_wait3A_320 = arith.constant 0 : i32
      %dma_wait3A_321 = tpu.memref_slice %arg11[%dma_wait3A_316, %dma_wait3A_320] : memref<8x128xi32, #tpu.memory_space<vmem>> -> memref<1x128xi32, #tpu.memory_space<vmem>>
      %dma_wait3A_322 = tpu.memref_squeeze %dma_wait3A_321 : memref<1x128xi32, #tpu.memory_space<vmem>> -> memref<128xi32, #tpu.memory_space<vmem>>
      %dma_wait3A_323 = arith.constant 0 : i32
      %dma_wait3A_324 = arith.constant 0 : i32
      %dma_wait3A_325 = tpu.memref_slice %arg5[%dma_wait3A_323, %dma_wait3A_324] : memref<10240x16xf32, #tpu.memory_space<hbm>> -> memref<10240x16xf32, #tpu.memory_space<hbm>>
      tpu.wait_indirect_dma semaphore(%arg18 : memref<!tpu.dma_semaphore, #tpu.memory_space<semaphore_mem>>) src(%dma_wait3A_325 : memref<10240x16xf32, #tpu.memory_space<hbm>>) dst(%dma_wait3A_319 : memref<128x16xf32, #tpu.memory_space<vmem>>)
      %dma_wait3A_326 = arith.constant 6 : i32
      %dma_wait3A_327 = arith.constant 768 : i32
      %dma_wait3A_328 = arith.constant 0 : i32
      %dma_wait3A_329 = tpu.memref_slice %arg12[%dma_wait3A_327, %dma_wait3A_328] : memref<1024x16xf32, #tpu.memory_space<vmem>> -> memref<128x16xf32, #tpu.memory_space<vmem>>
      %dma_wait3A_330 = arith.constant 0 : i32
      %dma_wait3A_331 = tpu.memref_slice %arg10[%dma_wait3A_326, %dma_wait3A_330] : memref<8x128xi32, #tpu.memory_space<vmem>> -> memref<1x128xi32, #tpu.memory_space<vmem>>
      %dma_wait3A_332 = tpu.memref_squeeze %dma_wait3A_331 : memref<1x128xi32, #tpu.memory_space<vmem>> -> memref<128xi32, #tpu.memory_space<vmem>>
      %dma_wait3A_333 = arith.constant 0 : i32
      %dma_wait3A_334 = arith.constant 0 : i32
      %dma_wait3A_335 = tpu.memref_slice %arg4[%dma_wait3A_333, %dma_wait3A_334] : memref<10240x16xf32, #tpu.memory_space<hbm>> -> memref<10240x16xf32, #tpu.memory_space<hbm>>
      tpu.wait_indirect_dma semaphore(%arg18 : memref<!tpu.dma_semaphore, #tpu.memory_space<semaphore_mem>>) src(%dma_wait3A_335 : memref<10240x16xf32, #tpu.memory_space<hbm>>) dst(%dma_wait3A_329 : memref<128x16xf32, #tpu.memory_space<vmem>>)
      %dma_wait3A_336 = arith.constant 6 : i32
      %dma_wait3A_337 = arith.constant 768 : i32
      %dma_wait3A_338 = arith.constant 0 : i32
      %dma_wait3A_339 = tpu.memref_slice %arg13[%dma_wait3A_337, %dma_wait3A_338] : memref<1024x16xf32, #tpu.memory_space<vmem>> -> memref<128x16xf32, #tpu.memory_space<vmem>>
      %dma_wait3A_340 = arith.constant 0 : i32
      %dma_wait3A_341 = tpu.memref_slice %arg11[%dma_wait3A_336, %dma_wait3A_340] : memref<8x128xi32, #tpu.memory_space<vmem>> -> memref<1x128xi32, #tpu.memory_space<vmem>>
      %dma_wait3A_342 = tpu.memref_squeeze %dma_wait3A_341 : memref<1x128xi32, #tpu.memory_space<vmem>> -> memref<128xi32, #tpu.memory_space<vmem>>
      %dma_wait3A_343 = arith.constant 0 : i32
      %dma_wait3A_344 = arith.constant 0 : i32
      %dma_wait3A_345 = tpu.memref_slice %arg5[%dma_wait3A_343, %dma_wait3A_344] : memref<10240x16xf32, #tpu.memory_space<hbm>> -> memref<10240x16xf32, #tpu.memory_space<hbm>>
      tpu.wait_indirect_dma semaphore(%arg18 : memref<!tpu.dma_semaphore, #tpu.memory_space<semaphore_mem>>) src(%dma_wait3A_345 : memref<10240x16xf32, #tpu.memory_space<hbm>>) dst(%dma_wait3A_339 : memref<128x16xf32, #tpu.memory_space<vmem>>)
      %dma_wait3A_346 = arith.constant 7 : i32
      %dma_wait3A_347 = arith.constant 896 : i32
      %dma_wait3A_348 = arith.constant 0 : i32
      %dma_wait3A_349 = tpu.memref_slice %arg12[%dma_wait3A_347, %dma_wait3A_348] : memref<1024x16xf32, #tpu.memory_space<vmem>> -> memref<128x16xf32, #tpu.memory_space<vmem>>
      %dma_wait3A_350 = arith.constant 0 : i32
      %dma_wait3A_351 = tpu.memref_slice %arg10[%dma_wait3A_346, %dma_wait3A_350] : memref<8x128xi32, #tpu.memory_space<vmem>> -> memref<1x128xi32, #tpu.memory_space<vmem>>
      %dma_wait3A_352 = tpu.memref_squeeze %dma_wait3A_351 : memref<1x128xi32, #tpu.memory_space<vmem>> -> memref<128xi32, #tpu.memory_space<vmem>>
      %dma_wait3A_353 = arith.constant 0 : i32
      %dma_wait3A_354 = arith.constant 0 : i32
      %dma_wait3A_355 = tpu.memref_slice %arg4[%dma_wait3A_353, %dma_wait3A_354] : memref<10240x16xf32, #tpu.memory_space<hbm>> -> memref<10240x16xf32, #tpu.memory_space<hbm>>
      tpu.wait_indirect_dma semaphore(%arg18 : memref<!tpu.dma_semaphore, #tpu.memory_space<semaphore_mem>>) src(%dma_wait3A_355 : memref<10240x16xf32, #tpu.memory_space<hbm>>) dst(%dma_wait3A_349 : memref<128x16xf32, #tpu.memory_space<vmem>>)
      %dma_wait3A_356 = arith.constant 7 : i32
      %dma_wait3A_357 = arith.constant 896 : i32
      %dma_wait3A_358 = arith.constant 0 : i32
      %dma_wait3A_359 = tpu.memref_slice %arg13[%dma_wait3A_357, %dma_wait3A_358] : memref<1024x16xf32, #tpu.memory_space<vmem>> -> memref<128x16xf32, #tpu.memory_space<vmem>>
      %dma_wait3A_360 = arith.constant 0 : i32
      %dma_wait3A_361 = tpu.memref_slice %arg11[%dma_wait3A_356, %dma_wait3A_360] : memref<8x128xi32, #tpu.memory_space<vmem>> -> memref<1x128xi32, #tpu.memory_space<vmem>>
      %dma_wait3A_362 = tpu.memref_squeeze %dma_wait3A_361 : memref<1x128xi32, #tpu.memory_space<vmem>> -> memref<128xi32, #tpu.memory_space<vmem>>
      %dma_wait3A_363 = arith.constant 0 : i32
      %dma_wait3A_364 = arith.constant 0 : i32
      %dma_wait3A_365 = tpu.memref_slice %arg5[%dma_wait3A_363, %dma_wait3A_364] : memref<10240x16xf32, #tpu.memory_space<hbm>> -> memref<10240x16xf32, #tpu.memory_space<hbm>>
      tpu.wait_indirect_dma semaphore(%arg18 : memref<!tpu.dma_semaphore, #tpu.memory_space<semaphore_mem>>) src(%dma_wait3A_365 : memref<10240x16xf32, #tpu.memory_space<hbm>>) dst(%dma_wait3A_359 : memref<128x16xf32, #tpu.memory_space<vmem>>)
      %scan3A_366 = arith.constant 0 : i32
      %scan3A_367 = arith.constant 0 : i32
      %scan3A_368 = arith.constant 1024 : i32
      %scan3A_369 = arith.addi %scan3A_367, %scan3A_368 : i32
      %scan3A_370 = arith.constant 1 : i32
      scf.for %scan3A_381 = %scan3A_367 to %scan3A_369 step %scan3A_370  : i32 {
        %get3A_382 = arith.index_cast %scan3A_381 : i32 to index
        %get3A_383 = arith.constant 0 : index
        %get3A_384 = tpu.vector_load %arg12[%get3A_382, %get3A_383] {strides = array<i32>} : memref<1024x16xf32, #tpu.memory_space<vmem>>, vector<1x16xf32>,
        %get3A_385 = vector.shape_cast %get3A_384 : vector<1x16xf32> to vector<16xf32>
        %get3A_386 = arith.index_cast %scan3A_381 : i32 to index
        %get3A_387 = arith.constant 0 : index
        %get3A_388 = tpu.vector_load %arg13[%get3A_386, %get3A_387] {strides = array<i32>} : memref<1024x16xf32, #tpu.memory_space<vmem>>, vector<1x16xf32>,
        %get3A_389 = vector.shape_cast %get3A_388 : vector<1x16xf32> to vector<16xf32>
        %add3A_390 = arith.addf %get3A_385, %get3A_389 : vector<16xf32>
        %ge3A = arith.constant 0.000000e+00 : f32
        %ge3A_391 = vector.broadcast %ge3A : f32 to vector<16xf32>
        %ge3A_392 = arith.cmpf oge, %add3A_390, %ge3A_391 : vector<16xf32>
        %mul3A_393 = arith.constant 2.000000e-01 : f32
        %mul3A_394 = vector.broadcast %mul3A_393 : f32 to vector<16xf32>
        %mul3A_395 = arith.mulf %mul3A_394, %add3A_390 : vector<16xf32>
        %select_n3A = arith.select %ge3A_392, %add3A_390, %mul3A_395 : vector<16xi1>, vector<16xf32>
        %sub3A = arith.subf %select_n3A, %max3A_20 : vector<16xf32>
        %exp3A = math.exp %sub3A : vector<16xf32>
        %jit3A = arith.constant 0.000000e+00 : f32
        %broadcast_in_dim3A_396 = vector.broadcast %jit3A : f32 to vector<16xf32>
        %select_n3A_397 = arith.select %lt3A_22, %exp3A, %broadcast_in_dim3A_396 : vector<16xi1>, vector<16xf32>
        %swap3A = arith.index_cast %scan3A_381 : i32 to index
        %swap3A_398 = arith.constant 0 : index
        %swap3A_399 = tpu.vector_load %arg14[%swap3A, %swap3A_398] {strides = array<i32>} : memref<1024x16xf32, #tpu.memory_space<vmem>>, vector<1x16xf32>,
        %swap3A_400 = vector.shape_cast %swap3A_399 : vector<1x16xf32> to vector<16xf32>
        %swap3A_401 = vector.shape_cast %select_n3A_397 : vector<16xf32> to vector<1x16xf32>
        tpu.vector_store %arg14[%swap3A, %swap3A_398], %swap3A_401 {strides = array<i32>} : memref<1024x16xf32, #tpu.memory_space<vmem>>, vector<1x16xf32>,
      }
      %scan3A_371 = arith.constant 1024 : i32
      %run_scoped3A = arith.constant 0 : i32
      "tpu.region"() ({
        %run_scoped3A_381 = tpu.sem_alloc : memref<!tpu.dma_semaphore, #tpu.memory_space<semaphore_mem>>
        %dma_start3A_382 = arith.constant 0 : i32
        %dma_start3A_383 = arith.constant 0 : i32
        %dma_start3A_384 = tpu.memref_slice %arg14[%dma_start3A_382, %dma_start3A_383] : memref<1024x16xf32, #tpu.memory_space<vmem>> -> memref<128x16xf32, #tpu.memory_space<vmem>>
        %dma_start3A_385 = arith.constant 0 : i32
        %dma_start3A_386 = tpu.memref_slice %arg11[%run_scoped3A, %dma_start3A_385] : memref<8x128xi32, #tpu.memory_space<vmem>> -> memref<1x128xi32, #tpu.memory_space<vmem>>
        %dma_start3A_387 = tpu.memref_squeeze %dma_start3A_386 : memref<1x128xi32, #tpu.memory_space<vmem>> -> memref<128xi32, #tpu.memory_space<vmem>>
        %dma_start3A_388 = arith.constant 0 : i32
        %dma_start3A_389 = arith.constant 0 : i32
        %dma_start3A_390 = tpu.memref_slice %arg17[%dma_start3A_388, %dma_start3A_389] : memref<10240x16xf32, #tpu.memory_space<vmem_shared>> -> memref<10240x16xf32, #tpu.memory_space<vmem_shared>>
        tpu.enqueue_indirect_dma source(%dma_start3A_384 : memref<128x16xf32, #tpu.memory_space<vmem>>) target(%dma_start3A_390 : memref<10240x16xf32, #tpu.memory_space<vmem_shared>>) offsets(%dma_start3A_387 : memref<128xi32, #tpu.memory_space<vmem>>) semaphore(%run_scoped3A_381 : memref<!tpu.dma_semaphore, #tpu.memory_space<semaphore_mem>>) {add = true}
        %dma_wait3A_391 = arith.constant 0 : i32
        %dma_wait3A_392 = arith.constant 0 : i32
        %dma_wait3A_393 = tpu.memref_slice %arg14[%dma_wait3A_391, %dma_wait3A_392] : memref<1024x16xf32, #tpu.memory_space<vmem>> -> memref<128x16xf32, #tpu.memory_space<vmem>>
        %dma_wait3A_394 = arith.constant 0 : i32
        %dma_wait3A_395 = tpu.memref_slice %arg11[%run_scoped3A, %dma_wait3A_394] : memref<8x128xi32, #tpu.memory_space<vmem>> -> memref<1x128xi32, #tpu.memory_space<vmem>>
        %dma_wait3A_396 = tpu.memref_squeeze %dma_wait3A_395 : memref<1x128xi32, #tpu.memory_space<vmem>> -> memref<128xi32, #tpu.memory_space<vmem>>
        %dma_wait3A_397 = arith.constant 0 : i32
        %dma_wait3A_398 = arith.constant 0 : i32
        %dma_wait3A_399 = tpu.memref_slice %arg17[%dma_wait3A_397, %dma_wait3A_398] : memref<10240x16xf32, #tpu.memory_space<vmem_shared>> -> memref<10240x16xf32, #tpu.memory_space<vmem_shared>>
        tpu.wait_indirect_dma semaphore(%run_scoped3A_381 : memref<!tpu.dma_semaphore, #tpu.memory_space<semaphore_mem>>) src(%dma_wait3A_393 : memref<128x16xf32, #tpu.memory_space<vmem>>) dst(%dma_wait3A_399 : memref<10240x16xf32, #tpu.memory_space<vmem_shared>>)
        tpu.yield
      }) : () -> ()
      %run_scoped3A_372 = arith.constant 1 : i32
      "tpu.region"() ({
        %run_scoped3A_381 = tpu.sem_alloc : memref<!tpu.dma_semaphore, #tpu.memory_space<semaphore_mem>>
        %dma_start3A_382 = arith.constant 128 : i32
        %dma_start3A_383 = arith.constant 0 : i32
        %dma_start3A_384 = tpu.memref_slice %arg14[%dma_start3A_382, %dma_start3A_383] : memref<1024x16xf32, #tpu.memory_space<vmem>> -> memref<128x16xf32, #tpu.memory_space<vmem>>
        %dma_start3A_385 = arith.constant 0 : i32
        %dma_start3A_386 = tpu.memref_slice %arg11[%run_scoped3A_372, %dma_start3A_385] : memref<8x128xi32, #tpu.memory_space<vmem>> -> memref<1x128xi32, #tpu.memory_space<vmem>>
        %dma_start3A_387 = tpu.memref_squeeze %dma_start3A_386 : memref<1x128xi32, #tpu.memory_space<vmem>> -> memref<128xi32, #tpu.memory_space<vmem>>
        %dma_start3A_388 = arith.constant 0 : i32
        %dma_start3A_389 = arith.constant 0 : i32
        %dma_start3A_390 = tpu.memref_slice %arg17[%dma_start3A_388, %dma_start3A_389] : memref<10240x16xf32, #tpu.memory_space<vmem_shared>> -> memref<10240x16xf32, #tpu.memory_space<vmem_shared>>
        tpu.enqueue_indirect_dma source(%dma_start3A_384 : memref<128x16xf32, #tpu.memory_space<vmem>>) target(%dma_start3A_390 : memref<10240x16xf32, #tpu.memory_space<vmem_shared>>) offsets(%dma_start3A_387 : memref<128xi32, #tpu.memory_space<vmem>>) semaphore(%run_scoped3A_381 : memref<!tpu.dma_semaphore, #tpu.memory_space<semaphore_mem>>) {add = true}
        %dma_wait3A_391 = arith.constant 128 : i32
        %dma_wait3A_392 = arith.constant 0 : i32
        %dma_wait3A_393 = tpu.memref_slice %arg14[%dma_wait3A_391, %dma_wait3A_392] : memref<1024x16xf32, #tpu.memory_space<vmem>> -> memref<128x16xf32, #tpu.memory_space<vmem>>
        %dma_wait3A_394 = arith.constant 0 : i32
        %dma_wait3A_395 = tpu.memref_slice %arg11[%run_scoped3A_372, %dma_wait3A_394] : memref<8x128xi32, #tpu.memory_space<vmem>> -> memref<1x128xi32, #tpu.memory_space<vmem>>
        %dma_wait3A_396 = tpu.memref_squeeze %dma_wait3A_395 : memref<1x128xi32, #tpu.memory_space<vmem>> -> memref<128xi32, #tpu.memory_space<vmem>>
        %dma_wait3A_397 = arith.constant 0 : i32
        %dma_wait3A_398 = arith.constant 0 : i32
        %dma_wait3A_399 = tpu.memref_slice %arg17[%dma_wait3A_397, %dma_wait3A_398] : memref<10240x16xf32, #tpu.memory_space<vmem_shared>> -> memref<10240x16xf32, #tpu.memory_space<vmem_shared>>
        tpu.wait_indirect_dma semaphore(%run_scoped3A_381 : memref<!tpu.dma_semaphore, #tpu.memory_space<semaphore_mem>>) src(%dma_wait3A_393 : memref<128x16xf32, #tpu.memory_space<vmem>>) dst(%dma_wait3A_399 : memref<10240x16xf32, #tpu.memory_space<vmem_shared>>)
        tpu.yield
      }) : () -> ()
      %run_scoped3A_373 = arith.constant 2 : i32
      "tpu.region"() ({
        %run_scoped3A_381 = tpu.sem_alloc : memref<!tpu.dma_semaphore, #tpu.memory_space<semaphore_mem>>
        %dma_start3A_382 = arith.constant 256 : i32
        %dma_start3A_383 = arith.constant 0 : i32
        %dma_start3A_384 = tpu.memref_slice %arg14[%dma_start3A_382, %dma_start3A_383] : memref<1024x16xf32, #tpu.memory_space<vmem>> -> memref<128x16xf32, #tpu.memory_space<vmem>>
        %dma_start3A_385 = arith.constant 0 : i32
        %dma_start3A_386 = tpu.memref_slice %arg11[%run_scoped3A_373, %dma_start3A_385] : memref<8x128xi32, #tpu.memory_space<vmem>> -> memref<1x128xi32, #tpu.memory_space<vmem>>
        %dma_start3A_387 = tpu.memref_squeeze %dma_start3A_386 : memref<1x128xi32, #tpu.memory_space<vmem>> -> memref<128xi32, #tpu.memory_space<vmem>>
        %dma_start3A_388 = arith.constant 0 : i32
        %dma_start3A_389 = arith.constant 0 : i32
        %dma_start3A_390 = tpu.memref_slice %arg17[%dma_start3A_388, %dma_start3A_389] : memref<10240x16xf32, #tpu.memory_space<vmem_shared>> -> memref<10240x16xf32, #tpu.memory_space<vmem_shared>>
        tpu.enqueue_indirect_dma source(%dma_start3A_384 : memref<128x16xf32, #tpu.memory_space<vmem>>) target(%dma_start3A_390 : memref<10240x16xf32, #tpu.memory_space<vmem_shared>>) offsets(%dma_start3A_387 : memref<128xi32, #tpu.memory_space<vmem>>) semaphore(%run_scoped3A_381 : memref<!tpu.dma_semaphore, #tpu.memory_space<semaphore_mem>>) {add = true}
        %dma_wait3A_391 = arith.constant 256 : i32
        %dma_wait3A_392 = arith.constant 0 : i32
        %dma_wait3A_393 = tpu.memref_slice %arg14[%dma_wait3A_391, %dma_wait3A_392] : memref<1024x16xf32, #tpu.memory_space<vmem>> -> memref<128x16xf32, #tpu.memory_space<vmem>>
        %dma_wait3A_394 = arith.constant 0 : i32
        %dma_wait3A_395 = tpu.memref_slice %arg11[%run_scoped3A_373, %dma_wait3A_394] : memref<8x128xi32, #tpu.memory_space<vmem>> -> memref<1x128xi32, #tpu.memory_space<vmem>>
        %dma_wait3A_396 = tpu.memref_squeeze %dma_wait3A_395 : memref<1x128xi32, #tpu.memory_space<vmem>> -> memref<128xi32, #tpu.memory_space<vmem>>
        %dma_wait3A_397 = arith.constant 0 : i32
        %dma_wait3A_398 = arith.constant 0 : i32
        %dma_wait3A_399 = tpu.memref_slice %arg17[%dma_wait3A_397, %dma_wait3A_398] : memref<10240x16xf32, #tpu.memory_space<vmem_shared>> -> memref<10240x16xf32, #tpu.memory_space<vmem_shared>>
        tpu.wait_indirect_dma semaphore(%run_scoped3A_381 : memref<!tpu.dma_semaphore, #tpu.memory_space<semaphore_mem>>) src(%dma_wait3A_393 : memref<128x16xf32, #tpu.memory_space<vmem>>) dst(%dma_wait3A_399 : memref<10240x16xf32, #tpu.memory_space<vmem_shared>>)
        tpu.yield
      }) : () -> ()
      %run_scoped3A_374 = arith.constant 3 : i32
      "tpu.region"() ({
        %run_scoped3A_381 = tpu.sem_alloc : memref<!tpu.dma_semaphore, #tpu.memory_space<semaphore_mem>>
        %dma_start3A_382 = arith.constant 384 : i32
        %dma_start3A_383 = arith.constant 0 : i32
        %dma_start3A_384 = tpu.memref_slice %arg14[%dma_start3A_382, %dma_start3A_383] : memref<1024x16xf32, #tpu.memory_space<vmem>> -> memref<128x16xf32, #tpu.memory_space<vmem>>
        %dma_start3A_385 = arith.constant 0 : i32
        %dma_start3A_386 = tpu.memref_slice %arg11[%run_scoped3A_374, %dma_start3A_385] : memref<8x128xi32, #tpu.memory_space<vmem>> -> memref<1x128xi32, #tpu.memory_space<vmem>>
        %dma_start3A_387 = tpu.memref_squeeze %dma_start3A_386 : memref<1x128xi32, #tpu.memory_space<vmem>> -> memref<128xi32, #tpu.memory_space<vmem>>
        %dma_start3A_388 = arith.constant 0 : i32
        %dma_start3A_389 = arith.constant 0 : i32
        %dma_start3A_390 = tpu.memref_slice %arg17[%dma_start3A_388, %dma_start3A_389] : memref<10240x16xf32, #tpu.memory_space<vmem_shared>> -> memref<10240x16xf32, #tpu.memory_space<vmem_shared>>
        tpu.enqueue_indirect_dma source(%dma_start3A_384 : memref<128x16xf32, #tpu.memory_space<vmem>>) target(%dma_start3A_390 : memref<10240x16xf32, #tpu.memory_space<vmem_shared>>) offsets(%dma_start3A_387 : memref<128xi32, #tpu.memory_space<vmem>>) semaphore(%run_scoped3A_381 : memref<!tpu.dma_semaphore, #tpu.memory_space<semaphore_mem>>) {add = true}
        %dma_wait3A_391 = arith.constant 384 : i32
        %dma_wait3A_392 = arith.constant 0 : i32
        %dma_wait3A_393 = tpu.memref_slice %arg14[%dma_wait3A_391, %dma_wait3A_392] : memref<1024x16xf32, #tpu.memory_space<vmem>> -> memref<128x16xf32, #tpu.memory_space<vmem>>
        %dma_wait3A_394 = arith.constant 0 : i32
        %dma_wait3A_395 = tpu.memref_slice %arg11[%run_scoped3A_374, %dma_wait3A_394] : memref<8x128xi32, #tpu.memory_space<vmem>> -> memref<1x128xi32, #tpu.memory_space<vmem>>
        %dma_wait3A_396 = tpu.memref_squeeze %dma_wait3A_395 : memref<1x128xi32, #tpu.memory_space<vmem>> -> memref<128xi32, #tpu.memory_space<vmem>>
        %dma_wait3A_397 = arith.constant 0 : i32
        %dma_wait3A_398 = arith.constant 0 : i32
        %dma_wait3A_399 = tpu.memref_slice %arg17[%dma_wait3A_397, %dma_wait3A_398] : memref<10240x16xf32, #tpu.memory_space<vmem_shared>> -> memref<10240x16xf32, #tpu.memory_space<vmem_shared>>
        tpu.wait_indirect_dma semaphore(%run_scoped3A_381 : memref<!tpu.dma_semaphore, #tpu.memory_space<semaphore_mem>>) src(%dma_wait3A_393 : memref<128x16xf32, #tpu.memory_space<vmem>>) dst(%dma_wait3A_399 : memref<10240x16xf32, #tpu.memory_space<vmem_shared>>)
        tpu.yield
      }) : () -> ()
      %run_scoped3A_375 = arith.constant 4 : i32
      "tpu.region"() ({
        %run_scoped3A_381 = tpu.sem_alloc : memref<!tpu.dma_semaphore, #tpu.memory_space<semaphore_mem>>
        %dma_start3A_382 = arith.constant 512 : i32
        %dma_start3A_383 = arith.constant 0 : i32
        %dma_start3A_384 = tpu.memref_slice %arg14[%dma_start3A_382, %dma_start3A_383] : memref<1024x16xf32, #tpu.memory_space<vmem>> -> memref<128x16xf32, #tpu.memory_space<vmem>>
        %dma_start3A_385 = arith.constant 0 : i32
        %dma_start3A_386 = tpu.memref_slice %arg11[%run_scoped3A_375, %dma_start3A_385] : memref<8x128xi32, #tpu.memory_space<vmem>> -> memref<1x128xi32, #tpu.memory_space<vmem>>
        %dma_start3A_387 = tpu.memref_squeeze %dma_start3A_386 : memref<1x128xi32, #tpu.memory_space<vmem>> -> memref<128xi32, #tpu.memory_space<vmem>>
        %dma_start3A_388 = arith.constant 0 : i32
        %dma_start3A_389 = arith.constant 0 : i32
        %dma_start3A_390 = tpu.memref_slice %arg17[%dma_start3A_388, %dma_start3A_389] : memref<10240x16xf32, #tpu.memory_space<vmem_shared>> -> memref<10240x16xf32, #tpu.memory_space<vmem_shared>>
        tpu.enqueue_indirect_dma source(%dma_start3A_384 : memref<128x16xf32, #tpu.memory_space<vmem>>) target(%dma_start3A_390 : memref<10240x16xf32, #tpu.memory_space<vmem_shared>>) offsets(%dma_start3A_387 : memref<128xi32, #tpu.memory_space<vmem>>) semaphore(%run_scoped3A_381 : memref<!tpu.dma_semaphore, #tpu.memory_space<semaphore_mem>>) {add = true}
        %dma_wait3A_391 = arith.constant 512 : i32
        %dma_wait3A_392 = arith.constant 0 : i32
        %dma_wait3A_393 = tpu.memref_slice %arg14[%dma_wait3A_391, %dma_wait3A_392] : memref<1024x16xf32, #tpu.memory_space<vmem>> -> memref<128x16xf32, #tpu.memory_space<vmem>>
        %dma_wait3A_394 = arith.constant 0 : i32
        %dma_wait3A_395 = tpu.memref_slice %arg11[%run_scoped3A_375, %dma_wait3A_394] : memref<8x128xi32, #tpu.memory_space<vmem>> -> memref<1x128xi32, #tpu.memory_space<vmem>>
        %dma_wait3A_396 = tpu.memref_squeeze %dma_wait3A_395 : memref<1x128xi32, #tpu.memory_space<vmem>> -> memref<128xi32, #tpu.memory_space<vmem>>
        %dma_wait3A_397 = arith.constant 0 : i32
        %dma_wait3A_398 = arith.constant 0 : i32
        %dma_wait3A_399 = tpu.memref_slice %arg17[%dma_wait3A_397, %dma_wait3A_398] : memref<10240x16xf32, #tpu.memory_space<vmem_shared>> -> memref<10240x16xf32, #tpu.memory_space<vmem_shared>>
        tpu.wait_indirect_dma semaphore(%run_scoped3A_381 : memref<!tpu.dma_semaphore, #tpu.memory_space<semaphore_mem>>) src(%dma_wait3A_393 : memref<128x16xf32, #tpu.memory_space<vmem>>) dst(%dma_wait3A_399 : memref<10240x16xf32, #tpu.memory_space<vmem_shared>>)
        tpu.yield
      }) : () -> ()
      %run_scoped3A_376 = arith.constant 5 : i32
      "tpu.region"() ({
        %run_scoped3A_381 = tpu.sem_alloc : memref<!tpu.dma_semaphore, #tpu.memory_space<semaphore_mem>>
        %dma_start3A_382 = arith.constant 640 : i32
        %dma_start3A_383 = arith.constant 0 : i32
        %dma_start3A_384 = tpu.memref_slice %arg14[%dma_start3A_382, %dma_start3A_383] : memref<1024x16xf32, #tpu.memory_space<vmem>> -> memref<128x16xf32, #tpu.memory_space<vmem>>
        %dma_start3A_385 = arith.constant 0 : i32
        %dma_start3A_386 = tpu.memref_slice %arg11[%run_scoped3A_376, %dma_start3A_385] : memref<8x128xi32, #tpu.memory_space<vmem>> -> memref<1x128xi32, #tpu.memory_space<vmem>>
        %dma_start3A_387 = tpu.memref_squeeze %dma_start3A_386 : memref<1x128xi32, #tpu.memory_space<vmem>> -> memref<128xi32, #tpu.memory_space<vmem>>
        %dma_start3A_388 = arith.constant 0 : i32
        %dma_start3A_389 = arith.constant 0 : i32
        %dma_start3A_390 = tpu.memref_slice %arg17[%dma_start3A_388, %dma_start3A_389] : memref<10240x16xf32, #tpu.memory_space<vmem_shared>> -> memref<10240x16xf32, #tpu.memory_space<vmem_shared>>
        tpu.enqueue_indirect_dma source(%dma_start3A_384 : memref<128x16xf32, #tpu.memory_space<vmem>>) target(%dma_start3A_390 : memref<10240x16xf32, #tpu.memory_space<vmem_shared>>) offsets(%dma_start3A_387 : memref<128xi32, #tpu.memory_space<vmem>>) semaphore(%run_scoped3A_381 : memref<!tpu.dma_semaphore, #tpu.memory_space<semaphore_mem>>) {add = true}
        %dma_wait3A_391 = arith.constant 640 : i32
        %dma_wait3A_392 = arith.constant 0 : i32
        %dma_wait3A_393 = tpu.memref_slice %arg14[%dma_wait3A_391, %dma_wait3A_392] : memref<1024x16xf32, #tpu.memory_space<vmem>> -> memref<128x16xf32, #tpu.memory_space<vmem>>
        %dma_wait3A_394 = arith.constant 0 : i32
        %dma_wait3A_395 = tpu.memref_slice %arg11[%run_scoped3A_376, %dma_wait3A_394] : memref<8x128xi32, #tpu.memory_space<vmem>> -> memref<1x128xi32, #tpu.memory_space<vmem>>
        %dma_wait3A_396 = tpu.memref_squeeze %dma_wait3A_395 : memref<1x128xi32, #tpu.memory_space<vmem>> -> memref<128xi32, #tpu.memory_space<vmem>>
        %dma_wait3A_397 = arith.constant 0 : i32
        %dma_wait3A_398 = arith.constant 0 : i32
        %dma_wait3A_399 = tpu.memref_slice %arg17[%dma_wait3A_397, %dma_wait3A_398] : memref<10240x16xf32, #tpu.memory_space<vmem_shared>> -> memref<10240x16xf32, #tpu.memory_space<vmem_shared>>
        tpu.wait_indirect_dma semaphore(%run_scoped3A_381 : memref<!tpu.dma_semaphore, #tpu.memory_space<semaphore_mem>>) src(%dma_wait3A_393 : memref<128x16xf32, #tpu.memory_space<vmem>>) dst(%dma_wait3A_399 : memref<10240x16xf32, #tpu.memory_space<vmem_shared>>)
        tpu.yield
      }) : () -> ()
      %run_scoped3A_377 = arith.constant 6 : i32
      "tpu.region"() ({
        %run_scoped3A_381 = tpu.sem_alloc : memref<!tpu.dma_semaphore, #tpu.memory_space<semaphore_mem>>
        %dma_start3A_382 = arith.constant 768 : i32
        %dma_start3A_383 = arith.constant 0 : i32
        %dma_start3A_384 = tpu.memref_slice %arg14[%dma_start3A_382, %dma_start3A_383] : memref<1024x16xf32, #tpu.memory_space<vmem>> -> memref<128x16xf32, #tpu.memory_space<vmem>>
        %dma_start3A_385 = arith.constant 0 : i32
        %dma_start3A_386 = tpu.memref_slice %arg11[%run_scoped3A_377, %dma_start3A_385] : memref<8x128xi32, #tpu.memory_space<vmem>> -> memref<1x128xi32, #tpu.memory_space<vmem>>
        %dma_start3A_387 = tpu.memref_squeeze %dma_start3A_386 : memref<1x128xi32, #tpu.memory_space<vmem>> -> memref<128xi32, #tpu.memory_space<vmem>>
        %dma_start3A_388 = arith.constant 0 : i32
        %dma_start3A_389 = arith.constant 0 : i32
        %dma_start3A_390 = tpu.memref_slice %arg17[%dma_start3A_388, %dma_start3A_389] : memref<10240x16xf32, #tpu.memory_space<vmem_shared>> -> memref<10240x16xf32, #tpu.memory_space<vmem_shared>>
        tpu.enqueue_indirect_dma source(%dma_start3A_384 : memref<128x16xf32, #tpu.memory_space<vmem>>) target(%dma_start3A_390 : memref<10240x16xf32, #tpu.memory_space<vmem_shared>>) offsets(%dma_start3A_387 : memref<128xi32, #tpu.memory_space<vmem>>) semaphore(%run_scoped3A_381 : memref<!tpu.dma_semaphore, #tpu.memory_space<semaphore_mem>>) {add = true}
        %dma_wait3A_391 = arith.constant 768 : i32
        %dma_wait3A_392 = arith.constant 0 : i32
        %dma_wait3A_393 = tpu.memref_slice %arg14[%dma_wait3A_391, %dma_wait3A_392] : memref<1024x16xf32, #tpu.memory_space<vmem>> -> memref<128x16xf32, #tpu.memory_space<vmem>>
        %dma_wait3A_394 = arith.constant 0 : i32
        %dma_wait3A_395 = tpu.memref_slice %arg11[%run_scoped3A_377, %dma_wait3A_394] : memref<8x128xi32, #tpu.memory_space<vmem>> -> memref<1x128xi32, #tpu.memory_space<vmem>>
        %dma_wait3A_396 = tpu.memref_squeeze %dma_wait3A_395 : memref<1x128xi32, #tpu.memory_space<vmem>> -> memref<128xi32, #tpu.memory_space<vmem>>
        %dma_wait3A_397 = arith.constant 0 : i32
        %dma_wait3A_398 = arith.constant 0 : i32
        %dma_wait3A_399 = tpu.memref_slice %arg17[%dma_wait3A_397, %dma_wait3A_398] : memref<10240x16xf32, #tpu.memory_space<vmem_shared>> -> memref<10240x16xf32, #tpu.memory_space<vmem_shared>>
        tpu.wait_indirect_dma semaphore(%run_scoped3A_381 : memref<!tpu.dma_semaphore, #tpu.memory_space<semaphore_mem>>) src(%dma_wait3A_393 : memref<128x16xf32, #tpu.memory_space<vmem>>) dst(%dma_wait3A_399 : memref<10240x16xf32, #tpu.memory_space<vmem_shared>>)
        tpu.yield
      }) : () -> ()
      %run_scoped3A_378 = arith.constant 7 : i32
      "tpu.region"() ({
        %run_scoped3A_381 = tpu.sem_alloc : memref<!tpu.dma_semaphore, #tpu.memory_space<semaphore_mem>>
        %dma_start3A_382 = arith.constant 896 : i32
        %dma_start3A_383 = arith.constant 0 : i32
        %dma_start3A_384 = tpu.memref_slice %arg14[%dma_start3A_382, %dma_start3A_383] : memref<1024x16xf32, #tpu.memory_space<vmem>> -> memref<128x16xf32, #tpu.memory_space<vmem>>
        %dma_start3A_385 = arith.constant 0 : i32
        %dma_start3A_386 = tpu.memref_slice %arg11[%run_scoped3A_378, %dma_start3A_385] : memref<8x128xi32, #tpu.memory_space<vmem>> -> memref<1x128xi32, #tpu.memory_space<vmem>>
        %dma_start3A_387 = tpu.memref_squeeze %dma_start3A_386 : memref<1x128xi32, #tpu.memory_space<vmem>> -> memref<128xi32, #tpu.memory_space<vmem>>
        %dma_start3A_388 = arith.constant 0 : i32
        %dma_start3A_389 = arith.constant 0 : i32
        %dma_start3A_390 = tpu.memref_slice %arg17[%dma_start3A_388, %dma_start3A_389] : memref<10240x16xf32, #tpu.memory_space<vmem_shared>> -> memref<10240x16xf32, #tpu.memory_space<vmem_shared>>
        tpu.enqueue_indirect_dma source(%dma_start3A_384 : memref<128x16xf32, #tpu.memory_space<vmem>>) target(%dma_start3A_390 : memref<10240x16xf32, #tpu.memory_space<vmem_shared>>) offsets(%dma_start3A_387 : memref<128xi32, #tpu.memory_space<vmem>>) semaphore(%run_scoped3A_381 : memref<!tpu.dma_semaphore, #tpu.memory_space<semaphore_mem>>) {add = true}
        %dma_wait3A_391 = arith.constant 896 : i32
        %dma_wait3A_392 = arith.constant 0 : i32
        %dma_wait3A_393 = tpu.memref_slice %arg14[%dma_wait3A_391, %dma_wait3A_392] : memref<1024x16xf32, #tpu.memory_space<vmem>> -> memref<128x16xf32, #tpu.memory_space<vmem>>
        %dma_wait3A_394 = arith.constant 0 : i32
        %dma_wait3A_395 = tpu.memref_slice %arg11[%run_scoped3A_378, %dma_wait3A_394] : memref<8x128xi32, #tpu.memory_space<vmem>> -> memref<1x128xi32, #tpu.memory_space<vmem>>
        %dma_wait3A_396 = tpu.memref_squeeze %dma_wait3A_395 : memref<1x128xi32, #tpu.memory_space<vmem>> -> memref<128xi32, #tpu.memory_space<vmem>>
        %dma_wait3A_397 = arith.constant 0 : i32
        %dma_wait3A_398 = arith.constant 0 : i32
        %dma_wait3A_399 = tpu.memref_slice %arg17[%dma_wait3A_397, %dma_wait3A_398] : memref<10240x16xf32, #tpu.memory_space<vmem_shared>> -> memref<10240x16xf32, #tpu.memory_space<vmem_shared>>
        tpu.wait_indirect_dma semaphore(%run_scoped3A_381 : memref<!tpu.dma_semaphore, #tpu.memory_space<semaphore_mem>>) src(%dma_wait3A_393 : memref<128x16xf32, #tpu.memory_space<vmem>>) dst(%dma_wait3A_399 : memref<10240x16xf32, #tpu.memory_space<vmem_shared>>)
        tpu.yield
      }) : () -> ()
      %mul3A_379 = arith.constant 128 : i32
      %mul3A_380 = arith.muli %add3A_47, %mul3A_379 : i32
      "tpu.region"() ({
        %run_scoped3A_381 = tpu.sem_alloc : memref<!tpu.dma_semaphore, #tpu.memory_space<semaphore_mem>>
        %dma_start3A_382 = arith.constant 0 : i32
        %dma_start3A_383 = tpu.memref_slice %arg7[%mul3A_380, %dma_start3A_382] : memref<163840x16xf32, #tpu.memory_space<hbm>> -> memref<1024x16xf32, #tpu.memory_space<hbm>>
        %dma_start3A_384 = arith.constant 0 : i32
        %dma_start3A_385 = tpu.memref_slice %arg7[%mul3A_380, %dma_start3A_384] : memref<163840x16xf32, #tpu.memory_space<hbm>> -> memref<1024x16xf32, #tpu.memory_space<hbm>>
        tpu.enqueue_dma source(%arg14 : memref<1024x16xf32, #tpu.memory_space<vmem>>) target(%dma_start3A_385 : memref<1024x16xf32, #tpu.memory_space<hbm>>) target_semaphore(%run_scoped3A_381 : memref<!tpu.dma_semaphore, #tpu.memory_space<semaphore_mem>>)
        %dma_wait3A_386 = arith.constant 0 : i32
        %dma_wait3A_387 = tpu.memref_slice %arg7[%mul3A_380, %dma_wait3A_386] : memref<163840x16xf32, #tpu.memory_space<hbm>> -> memref<1024x16xf32, #tpu.memory_space<hbm>>
        %dma_wait3A_388 = arith.constant 0 : i32
        %dma_wait3A_389 = tpu.memref_slice %arg7[%mul3A_380, %dma_wait3A_388] : memref<163840x16xf32, #tpu.memory_space<hbm>> -> memref<1024x16xf32, #tpu.memory_space<hbm>>
        tpu.wait_dma2 semaphore(%run_scoped3A_381 : memref<!tpu.dma_semaphore, #tpu.memory_space<semaphore_mem>>) src(%arg14 : memref<1024x16xf32, #tpu.memory_space<vmem>>) dst(%dma_wait3A_389 : memref<1024x16xf32, #tpu.memory_space<hbm>>)
        tpu.yield
      }) : () -> ()
    }
    %scan3A_30 = arith.constant 5 : i32
    %barrier3A_31 = arith.constant 0 : index
    tpu.barrier barrier_id(%barrier3A_31)
    %eq3A = arith.constant 0 : i32
    %eq3A_32 = arith.cmpi eq, %arg1, %eq3A : i32
    %eq3A_33 = arith.constant 0 : i32
    %eq3A_34 = arith.cmpi eq, %arg0, %eq3A_33 : i32
    %and3A = arith.andi %eq3A_32, %eq3A_34 : i1
    %convert_element_type3A = arith.extui %and3A : i1 to i32
    %cond3A = arith.constant 0 : i32
    %cond3A_35 = arith.cmpi ne, %convert_element_type3A, %cond3A : i32
    scf.if %cond3A_35 {
      "tpu.region"() ({
        %run_scoped3A = tpu.sem_alloc : memref<!tpu.dma_semaphore, #tpu.memory_space<semaphore_mem>>
        tpu.enqueue_dma source(%arg17 : memref<10240x16xf32, #tpu.memory_space<vmem_shared>>) target(%arg8 : memref<10240x16xf32, #tpu.memory_space<hbm>>) target_semaphore(%run_scoped3A : memref<!tpu.dma_semaphore, #tpu.memory_space<semaphore_mem>>)
        tpu.wait_dma2 semaphore(%run_scoped3A : memref<!tpu.dma_semaphore, #tpu.memory_space<semaphore_mem>>) src(%arg17 : memref<10240x16xf32, #tpu.memory_space<vmem_shared>>) dst(%arg8 : memref<10240x16xf32, #tpu.memory_space<hbm>>)
        tpu.yield
      }) : () -> ()
    } else {
    }
    %eq3A_36 = arith.constant 0 : i32
    %eq3A_37 = arith.cmpi eq, %arg1, %eq3A_36 : i32
    %eq3A_38 = arith.constant 1 : i32
    %eq3A_39 = arith.cmpi eq, %arg0, %eq3A_38 : i32
    %and3A_40 = arith.andi %eq3A_37, %eq3A_39 : i1
    %convert_element_type3A_41 = arith.extui %and3A_40 : i1 to i32
    %cond3A_42 = arith.constant 0 : i32
    %cond3A_43 = arith.cmpi ne, %convert_element_type3A_41, %cond3A_42 : i32
    scf.if %cond3A_43 {
      "tpu.region"() ({
        %run_scoped3A = tpu.sem_alloc : memref<!tpu.dma_semaphore, #tpu.memory_space<semaphore_mem>>
        tpu.enqueue_dma source(%arg17 : memref<10240x16xf32, #tpu.memory_space<vmem_shared>>) target(%arg9 : memref<10240x16xf32, #tpu.memory_space<hbm>>) target_semaphore(%run_scoped3A : memref<!tpu.dma_semaphore, #tpu.memory_space<semaphore_mem>>)
        tpu.wait_dma2 semaphore(%run_scoped3A : memref<!tpu.dma_semaphore, #tpu.memory_space<semaphore_mem>>) src(%arg17 : memref<10240x16xf32, #tpu.memory_space<vmem_shared>>) dst(%arg9 : memref<10240x16xf32, #tpu.memory_space<hbm>>)
        tpu.yield
      }) : () -> ()
    } else {
    }
    return
  }
}

#map = affine_map<(d0, d1) -> (0, 0)>
module attributes {stable_mosaic.version = 14 : i64} {
  func.func @_sc_b2(%arg0: i32, %arg1: i32, %arg2: memref<1280x128xi32, #tpu.memory_space<hbm>>, %arg3: memref<1280x128xi32, #tpu.memory_space<hbm>>, %arg4: memref<163840x16xf32, #tpu.memory_space<hbm>>, %arg5: memref<10240x16xf32, #tpu.memory_space<hbm>>, %arg6: memref<10240x16xf32, #tpu.memory_space<hbm>>, %arg7: memref<10240x512xf32, #tpu.memory_space<hbm>>, %arg8: memref<10240x64xf32, #tpu.memory_space<hbm>>, %arg9: memref<10240x64xf32, #tpu.memory_space<hbm>>, %arg10: memref<1x128xi32, #tpu.memory_space<vmem>>, %arg11: memref<1x128xi32, #tpu.memory_space<vmem>>, %arg12: memref<128x512xf32, #tpu.memory_space<vmem>>, %arg13: memref<128x16xf32, #tpu.memory_space<vmem>>, %arg14: memref<128x16xf32, #tpu.memory_space<vmem>>, %arg15: memref<128x16xf32, #tpu.memory_space<vmem>>, %arg16: memref<128x16xf32, #tpu.memory_space<vmem>>, %arg17: memref<128x64xf32, #tpu.memory_space<vmem>>, %arg18: memref<64x64xf32, #tpu.memory_space<vmem>>, %arg19: memref<10240x64xf32, #tpu.memory_space<vmem_shared>>, %arg20: memref<!tpu.dma_semaphore, #tpu.memory_space<semaphore_mem>>) attributes {dimension_semantics = [#tpu.dimension_semantics<core_parallel>, #tpu.dimension_semantics<subcore_parallel>], iteration_bounds = array<i64: 2, 16>, scalar_prefetch = 0 : i64, scratch_operands = 11 : i64, tpu.core_type = #tpu.core_type<sc_vector_subcore>, window_params = [{transform_indices = #map}, {transform_indices = #map}, {transform_indices = #map}, {transform_indices = #map}, {transform_indices = #map}, {transform_indices = #map}, {transform_indices = #map}, {transform_indices = #map}]} {
    %mul3A = arith.constant 2 : i32
    %mul3A_0 = arith.muli %arg1, %mul3A : i32
    %add3A = arith.addi %mul3A_0, %arg0 : i32
    %broadcast_in_dim3A = arith.constant 0.000000e+00 : f32
    %broadcast_in_dim3A_1 = vector.broadcast %broadcast_in_dim3A : f32 to vector<16xf32>
    %scan3A = arith.constant 0 : i32
    %scan3A_2 = arith.constant 0 : i32
    %scan3A_3 = arith.constant 64 : i32
    %scan3A_4 = arith.addi %scan3A_2, %scan3A_3 : i32
    %scan3A_5 = arith.constant 1 : i32
    scf.for %scan3A_68 = %scan3A_2 to %scan3A_4 step %scan3A_5  : i32 {
      %swap3A = arith.index_cast %scan3A_68 : i32 to index
      %swap3A_69 = arith.constant 0 : index
      %swap3A_70 = tpu.vector_load %arg18[%swap3A, %swap3A_69] {strides = array<i32>} : memref<64x64xf32, #tpu.memory_space<vmem>>, vector<1x16xf32>,
      %swap3A_71 = vector.shape_cast %swap3A_70 : vector<1x16xf32> to vector<16xf32>
      %swap3A_72 = vector.shape_cast %broadcast_in_dim3A_1 : vector<16xf32> to vector<1x16xf32>
      tpu.vector_store %arg18[%swap3A, %swap3A_69], %swap3A_72 {strides = array<i32>} : memref<64x64xf32, #tpu.memory_space<vmem>>, vector<1x16xf32>,
      %swap3A_73 = arith.index_cast %scan3A_68 : i32 to index
      %swap3A_74 = arith.constant 16 : index
      %swap3A_75 = tpu.vector_load %arg18[%swap3A_73, %swap3A_74] {strides = array<i32>} : memref<64x64xf32, #tpu.memory_space<vmem>>, vector<1x16xf32>,
      %swap3A_76 = vector.shape_cast %swap3A_75 : vector<1x16xf32> to vector<16xf32>
      %swap3A_77 = vector.shape_cast %broadcast_in_dim3A_1 : vector<16xf32> to vector<1x16xf32>
      tpu.vector_store %arg18[%swap3A_73, %swap3A_74], %swap3A_77 {strides = array<i32>} : memref<64x64xf32, #tpu.memory_space<vmem>>, vector<1x16xf32>,
      %swap3A_78 = arith.index_cast %scan3A_68 : i32 to index
      %swap3A_79 = arith.constant 32 : index
      %swap3A_80 = tpu.vector_load %arg18[%swap3A_78, %swap3A_79] {strides = array<i32>} : memref<64x64xf32, #tpu.memory_space<vmem>>, vector<1x16xf32>,
      %swap3A_81 = vector.shape_cast %swap3A_80 : vector<1x16xf32> to vector<16xf32>
      %swap3A_82 = vector.shape_cast %broadcast_in_dim3A_1 : vector<16xf32> to vector<1x16xf32>
      tpu.vector_store %arg18[%swap3A_78, %swap3A_79], %swap3A_82 {strides = array<i32>} : memref<64x64xf32, #tpu.memory_space<vmem>>, vector<1x16xf32>,
      %swap3A_83 = arith.index_cast %scan3A_68 : i32 to index
      %swap3A_84 = arith.constant 48 : index
      %swap3A_85 = tpu.vector_load %arg18[%swap3A_83, %swap3A_84] {strides = array<i32>} : memref<64x64xf32, #tpu.memory_space<vmem>>, vector<1x16xf32>,
      %swap3A_86 = vector.shape_cast %swap3A_85 : vector<1x16xf32> to vector<16xf32>
      %swap3A_87 = vector.shape_cast %broadcast_in_dim3A_1 : vector<16xf32> to vector<1x16xf32>
      tpu.vector_store %arg18[%swap3A_83, %swap3A_84], %swap3A_87 {strides = array<i32>} : memref<64x64xf32, #tpu.memory_space<vmem>>, vector<1x16xf32>,
    }
    %scan3A_6 = arith.constant 64 : i32
    %mul3A_7 = arith.constant 640 : i32
    %mul3A_8 = arith.muli %arg1, %mul3A_7 : i32
    %add3A_9 = arith.constant 0 : i32
    %add3A_10 = arith.addi %mul3A_8, %add3A_9 : i32
    "tpu.region"() ({
      %run_scoped3A = tpu.sem_alloc : memref<!tpu.dma_semaphore, #tpu.memory_space<semaphore_mem>>
      %dma_start3A = arith.constant 0 : i32
      %dma_start3A_68 = tpu.memref_slice %arg19[%add3A_10, %dma_start3A] : memref<10240x64xf32, #tpu.memory_space<vmem_shared>> -> memref<64x64xf32, #tpu.memory_space<vmem_shared>>
      %dma_start3A_69 = arith.constant 0 : i32
      %dma_start3A_70 = tpu.memref_slice %arg19[%add3A_10, %dma_start3A_69] : memref<10240x64xf32, #tpu.memory_space<vmem_shared>> -> memref<64x64xf32, #tpu.memory_space<vmem_shared>>
      tpu.enqueue_dma source(%arg18 : memref<64x64xf32, #tpu.memory_space<vmem>>) target(%dma_start3A_70 : memref<64x64xf32, #tpu.memory_space<vmem_shared>>) target_semaphore(%run_scoped3A : memref<!tpu.dma_semaphore, #tpu.memory_space<semaphore_mem>>)
      %dma_wait3A = arith.constant 0 : i32
      %dma_wait3A_71 = tpu.memref_slice %arg19[%add3A_10, %dma_wait3A] : memref<10240x64xf32, #tpu.memory_space<vmem_shared>> -> memref<64x64xf32, #tpu.memory_space<vmem_shared>>
      %dma_wait3A_72 = arith.constant 0 : i32
      %dma_wait3A_73 = tpu.memref_slice %arg19[%add3A_10, %dma_wait3A_72] : memref<10240x64xf32, #tpu.memory_space<vmem_shared>> -> memref<64x64xf32, #tpu.memory_space<vmem_shared>>
      tpu.wait_dma2 semaphore(%run_scoped3A : memref<!tpu.dma_semaphore, #tpu.memory_space<semaphore_mem>>) src(%arg18 : memref<64x64xf32, #tpu.memory_space<vmem>>) dst(%dma_wait3A_73 : memref<64x64xf32, #tpu.memory_space<vmem_shared>>)
      tpu.yield
    }) : () -> ()
    %mul3A_11 = arith.constant 640 : i32
    %mul3A_12 = arith.muli %arg1, %mul3A_11 : i32
    %add3A_13 = arith.constant 64 : i32
    %add3A_14 = arith.addi %mul3A_12, %add3A_13 : i32
    "tpu.region"() ({
      %run_scoped3A = tpu.sem_alloc : memref<!tpu.dma_semaphore, #tpu.memory_space<semaphore_mem>>
      %dma_start3A = arith.constant 0 : i32
      %dma_start3A_68 = tpu.memref_slice %arg19[%add3A_14, %dma_start3A] : memref<10240x64xf32, #tpu.memory_space<vmem_shared>> -> memref<64x64xf32, #tpu.memory_space<vmem_shared>>
      %dma_start3A_69 = arith.constant 0 : i32
      %dma_start3A_70 = tpu.memref_slice %arg19[%add3A_14, %dma_start3A_69] : memref<10240x64xf32, #tpu.memory_space<vmem_shared>> -> memref<64x64xf32, #tpu.memory_space<vmem_shared>>
      tpu.enqueue_dma source(%arg18 : memref<64x64xf32, #tpu.memory_space<vmem>>) target(%dma_start3A_70 : memref<64x64xf32, #tpu.memory_space<vmem_shared>>) target_semaphore(%run_scoped3A : memref<!tpu.dma_semaphore, #tpu.memory_space<semaphore_mem>>)
      %dma_wait3A = arith.constant 0 : i32
      %dma_wait3A_71 = tpu.memref_slice %arg19[%add3A_14, %dma_wait3A] : memref<10240x64xf32, #tpu.memory_space<vmem_shared>> -> memref<64x64xf32, #tpu.memory_space<vmem_shared>>
      %dma_wait3A_72 = arith.constant 0 : i32
      %dma_wait3A_73 = tpu.memref_slice %arg19[%add3A_14, %dma_wait3A_72] : memref<10240x64xf32, #tpu.memory_space<vmem_shared>> -> memref<64x64xf32, #tpu.memory_space<vmem_shared>>
      tpu.wait_dma2 semaphore(%run_scoped3A : memref<!tpu.dma_semaphore, #tpu.memory_space<semaphore_mem>>) src(%arg18 : memref<64x64xf32, #tpu.memory_space<vmem>>) dst(%dma_wait3A_73 : memref<64x64xf32, #tpu.memory_space<vmem_shared>>)
      tpu.yield
    }) : () -> ()
    %mul3A_15 = arith.constant 640 : i32
    %mul3A_16 = arith.muli %arg1, %mul3A_15 : i32
    %add3A_17 = arith.constant 128 : i32
    %add3A_18 = arith.addi %mul3A_16, %add3A_17 : i32
    "tpu.region"() ({
      %run_scoped3A = tpu.sem_alloc : memref<!tpu.dma_semaphore, #tpu.memory_space<semaphore_mem>>
      %dma_start3A = arith.constant 0 : i32
      %dma_start3A_68 = tpu.memref_slice %arg19[%add3A_18, %dma_start3A] : memref<10240x64xf32, #tpu.memory_space<vmem_shared>> -> memref<64x64xf32, #tpu.memory_space<vmem_shared>>
      %dma_start3A_69 = arith.constant 0 : i32
      %dma_start3A_70 = tpu.memref_slice %arg19[%add3A_18, %dma_start3A_69] : memref<10240x64xf32, #tpu.memory_space<vmem_shared>> -> memref<64x64xf32, #tpu.memory_space<vmem_shared>>
      tpu.enqueue_dma source(%arg18 : memref<64x64xf32, #tpu.memory_space<vmem>>) target(%dma_start3A_70 : memref<64x64xf32, #tpu.memory_space<vmem_shared>>) target_semaphore(%run_scoped3A : memref<!tpu.dma_semaphore, #tpu.memory_space<semaphore_mem>>)
      %dma_wait3A = arith.constant 0 : i32
      %dma_wait3A_71 = tpu.memref_slice %arg19[%add3A_18, %dma_wait3A] : memref<10240x64xf32, #tpu.memory_space<vmem_shared>> -> memref<64x64xf32, #tpu.memory_space<vmem_shared>>
      %dma_wait3A_72 = arith.constant 0 : i32
      %dma_wait3A_73 = tpu.memref_slice %arg19[%add3A_18, %dma_wait3A_72] : memref<10240x64xf32, #tpu.memory_space<vmem_shared>> -> memref<64x64xf32, #tpu.memory_space<vmem_shared>>
      tpu.wait_dma2 semaphore(%run_scoped3A : memref<!tpu.dma_semaphore, #tpu.memory_space<semaphore_mem>>) src(%arg18 : memref<64x64xf32, #tpu.memory_space<vmem>>) dst(%dma_wait3A_73 : memref<64x64xf32, #tpu.memory_space<vmem_shared>>)
      tpu.yield
    }) : () -> ()
    %mul3A_19 = arith.constant 640 : i32
    %mul3A_20 = arith.muli %arg1, %mul3A_19 : i32
    %add3A_21 = arith.constant 192 : i32
    %add3A_22 = arith.addi %mul3A_20, %add3A_21 : i32
    "tpu.region"() ({
      %run_scoped3A = tpu.sem_alloc : memref<!tpu.dma_semaphore, #tpu.memory_space<semaphore_mem>>
      %dma_start3A = arith.constant 0 : i32
      %dma_start3A_68 = tpu.memref_slice %arg19[%add3A_22, %dma_start3A] : memref<10240x64xf32, #tpu.memory_space<vmem_shared>> -> memref<64x64xf32, #tpu.memory_space<vmem_shared>>
      %dma_start3A_69 = arith.constant 0 : i32
      %dma_start3A_70 = tpu.memref_slice %arg19[%add3A_22, %dma_start3A_69] : memref<10240x64xf32, #tpu.memory_space<vmem_shared>> -> memref<64x64xf32, #tpu.memory_space<vmem_shared>>
      tpu.enqueue_dma source(%arg18 : memref<64x64xf32, #tpu.memory_space<vmem>>) target(%dma_start3A_70 : memref<64x64xf32, #tpu.memory_space<vmem_shared>>) target_semaphore(%run_scoped3A : memref<!tpu.dma_semaphore, #tpu.memory_space<semaphore_mem>>)
      %dma_wait3A = arith.constant 0 : i32
      %dma_wait3A_71 = tpu.memref_slice %arg19[%add3A_22, %dma_wait3A] : memref<10240x64xf32, #tpu.memory_space<vmem_shared>> -> memref<64x64xf32, #tpu.memory_space<vmem_shared>>
      %dma_wait3A_72 = arith.constant 0 : i32
      %dma_wait3A_73 = tpu.memref_slice %arg19[%add3A_22, %dma_wait3A_72] : memref<10240x64xf32, #tpu.memory_space<vmem_shared>> -> memref<64x64xf32, #tpu.memory_space<vmem_shared>>
      tpu.wait_dma2 semaphore(%run_scoped3A : memref<!tpu.dma_semaphore, #tpu.memory_space<semaphore_mem>>) src(%arg18 : memref<64x64xf32, #tpu.memory_space<vmem>>) dst(%dma_wait3A_73 : memref<64x64xf32, #tpu.memory_space<vmem_shared>>)
      tpu.yield
    }) : () -> ()
    %mul3A_23 = arith.constant 640 : i32
    %mul3A_24 = arith.muli %arg1, %mul3A_23 : i32
    %add3A_25 = arith.constant 256 : i32
    %add3A_26 = arith.addi %mul3A_24, %add3A_25 : i32
    "tpu.region"() ({
      %run_scoped3A = tpu.sem_alloc : memref<!tpu.dma_semaphore, #tpu.memory_space<semaphore_mem>>
      %dma_start3A = arith.constant 0 : i32
      %dma_start3A_68 = tpu.memref_slice %arg19[%add3A_26, %dma_start3A] : memref<10240x64xf32, #tpu.memory_space<vmem_shared>> -> memref<64x64xf32, #tpu.memory_space<vmem_shared>>
      %dma_start3A_69 = arith.constant 0 : i32
      %dma_start3A_70 = tpu.memref_slice %arg19[%add3A_26, %dma_start3A_69] : memref<10240x64xf32, #tpu.memory_space<vmem_shared>> -> memref<64x64xf32, #tpu.memory_space<vmem_shared>>
      tpu.enqueue_dma source(%arg18 : memref<64x64xf32, #tpu.memory_space<vmem>>) target(%dma_start3A_70 : memref<64x64xf32, #tpu.memory_space<vmem_shared>>) target_semaphore(%run_scoped3A : memref<!tpu.dma_semaphore, #tpu.memory_space<semaphore_mem>>)
      %dma_wait3A = arith.constant 0 : i32
      %dma_wait3A_71 = tpu.memref_slice %arg19[%add3A_26, %dma_wait3A] : memref<10240x64xf32, #tpu.memory_space<vmem_shared>> -> memref<64x64xf32, #tpu.memory_space<vmem_shared>>
      %dma_wait3A_72 = arith.constant 0 : i32
      %dma_wait3A_73 = tpu.memref_slice %arg19[%add3A_26, %dma_wait3A_72] : memref<10240x64xf32, #tpu.memory_space<vmem_shared>> -> memref<64x64xf32, #tpu.memory_space<vmem_shared>>
      tpu.wait_dma2 semaphore(%run_scoped3A : memref<!tpu.dma_semaphore, #tpu.memory_space<semaphore_mem>>) src(%arg18 : memref<64x64xf32, #tpu.memory_space<vmem>>) dst(%dma_wait3A_73 : memref<64x64xf32, #tpu.memory_space<vmem_shared>>)
      tpu.yield
    }) : () -> ()
    %mul3A_27 = arith.constant 640 : i32
    %mul3A_28 = arith.muli %arg1, %mul3A_27 : i32
    %add3A_29 = arith.constant 320 : i32
    %add3A_30 = arith.addi %mul3A_28, %add3A_29 : i32
    "tpu.region"() ({
      %run_scoped3A = tpu.sem_alloc : memref<!tpu.dma_semaphore, #tpu.memory_space<semaphore_mem>>
      %dma_start3A = arith.constant 0 : i32
      %dma_start3A_68 = tpu.memref_slice %arg19[%add3A_30, %dma_start3A] : memref<10240x64xf32, #tpu.memory_space<vmem_shared>> -> memref<64x64xf32, #tpu.memory_space<vmem_shared>>
      %dma_start3A_69 = arith.constant 0 : i32
      %dma_start3A_70 = tpu.memref_slice %arg19[%add3A_30, %dma_start3A_69] : memref<10240x64xf32, #tpu.memory_space<vmem_shared>> -> memref<64x64xf32, #tpu.memory_space<vmem_shared>>
      tpu.enqueue_dma source(%arg18 : memref<64x64xf32, #tpu.memory_space<vmem>>) target(%dma_start3A_70 : memref<64x64xf32, #tpu.memory_space<vmem_shared>>) target_semaphore(%run_scoped3A : memref<!tpu.dma_semaphore, #tpu.memory_space<semaphore_mem>>)
      %dma_wait3A = arith.constant 0 : i32
      %dma_wait3A_71 = tpu.memref_slice %arg19[%add3A_30, %dma_wait3A] : memref<10240x64xf32, #tpu.memory_space<vmem_shared>> -> memref<64x64xf32, #tpu.memory_space<vmem_shared>>
      %dma_wait3A_72 = arith.constant 0 : i32
      %dma_wait3A_73 = tpu.memref_slice %arg19[%add3A_30, %dma_wait3A_72] : memref<10240x64xf32, #tpu.memory_space<vmem_shared>> -> memref<64x64xf32, #tpu.memory_space<vmem_shared>>
      tpu.wait_dma2 semaphore(%run_scoped3A : memref<!tpu.dma_semaphore, #tpu.memory_space<semaphore_mem>>) src(%arg18 : memref<64x64xf32, #tpu.memory_space<vmem>>) dst(%dma_wait3A_73 : memref<64x64xf32, #tpu.memory_space<vmem_shared>>)
      tpu.yield
    }) : () -> ()
    %mul3A_31 = arith.constant 640 : i32
    %mul3A_32 = arith.muli %arg1, %mul3A_31 : i32
    %add3A_33 = arith.constant 384 : i32
    %add3A_34 = arith.addi %mul3A_32, %add3A_33 : i32
    "tpu.region"() ({
      %run_scoped3A = tpu.sem_alloc : memref<!tpu.dma_semaphore, #tpu.memory_space<semaphore_mem>>
      %dma_start3A = arith.constant 0 : i32
      %dma_start3A_68 = tpu.memref_slice %arg19[%add3A_34, %dma_start3A] : memref<10240x64xf32, #tpu.memory_space<vmem_shared>> -> memref<64x64xf32, #tpu.memory_space<vmem_shared>>
      %dma_start3A_69 = arith.constant 0 : i32
      %dma_start3A_70 = tpu.memref_slice %arg19[%add3A_34, %dma_start3A_69] : memref<10240x64xf32, #tpu.memory_space<vmem_shared>> -> memref<64x64xf32, #tpu.memory_space<vmem_shared>>
      tpu.enqueue_dma source(%arg18 : memref<64x64xf32, #tpu.memory_space<vmem>>) target(%dma_start3A_70 : memref<64x64xf32, #tpu.memory_space<vmem_shared>>) target_semaphore(%run_scoped3A : memref<!tpu.dma_semaphore, #tpu.memory_space<semaphore_mem>>)
      %dma_wait3A = arith.constant 0 : i32
      %dma_wait3A_71 = tpu.memref_slice %arg19[%add3A_34, %dma_wait3A] : memref<10240x64xf32, #tpu.memory_space<vmem_shared>> -> memref<64x64xf32, #tpu.memory_space<vmem_shared>>
      %dma_wait3A_72 = arith.constant 0 : i32
      %dma_wait3A_73 = tpu.memref_slice %arg19[%add3A_34, %dma_wait3A_72] : memref<10240x64xf32, #tpu.memory_space<vmem_shared>> -> memref<64x64xf32, #tpu.memory_space<vmem_shared>>
      tpu.wait_dma2 semaphore(%run_scoped3A : memref<!tpu.dma_semaphore, #tpu.memory_space<semaphore_mem>>) src(%arg18 : memref<64x64xf32, #tpu.memory_space<vmem>>) dst(%dma_wait3A_73 : memref<64x64xf32, #tpu.memory_space<vmem_shared>>)
      tpu.yield
    }) : () -> ()
    %mul3A_35 = arith.constant 640 : i32
    %mul3A_36 = arith.muli %arg1, %mul3A_35 : i32
    %add3A_37 = arith.constant 448 : i32
    %add3A_38 = arith.addi %mul3A_36, %add3A_37 : i32
    "tpu.region"() ({
      %run_scoped3A = tpu.sem_alloc : memref<!tpu.dma_semaphore, #tpu.memory_space<semaphore_mem>>
      %dma_start3A = arith.constant 0 : i32
      %dma_start3A_68 = tpu.memref_slice %arg19[%add3A_38, %dma_start3A] : memref<10240x64xf32, #tpu.memory_space<vmem_shared>> -> memref<64x64xf32, #tpu.memory_space<vmem_shared>>
      %dma_start3A_69 = arith.constant 0 : i32
      %dma_start3A_70 = tpu.memref_slice %arg19[%add3A_38, %dma_start3A_69] : memref<10240x64xf32, #tpu.memory_space<vmem_shared>> -> memref<64x64xf32, #tpu.memory_space<vmem_shared>>
      tpu.enqueue_dma source(%arg18 : memref<64x64xf32, #tpu.memory_space<vmem>>) target(%dma_start3A_70 : memref<64x64xf32, #tpu.memory_space<vmem_shared>>) target_semaphore(%run_scoped3A : memref<!tpu.dma_semaphore, #tpu.memory_space<semaphore_mem>>)
      %dma_wait3A = arith.constant 0 : i32
      %dma_wait3A_71 = tpu.memref_slice %arg19[%add3A_38, %dma_wait3A] : memref<10240x64xf32, #tpu.memory_space<vmem_shared>> -> memref<64x64xf32, #tpu.memory_space<vmem_shared>>
      %dma_wait3A_72 = arith.constant 0 : i32
      %dma_wait3A_73 = tpu.memref_slice %arg19[%add3A_38, %dma_wait3A_72] : memref<10240x64xf32, #tpu.memory_space<vmem_shared>> -> memref<64x64xf32, #tpu.memory_space<vmem_shared>>
      tpu.wait_dma2 semaphore(%run_scoped3A : memref<!tpu.dma_semaphore, #tpu.memory_space<semaphore_mem>>) src(%arg18 : memref<64x64xf32, #tpu.memory_space<vmem>>) dst(%dma_wait3A_73 : memref<64x64xf32, #tpu.memory_space<vmem_shared>>)
      tpu.yield
    }) : () -> ()
    %mul3A_39 = arith.constant 640 : i32
    %mul3A_40 = arith.muli %arg1, %mul3A_39 : i32
    %add3A_41 = arith.constant 512 : i32
    %add3A_42 = arith.addi %mul3A_40, %add3A_41 : i32
    "tpu.region"() ({
      %run_scoped3A = tpu.sem_alloc : memref<!tpu.dma_semaphore, #tpu.memory_space<semaphore_mem>>
      %dma_start3A = arith.constant 0 : i32
      %dma_start3A_68 = tpu.memref_slice %arg19[%add3A_42, %dma_start3A] : memref<10240x64xf32, #tpu.memory_space<vmem_shared>> -> memref<64x64xf32, #tpu.memory_space<vmem_shared>>
      %dma_start3A_69 = arith.constant 0 : i32
      %dma_start3A_70 = tpu.memref_slice %arg19[%add3A_42, %dma_start3A_69] : memref<10240x64xf32, #tpu.memory_space<vmem_shared>> -> memref<64x64xf32, #tpu.memory_space<vmem_shared>>
      tpu.enqueue_dma source(%arg18 : memref<64x64xf32, #tpu.memory_space<vmem>>) target(%dma_start3A_70 : memref<64x64xf32, #tpu.memory_space<vmem_shared>>) target_semaphore(%run_scoped3A : memref<!tpu.dma_semaphore, #tpu.memory_space<semaphore_mem>>)
      %dma_wait3A = arith.constant 0 : i32
      %dma_wait3A_71 = tpu.memref_slice %arg19[%add3A_42, %dma_wait3A] : memref<10240x64xf32, #tpu.memory_space<vmem_shared>> -> memref<64x64xf32, #tpu.memory_space<vmem_shared>>
      %dma_wait3A_72 = arith.constant 0 : i32
      %dma_wait3A_73 = tpu.memref_slice %arg19[%add3A_42, %dma_wait3A_72] : memref<10240x64xf32, #tpu.memory_space<vmem_shared>> -> memref<64x64xf32, #tpu.memory_space<vmem_shared>>
      tpu.wait_dma2 semaphore(%run_scoped3A : memref<!tpu.dma_semaphore, #tpu.memory_space<semaphore_mem>>) src(%arg18 : memref<64x64xf32, #tpu.memory_space<vmem>>) dst(%dma_wait3A_73 : memref<64x64xf32, #tpu.memory_space<vmem_shared>>)
      tpu.yield
    }) : () -> ()
    %mul3A_43 = arith.constant 640 : i32
    %mul3A_44 = arith.muli %arg1, %mul3A_43 : i32
    %add3A_45 = arith.constant 576 : i32
    %add3A_46 = arith.addi %mul3A_44, %add3A_45 : i32
    "tpu.region"() ({
      %run_scoped3A = tpu.sem_alloc : memref<!tpu.dma_semaphore, #tpu.memory_space<semaphore_mem>>
      %dma_start3A = arith.constant 0 : i32
      %dma_start3A_68 = tpu.memref_slice %arg19[%add3A_46, %dma_start3A] : memref<10240x64xf32, #tpu.memory_space<vmem_shared>> -> memref<64x64xf32, #tpu.memory_space<vmem_shared>>
      %dma_start3A_69 = arith.constant 0 : i32
      %dma_start3A_70 = tpu.memref_slice %arg19[%add3A_46, %dma_start3A_69] : memref<10240x64xf32, #tpu.memory_space<vmem_shared>> -> memref<64x64xf32, #tpu.memory_space<vmem_shared>>
      tpu.enqueue_dma source(%arg18 : memref<64x64xf32, #tpu.memory_space<vmem>>) target(%dma_start3A_70 : memref<64x64xf32, #tpu.memory_space<vmem_shared>>) target_semaphore(%run_scoped3A : memref<!tpu.dma_semaphore, #tpu.memory_space<semaphore_mem>>)
      %dma_wait3A = arith.constant 0 : i32
      %dma_wait3A_71 = tpu.memref_slice %arg19[%add3A_46, %dma_wait3A] : memref<10240x64xf32, #tpu.memory_space<vmem_shared>> -> memref<64x64xf32, #tpu.memory_space<vmem_shared>>
      %dma_wait3A_72 = arith.constant 0 : i32
      %dma_wait3A_73 = tpu.memref_slice %arg19[%add3A_46, %dma_wait3A_72] : memref<10240x64xf32, #tpu.memory_space<vmem_shared>> -> memref<64x64xf32, #tpu.memory_space<vmem_shared>>
      tpu.wait_dma2 semaphore(%run_scoped3A : memref<!tpu.dma_semaphore, #tpu.memory_space<semaphore_mem>>) src(%arg18 : memref<64x64xf32, #tpu.memory_space<vmem>>) dst(%dma_wait3A_73 : memref<64x64xf32, #tpu.memory_space<vmem_shared>>)
      tpu.yield
    }) : () -> ()
    %barrier3A = arith.constant 0 : index
    tpu.barrier barrier_id(%barrier3A)
    %mul3A_47 = arith.constant 40 : i32
    %mul3A_48 = arith.muli %add3A, %mul3A_47 : i32
    %scan3A_49 = arith.constant 0 : i32
    %scan3A_50 = arith.constant 0 : i32
    %scan3A_51 = arith.constant 40 : i32
    %scan3A_52 = arith.addi %scan3A_50, %scan3A_51 : i32
    %scan3A_53 = arith.constant 1 : i32
    scf.for %scan3A_68 = %scan3A_50 to %scan3A_52 step %scan3A_53  : i32 {
      %add3A_69 = arith.addi %mul3A_48, %scan3A_68 : i32
      "tpu.region"() ({
        %run_scoped3A_132 = tpu.sem_alloc : memref<!tpu.dma_semaphore, #tpu.memory_space<semaphore_mem>>
        %dma_start3A_133 = arith.constant 0 : i32
        %dma_start3A_134 = tpu.memref_slice %arg2[%add3A_69, %dma_start3A_133] : memref<1280x128xi32, #tpu.memory_space<hbm>> -> memref<1x128xi32, #tpu.memory_space<hbm>>
        %dma_start3A_135 = arith.constant 0 : i32
        %dma_start3A_136 = tpu.memref_slice %arg2[%add3A_69, %dma_start3A_135] : memref<1280x128xi32, #tpu.memory_space<hbm>> -> memref<1x128xi32, #tpu.memory_space<hbm>>
        tpu.enqueue_dma source(%dma_start3A_136 : memref<1x128xi32, #tpu.memory_space<hbm>>) target(%arg10 : memref<1x128xi32, #tpu.memory_space<vmem>>) target_semaphore(%run_scoped3A_132 : memref<!tpu.dma_semaphore, #tpu.memory_space<semaphore_mem>>)
        %dma_wait3A_137 = arith.constant 0 : i32
        %dma_wait3A_138 = tpu.memref_slice %arg2[%add3A_69, %dma_wait3A_137] : memref<1280x128xi32, #tpu.memory_space<hbm>> -> memref<1x128xi32, #tpu.memory_space<hbm>>
        %dma_wait3A_139 = arith.constant 0 : i32
        %dma_wait3A_140 = tpu.memref_slice %arg2[%add3A_69, %dma_wait3A_139] : memref<1280x128xi32, #tpu.memory_space<hbm>> -> memref<1x128xi32, #tpu.memory_space<hbm>>
        tpu.wait_dma2 semaphore(%run_scoped3A_132 : memref<!tpu.dma_semaphore, #tpu.memory_space<semaphore_mem>>) src(%dma_wait3A_140 : memref<1x128xi32, #tpu.memory_space<hbm>>) dst(%arg10 : memref<1x128xi32, #tpu.memory_space<vmem>>)
        tpu.yield
      }) : () -> ()
      "tpu.region"() ({
        %run_scoped3A_132 = tpu.sem_alloc : memref<!tpu.dma_semaphore, #tpu.memory_space<semaphore_mem>>
        %dma_start3A_133 = arith.constant 0 : i32
        %dma_start3A_134 = tpu.memref_slice %arg3[%add3A_69, %dma_start3A_133] : memref<1280x128xi32, #tpu.memory_space<hbm>> -> memref<1x128xi32, #tpu.memory_space<hbm>>
        %dma_start3A_135 = arith.constant 0 : i32
        %dma_start3A_136 = tpu.memref_slice %arg3[%add3A_69, %dma_start3A_135] : memref<1280x128xi32, #tpu.memory_space<hbm>> -> memref<1x128xi32, #tpu.memory_space<hbm>>
        tpu.enqueue_dma source(%dma_start3A_136 : memref<1x128xi32, #tpu.memory_space<hbm>>) target(%arg11 : memref<1x128xi32, #tpu.memory_space<vmem>>) target_semaphore(%run_scoped3A_132 : memref<!tpu.dma_semaphore, #tpu.memory_space<semaphore_mem>>)
        %dma_wait3A_137 = arith.constant 0 : i32
        %dma_wait3A_138 = tpu.memref_slice %arg3[%add3A_69, %dma_wait3A_137] : memref<1280x128xi32, #tpu.memory_space<hbm>> -> memref<1x128xi32, #tpu.memory_space<hbm>>
        %dma_wait3A_139 = arith.constant 0 : i32
        %dma_wait3A_140 = tpu.memref_slice %arg3[%add3A_69, %dma_wait3A_139] : memref<1280x128xi32, #tpu.memory_space<hbm>> -> memref<1x128xi32, #tpu.memory_space<hbm>>
        tpu.wait_dma2 semaphore(%run_scoped3A_132 : memref<!tpu.dma_semaphore, #tpu.memory_space<semaphore_mem>>) src(%dma_wait3A_140 : memref<1x128xi32, #tpu.memory_space<hbm>>) dst(%arg11 : memref<1x128xi32, #tpu.memory_space<vmem>>)
        tpu.yield
      }) : () -> ()
      %dma_start3A = arith.constant 0 : i32
      %dma_start3A_70 = arith.constant 0 : i32
      %dma_start3A_71 = tpu.memref_slice %arg10[%dma_start3A, %dma_start3A_70] : memref<1x128xi32, #tpu.memory_space<vmem>> -> memref<1x128xi32, #tpu.memory_space<vmem>>
      %dma_start3A_72 = tpu.memref_squeeze %dma_start3A_71 : memref<1x128xi32, #tpu.memory_space<vmem>> -> memref<128xi32, #tpu.memory_space<vmem>>
      %dma_start3A_73 = arith.constant 0 : i32
      %dma_start3A_74 = arith.constant 0 : i32
      %dma_start3A_75 = tpu.memref_slice %arg7[%dma_start3A_73, %dma_start3A_74] : memref<10240x512xf32, #tpu.memory_space<hbm>> -> memref<10240x512xf32, #tpu.memory_space<hbm>>
      tpu.enqueue_indirect_dma source(%dma_start3A_75 : memref<10240x512xf32, #tpu.memory_space<hbm>>) target(%arg12 : memref<128x512xf32, #tpu.memory_space<vmem>>) offsets(%dma_start3A_72 : memref<128xi32, #tpu.memory_space<vmem>>) semaphore(%arg20 : memref<!tpu.dma_semaphore, #tpu.memory_space<semaphore_mem>>)
      %dma_start3A_76 = arith.constant 0 : i32
      %dma_start3A_77 = arith.constant 0 : i32
      %dma_start3A_78 = tpu.memref_slice %arg11[%dma_start3A_76, %dma_start3A_77] : memref<1x128xi32, #tpu.memory_space<vmem>> -> memref<1x128xi32, #tpu.memory_space<vmem>>
      %dma_start3A_79 = tpu.memref_squeeze %dma_start3A_78 : memref<1x128xi32, #tpu.memory_space<vmem>> -> memref<128xi32, #tpu.memory_space<vmem>>
      %dma_start3A_80 = arith.constant 0 : i32
      %dma_start3A_81 = arith.constant 0 : i32
      %dma_start3A_82 = tpu.memref_slice %arg5[%dma_start3A_80, %dma_start3A_81] : memref<10240x16xf32, #tpu.memory_space<hbm>> -> memref<10240x16xf32, #tpu.memory_space<hbm>>
      tpu.enqueue_indirect_dma source(%dma_start3A_82 : memref<10240x16xf32, #tpu.memory_space<hbm>>) target(%arg14 : memref<128x16xf32, #tpu.memory_space<vmem>>) offsets(%dma_start3A_79 : memref<128xi32, #tpu.memory_space<vmem>>) semaphore(%arg20 : memref<!tpu.dma_semaphore, #tpu.memory_space<semaphore_mem>>)
      %dma_start3A_83 = arith.constant 0 : i32
      %dma_start3A_84 = arith.constant 0 : i32
      %dma_start3A_85 = tpu.memref_slice %arg11[%dma_start3A_83, %dma_start3A_84] : memref<1x128xi32, #tpu.memory_space<vmem>> -> memref<1x128xi32, #tpu.memory_space<vmem>>
      %dma_start3A_86 = tpu.memref_squeeze %dma_start3A_85 : memref<1x128xi32, #tpu.memory_space<vmem>> -> memref<128xi32, #tpu.memory_space<vmem>>
      %dma_start3A_87 = arith.constant 0 : i32
      %dma_start3A_88 = arith.constant 0 : i32
      %dma_start3A_89 = tpu.memref_slice %arg6[%dma_start3A_87, %dma_start3A_88] : memref<10240x16xf32, #tpu.memory_space<hbm>> -> memref<10240x16xf32, #tpu.memory_space<hbm>>
      tpu.enqueue_indirect_dma source(%dma_start3A_89 : memref<10240x16xf32, #tpu.memory_space<hbm>>) target(%arg15 : memref<128x16xf32, #tpu.memory_space<vmem>>) offsets(%dma_start3A_86 : memref<128xi32, #tpu.memory_space<vmem>>) semaphore(%arg20 : memref<!tpu.dma_semaphore, #tpu.memory_space<semaphore_mem>>)
      %mul3A_90 = arith.constant 128 : i32
      %mul3A_91 = arith.muli %add3A_69, %mul3A_90 : i32
      %dma_start3A_92 = arith.constant 0 : i32
      %dma_start3A_93 = tpu.memref_slice %arg4[%mul3A_91, %dma_start3A_92] : memref<163840x16xf32, #tpu.memory_space<hbm>> -> memref<128x16xf32, #tpu.memory_space<hbm>>
      %dma_start3A_94 = arith.constant 0 : i32
      %dma_start3A_95 = tpu.memref_slice %arg4[%mul3A_91, %dma_start3A_94] : memref<163840x16xf32, #tpu.memory_space<hbm>> -> memref<128x16xf32, #tpu.memory_space<hbm>>
      tpu.enqueue_dma source(%dma_start3A_95 : memref<128x16xf32, #tpu.memory_space<hbm>>) target(%arg13 : memref<128x16xf32, #tpu.memory_space<vmem>>) target_semaphore(%arg20 : memref<!tpu.dma_semaphore, #tpu.memory_space<semaphore_mem>>)
      %dma_wait3A = arith.constant 0 : i32
      %dma_wait3A_96 = arith.constant 0 : i32
      %dma_wait3A_97 = tpu.memref_slice %arg10[%dma_wait3A, %dma_wait3A_96] : memref<1x128xi32, #tpu.memory_space<vmem>> -> memref<1x128xi32, #tpu.memory_space<vmem>>
      %dma_wait3A_98 = tpu.memref_squeeze %dma_wait3A_97 : memref<1x128xi32, #tpu.memory_space<vmem>> -> memref<128xi32, #tpu.memory_space<vmem>>
      %dma_wait3A_99 = arith.constant 0 : i32
      %dma_wait3A_100 = arith.constant 0 : i32
      %dma_wait3A_101 = tpu.memref_slice %arg7[%dma_wait3A_99, %dma_wait3A_100] : memref<10240x512xf32, #tpu.memory_space<hbm>> -> memref<10240x512xf32, #tpu.memory_space<hbm>>
      tpu.wait_indirect_dma semaphore(%arg20 : memref<!tpu.dma_semaphore, #tpu.memory_space<semaphore_mem>>) src(%dma_wait3A_101 : memref<10240x512xf32, #tpu.memory_space<hbm>>) dst(%arg12 : memref<128x512xf32, #tpu.memory_space<vmem>>)
      %dma_wait3A_102 = arith.constant 0 : i32
      %dma_wait3A_103 = arith.constant 0 : i32
      %dma_wait3A_104 = tpu.memref_slice %arg11[%dma_wait3A_102, %dma_wait3A_103] : memref<1x128xi32, #tpu.memory_space<vmem>> -> memref<1x128xi32, #tpu.memory_space<vmem>>
      %dma_wait3A_105 = tpu.memref_squeeze %dma_wait3A_104 : memref<1x128xi32, #tpu.memory_space<vmem>> -> memref<128xi32, #tpu.memory_space<vmem>>
      %dma_wait3A_106 = arith.constant 0 : i32
      %dma_wait3A_107 = arith.constant 0 : i32
      %dma_wait3A_108 = tpu.memref_slice %arg5[%dma_wait3A_106, %dma_wait3A_107] : memref<10240x16xf32, #tpu.memory_space<hbm>> -> memref<10240x16xf32, #tpu.memory_space<hbm>>
      tpu.wait_indirect_dma semaphore(%arg20 : memref<!tpu.dma_semaphore, #tpu.memory_space<semaphore_mem>>) src(%dma_wait3A_108 : memref<10240x16xf32, #tpu.memory_space<hbm>>) dst(%arg14 : memref<128x16xf32, #tpu.memory_space<vmem>>)
      %dma_wait3A_109 = arith.constant 0 : i32
      %dma_wait3A_110 = arith.constant 0 : i32
      %dma_wait3A_111 = tpu.memref_slice %arg11[%dma_wait3A_109, %dma_wait3A_110] : memref<1x128xi32, #tpu.memory_space<vmem>> -> memref<1x128xi32, #tpu.memory_space<vmem>>
      %dma_wait3A_112 = tpu.memref_squeeze %dma_wait3A_111 : memref<1x128xi32, #tpu.memory_space<vmem>> -> memref<128xi32, #tpu.memory_space<vmem>>
      %dma_wait3A_113 = arith.constant 0 : i32
      %dma_wait3A_114 = arith.constant 0 : i32
      %dma_wait3A_115 = tpu.memref_slice %arg6[%dma_wait3A_113, %dma_wait3A_114] : memref<10240x16xf32, #tpu.memory_space<hbm>> -> memref<10240x16xf32, #tpu.memory_space<hbm>>
      tpu.wait_indirect_dma semaphore(%arg20 : memref<!tpu.dma_semaphore, #tpu.memory_space<semaphore_mem>>) src(%dma_wait3A_115 : memref<10240x16xf32, #tpu.memory_space<hbm>>) dst(%arg15 : memref<128x16xf32, #tpu.memory_space<vmem>>)
      %dma_wait3A_116 = arith.constant 0 : i32
      %dma_wait3A_117 = tpu.memref_slice %arg4[%mul3A_91, %dma_wait3A_116] : memref<163840x16xf32, #tpu.memory_space<hbm>> -> memref<128x16xf32, #tpu.memory_space<hbm>>
      %dma_wait3A_118 = arith.constant 0 : i32
      %dma_wait3A_119 = tpu.memref_slice %arg4[%mul3A_91, %dma_wait3A_118] : memref<163840x16xf32, #tpu.memory_space<hbm>> -> memref<128x16xf32, #tpu.memory_space<hbm>>
      tpu.wait_dma2 semaphore(%arg20 : memref<!tpu.dma_semaphore, #tpu.memory_space<semaphore_mem>>) src(%dma_wait3A_119 : memref<128x16xf32, #tpu.memory_space<hbm>>) dst(%arg13 : memref<128x16xf32, #tpu.memory_space<vmem>>)
      %scan3A_120 = arith.constant 0 : i32
      %scan3A_121 = arith.constant 0 : i32
      %scan3A_122 = arith.constant 128 : i32
      %scan3A_123 = arith.addi %scan3A_121, %scan3A_122 : i32
      %scan3A_124 = arith.constant 1 : i32
      scf.for %scan3A_132 = %scan3A_121 to %scan3A_123 step %scan3A_124  : i32 {
        %get3A = arith.index_cast %scan3A_132 : i32 to index
        %get3A_133 = arith.constant 0 : index
        %get3A_134 = tpu.vector_load %arg14[%get3A, %get3A_133] {strides = array<i32>} : memref<128x16xf32, #tpu.memory_space<vmem>>, vector<1x16xf32>,
        %get3A_135 = vector.shape_cast %get3A_134 : vector<1x16xf32> to vector<16xf32>
        %get3A_136 = arith.index_cast %scan3A_132 : i32 to index
        %get3A_137 = arith.constant 0 : index
        %get3A_138 = tpu.vector_load %arg15[%get3A_136, %get3A_137] {strides = array<i32>} : memref<128x16xf32, #tpu.memory_space<vmem>>, vector<1x16xf32>,
        %get3A_139 = vector.shape_cast %get3A_138 : vector<1x16xf32> to vector<16xf32>
        %add3A_140 = arith.addf %get3A_135, %get3A_139 : vector<16xf32>
        %get3A_141 = arith.index_cast %scan3A_132 : i32 to index
        %get3A_142 = arith.constant 0 : index
        %get3A_143 = tpu.vector_load %arg13[%get3A_141, %get3A_142] {strides = array<i32>} : memref<128x16xf32, #tpu.memory_space<vmem>>, vector<1x16xf32>,
        %get3A_144 = vector.shape_cast %get3A_143 : vector<1x16xf32> to vector<16xf32>
        %add3A_145 = arith.constant 1.000000e-16 : f32
        %add3A_146 = vector.broadcast %add3A_145 : f32 to vector<16xf32>
        %add3A_147 = arith.addf %add3A_140, %add3A_146 : vector<16xf32>
        %div3A = arith.divf %get3A_144, %add3A_147 : vector<16xf32>
        %mul3A_148 = arith.constant 1.250000e-01 : f32
        %mul3A_149 = vector.broadcast %mul3A_148 : f32 to vector<16xf32>
        %mul3A_150 = arith.mulf %div3A, %mul3A_149 : vector<16xf32>
        %swap3A = arith.index_cast %scan3A_132 : i32 to index
        %swap3A_151 = arith.constant 0 : index
        %swap3A_152 = tpu.vector_load %arg16[%swap3A, %swap3A_151] {strides = array<i32>} : memref<128x16xf32, #tpu.memory_space<vmem>>, vector<1x16xf32>,
        %swap3A_153 = vector.shape_cast %swap3A_152 : vector<1x16xf32> to vector<16xf32>
        %swap3A_154 = vector.shape_cast %mul3A_150 : vector<16xf32> to vector<1x16xf32>
        tpu.vector_store %arg16[%swap3A, %swap3A_151], %swap3A_154 {strides = array<i32>} : memref<128x16xf32, #tpu.memory_space<vmem>>, vector<1x16xf32>,
      }
      %scan3A_125 = arith.constant 128 : i32
      %scan3A_126 = arith.constant 0 : i32
      %scan3A_127 = arith.constant 0 : i32
      %scan3A_128 = arith.constant 128 : i32
      %scan3A_129 = arith.addi %scan3A_127, %scan3A_128 : i32
      %scan3A_130 = arith.constant 1 : i32
      scf.for %scan3A_132 = %scan3A_127 to %scan3A_129 step %scan3A_130  : i32 {
        %get3A = arith.index_cast %scan3A_132 : i32 to index
        %get3A_133 = arith.constant 0 : index
        %get3A_134 = tpu.vector_load %arg16[%get3A, %get3A_133] {strides = array<i32>} : memref<128x16xf32, #tpu.memory_space<vmem>>, vector<1x16xf32>,
        %get3A_135 = vector.shape_cast %get3A_134 : vector<1x16xf32> to vector<16xf32>
        %broadcast_in_dim3A_136 = arith.constant 0.000000e+00 : f32
        %broadcast_in_dim3A_137 = vector.broadcast %broadcast_in_dim3A_136 : f32 to vector<16xf32>
        %slice3A = vector.extract_strided_slice %get3A_135 {offsets = [0], sizes = [1], strides = [1]} : vector<16xf32> to vector<1xf32>
        %squeeze3A = vector.extract %slice3A[0] : f32 from vector<1xf32>
        %get3A_138 = arith.index_cast %scan3A_132 : i32 to index
        %get3A_139 = arith.constant 0 : index
        %get3A_140 = tpu.vector_load %arg12[%get3A_138, %get3A_139] {strides = array<i32>} : memref<128x512xf32, #tpu.memory_space<vmem>>, vector<1x16xf32>,
        %get3A_141 = vector.shape_cast %get3A_140 : vector<1x16xf32> to vector<16xf32>
        %mul3A_142 = vector.broadcast %squeeze3A : f32 to vector<16xf32>
        %mul3A_143 = arith.mulf %mul3A_142, %get3A_141 : vector<16xf32>
        %add3A_144 = arith.addf %broadcast_in_dim3A_137, %mul3A_143 : vector<16xf32>
        %slice3A_145 = vector.extract_strided_slice %get3A_135 {offsets = [1], sizes = [1], strides = [1]} : vector<16xf32> to vector<1xf32>
        %squeeze3A_146 = vector.extract %slice3A_145[0] : f32 from vector<1xf32>
        %get3A_147 = arith.index_cast %scan3A_132 : i32 to index
        %get3A_148 = arith.constant 64 : index
        %get3A_149 = tpu.vector_load %arg12[%get3A_147, %get3A_148] {strides = array<i32>} : memref<128x512xf32, #tpu.memory_space<vmem>>, vector<1x16xf32>,
        %get3A_150 = vector.shape_cast %get3A_149 : vector<1x16xf32> to vector<16xf32>
        %mul3A_151 = vector.broadcast %squeeze3A_146 : f32 to vector<16xf32>
        %mul3A_152 = arith.mulf %mul3A_151, %get3A_150 : vector<16xf32>
        %add3A_153 = arith.addf %add3A_144, %mul3A_152 : vector<16xf32>
        %slice3A_154 = vector.extract_strided_slice %get3A_135 {offsets = [2], sizes = [1], strides = [1]} : vector<16xf32> to vector<1xf32>
        %squeeze3A_155 = vector.extract %slice3A_154[0] : f32 from vector<1xf32>
        %get3A_156 = arith.index_cast %scan3A_132 : i32 to index
        %get3A_157 = arith.constant 128 : index
        %get3A_158 = tpu.vector_load %arg12[%get3A_156, %get3A_157] {strides = array<i32>} : memref<128x512xf32, #tpu.memory_space<vmem>>, vector<1x16xf32>,
        %get3A_159 = vector.shape_cast %get3A_158 : vector<1x16xf32> to vector<16xf32>
        %mul3A_160 = vector.broadcast %squeeze3A_155 : f32 to vector<16xf32>
        %mul3A_161 = arith.mulf %mul3A_160, %get3A_159 : vector<16xf32>
        %add3A_162 = arith.addf %add3A_153, %mul3A_161 : vector<16xf32>
        %slice3A_163 = vector.extract_strided_slice %get3A_135 {offsets = [3], sizes = [1], strides = [1]} : vector<16xf32> to vector<1xf32>
        %squeeze3A_164 = vector.extract %slice3A_163[0] : f32 from vector<1xf32>
        %get3A_165 = arith.index_cast %scan3A_132 : i32 to index
        %get3A_166 = arith.constant 192 : index
        %get3A_167 = tpu.vector_load %arg12[%get3A_165, %get3A_166] {strides = array<i32>} : memref<128x512xf32, #tpu.memory_space<vmem>>, vector<1x16xf32>,
        %get3A_168 = vector.shape_cast %get3A_167 : vector<1x16xf32> to vector<16xf32>
        %mul3A_169 = vector.broadcast %squeeze3A_164 : f32 to vector<16xf32>
        %mul3A_170 = arith.mulf %mul3A_169, %get3A_168 : vector<16xf32>
        %add3A_171 = arith.addf %add3A_162, %mul3A_170 : vector<16xf32>
        %slice3A_172 = vector.extract_strided_slice %get3A_135 {offsets = [4], sizes = [1], strides = [1]} : vector<16xf32> to vector<1xf32>
        %squeeze3A_173 = vector.extract %slice3A_172[0] : f32 from vector<1xf32>
        %get3A_174 = arith.index_cast %scan3A_132 : i32 to index
        %get3A_175 = arith.constant 256 : index
        %get3A_176 = tpu.vector_load %arg12[%get3A_174, %get3A_175] {strides = array<i32>} : memref<128x512xf32, #tpu.memory_space<vmem>>, vector<1x16xf32>,
        %get3A_177 = vector.shape_cast %get3A_176 : vector<1x16xf32> to vector<16xf32>
        %mul3A_178 = vector.broadcast %squeeze3A_173 : f32 to vector<16xf32>
        %mul3A_179 = arith.mulf %mul3A_178, %get3A_177 : vector<16xf32>
        %add3A_180 = arith.addf %add3A_171, %mul3A_179 : vector<16xf32>
        %slice3A_181 = vector.extract_strided_slice %get3A_135 {offsets = [5], sizes = [1], strides = [1]} : vector<16xf32> to vector<1xf32>
        %squeeze3A_182 = vector.extract %slice3A_181[0] : f32 from vector<1xf32>
        %get3A_183 = arith.index_cast %scan3A_132 : i32 to index
        %get3A_184 = arith.constant 320 : index
        %get3A_185 = tpu.vector_load %arg12[%get3A_183, %get3A_184] {strides = array<i32>} : memref<128x512xf32, #tpu.memory_space<vmem>>, vector<1x16xf32>,
        %get3A_186 = vector.shape_cast %get3A_185 : vector<1x16xf32> to vector<16xf32>
        %mul3A_187 = vector.broadcast %squeeze3A_182 : f32 to vector<16xf32>
        %mul3A_188 = arith.mulf %mul3A_187, %get3A_186 : vector<16xf32>
        %add3A_189 = arith.addf %add3A_180, %mul3A_188 : vector<16xf32>
        %slice3A_190 = vector.extract_strided_slice %get3A_135 {offsets = [6], sizes = [1], strides = [1]} : vector<16xf32> to vector<1xf32>
        %squeeze3A_191 = vector.extract %slice3A_190[0] : f32 from vector<1xf32>
        %get3A_192 = arith.index_cast %scan3A_132 : i32 to index
        %get3A_193 = arith.constant 384 : index
        %get3A_194 = tpu.vector_load %arg12[%get3A_192, %get3A_193] {strides = array<i32>} : memref<128x512xf32, #tpu.memory_space<vmem>>, vector<1x16xf32>,
        %get3A_195 = vector.shape_cast %get3A_194 : vector<1x16xf32> to vector<16xf32>
        %mul3A_196 = vector.broadcast %squeeze3A_191 : f32 to vector<16xf32>
        %mul3A_197 = arith.mulf %mul3A_196, %get3A_195 : vector<16xf32>
        %add3A_198 = arith.addf %add3A_189, %mul3A_197 : vector<16xf32>
        %slice3A_199 = vector.extract_strided_slice %get3A_135 {offsets = [7], sizes = [1], strides = [1]} : vector<16xf32> to vector<1xf32>
        %squeeze3A_200 = vector.extract %slice3A_199[0] : f32 from vector<1xf32>
        %get3A_201 = arith.index_cast %scan3A_132 : i32 to index
        %get3A_202 = arith.constant 448 : index
        %get3A_203 = tpu.vector_load %arg12[%get3A_201, %get3A_202] {strides = array<i32>} : memref<128x512xf32, #tpu.memory_space<vmem>>, vector<1x16xf32>,
        %get3A_204 = vector.shape_cast %get3A_203 : vector<1x16xf32> to vector<16xf32>
        %mul3A_205 = vector.broadcast %squeeze3A_200 : f32 to vector<16xf32>
        %mul3A_206 = arith.mulf %mul3A_205, %get3A_204 : vector<16xf32>
        %add3A_207 = arith.addf %add3A_198, %mul3A_206 : vector<16xf32>
        %swap3A = arith.index_cast %scan3A_132 : i32 to index
        %swap3A_208 = arith.constant 0 : index
        %swap3A_209 = tpu.vector_load %arg17[%swap3A, %swap3A_208] {strides = array<i32>} : memref<128x64xf32, #tpu.memory_space<vmem>>, vector<1x16xf32>,
        %swap3A_210 = vector.shape_cast %swap3A_209 : vector<1x16xf32> to vector<16xf32>
        %swap3A_211 = vector.shape_cast %add3A_207 : vector<16xf32> to vector<1x16xf32>
        tpu.vector_store %arg17[%swap3A, %swap3A_208], %swap3A_211 {strides = array<i32>} : memref<128x64xf32, #tpu.memory_space<vmem>>, vector<1x16xf32>,
        %broadcast_in_dim3A_212 = arith.constant 0.000000e+00 : f32
        %broadcast_in_dim3A_213 = vector.broadcast %broadcast_in_dim3A_212 : f32 to vector<16xf32>
        %slice3A_214 = vector.extract_strided_slice %get3A_135 {offsets = [0], sizes = [1], strides = [1]} : vector<16xf32> to vector<1xf32>
        %squeeze3A_215 = vector.extract %slice3A_214[0] : f32 from vector<1xf32>
        %get3A_216 = arith.index_cast %scan3A_132 : i32 to index
        %get3A_217 = arith.constant 16 : index
        %get3A_218 = tpu.vector_load %arg12[%get3A_216, %get3A_217] {strides = array<i32>} : memref<128x512xf32, #tpu.memory_space<vmem>>, vector<1x16xf32>,
        %get3A_219 = vector.shape_cast %get3A_218 : vector<1x16xf32> to vector<16xf32>
        %mul3A_220 = vector.broadcast %squeeze3A_215 : f32 to vector<16xf32>
        %mul3A_221 = arith.mulf %mul3A_220, %get3A_219 : vector<16xf32>
        %add3A_222 = arith.addf %broadcast_in_dim3A_213, %mul3A_221 : vector<16xf32>
        %slice3A_223 = vector.extract_strided_slice %get3A_135 {offsets = [1], sizes = [1], strides = [1]} : vector<16xf32> to vector<1xf32>
        %squeeze3A_224 = vector.extract %slice3A_223[0] : f32 from vector<1xf32>
        %get3A_225 = arith.index_cast %scan3A_132 : i32 to index
        %get3A_226 = arith.constant 80 : index
        %get3A_227 = tpu.vector_load %arg12[%get3A_225, %get3A_226] {strides = array<i32>} : memref<128x512xf32, #tpu.memory_space<vmem>>, vector<1x16xf32>,
        %get3A_228 = vector.shape_cast %get3A_227 : vector<1x16xf32> to vector<16xf32>
        %mul3A_229 = vector.broadcast %squeeze3A_224 : f32 to vector<16xf32>
        %mul3A_230 = arith.mulf %mul3A_229, %get3A_228 : vector<16xf32>
        %add3A_231 = arith.addf %add3A_222, %mul3A_230 : vector<16xf32>
        %slice3A_232 = vector.extract_strided_slice %get3A_135 {offsets = [2], sizes = [1], strides = [1]} : vector<16xf32> to vector<1xf32>
        %squeeze3A_233 = vector.extract %slice3A_232[0] : f32 from vector<1xf32>
        %get3A_234 = arith.index_cast %scan3A_132 : i32 to index
        %get3A_235 = arith.constant 144 : index
        %get3A_236 = tpu.vector_load %arg12[%get3A_234, %get3A_235] {strides = array<i32>} : memref<128x512xf32, #tpu.memory_space<vmem>>, vector<1x16xf32>,
        %get3A_237 = vector.shape_cast %get3A_236 : vector<1x16xf32> to vector<16xf32>
        %mul3A_238 = vector.broadcast %squeeze3A_233 : f32 to vector<16xf32>
        %mul3A_239 = arith.mulf %mul3A_238, %get3A_237 : vector<16xf32>
        %add3A_240 = arith.addf %add3A_231, %mul3A_239 : vector<16xf32>
        %slice3A_241 = vector.extract_strided_slice %get3A_135 {offsets = [3], sizes = [1], strides = [1]} : vector<16xf32> to vector<1xf32>
        %squeeze3A_242 = vector.extract %slice3A_241[0] : f32 from vector<1xf32>
        %get3A_243 = arith.index_cast %scan3A_132 : i32 to index
        %get3A_244 = arith.constant 208 : index
        %get3A_245 = tpu.vector_load %arg12[%get3A_243, %get3A_244] {strides = array<i32>} : memref<128x512xf32, #tpu.memory_space<vmem>>, vector<1x16xf32>,
        %get3A_246 = vector.shape_cast %get3A_245 : vector<1x16xf32> to vector<16xf32>
        %mul3A_247 = vector.broadcast %squeeze3A_242 : f32 to vector<16xf32>
        %mul3A_248 = arith.mulf %mul3A_247, %get3A_246 : vector<16xf32>
        %add3A_249 = arith.addf %add3A_240, %mul3A_248 : vector<16xf32>
        %slice3A_250 = vector.extract_strided_slice %get3A_135 {offsets = [4], sizes = [1], strides = [1]} : vector<16xf32> to vector<1xf32>
        %squeeze3A_251 = vector.extract %slice3A_250[0] : f32 from vector<1xf32>
        %get3A_252 = arith.index_cast %scan3A_132 : i32 to index
        %get3A_253 = arith.constant 272 : index
        %get3A_254 = tpu.vector_load %arg12[%get3A_252, %get3A_253] {strides = array<i32>} : memref<128x512xf32, #tpu.memory_space<vmem>>, vector<1x16xf32>,
        %get3A_255 = vector.shape_cast %get3A_254 : vector<1x16xf32> to vector<16xf32>
        %mul3A_256 = vector.broadcast %squeeze3A_251 : f32 to vector<16xf32>
        %mul3A_257 = arith.mulf %mul3A_256, %get3A_255 : vector<16xf32>
        %add3A_258 = arith.addf %add3A_249, %mul3A_257 : vector<16xf32>
        %slice3A_259 = vector.extract_strided_slice %get3A_135 {offsets = [5], sizes = [1], strides = [1]} : vector<16xf32> to vector<1xf32>
        %squeeze3A_260 = vector.extract %slice3A_259[0] : f32 from vector<1xf32>
        %get3A_261 = arith.index_cast %scan3A_132 : i32 to index
        %get3A_262 = arith.constant 336 : index
        %get3A_263 = tpu.vector_load %arg12[%get3A_261, %get3A_262] {strides = array<i32>} : memref<128x512xf32, #tpu.memory_space<vmem>>, vector<1x16xf32>,
        %get3A_264 = vector.shape_cast %get3A_263 : vector<1x16xf32> to vector<16xf32>
        %mul3A_265 = vector.broadcast %squeeze3A_260 : f32 to vector<16xf32>
        %mul3A_266 = arith.mulf %mul3A_265, %get3A_264 : vector<16xf32>
        %add3A_267 = arith.addf %add3A_258, %mul3A_266 : vector<16xf32>
        %slice3A_268 = vector.extract_strided_slice %get3A_135 {offsets = [6], sizes = [1], strides = [1]} : vector<16xf32> to vector<1xf32>
        %squeeze3A_269 = vector.extract %slice3A_268[0] : f32 from vector<1xf32>
        %get3A_270 = arith.index_cast %scan3A_132 : i32 to index
        %get3A_271 = arith.constant 400 : index
        %get3A_272 = tpu.vector_load %arg12[%get3A_270, %get3A_271] {strides = array<i32>} : memref<128x512xf32, #tpu.memory_space<vmem>>, vector<1x16xf32>,
        %get3A_273 = vector.shape_cast %get3A_272 : vector<1x16xf32> to vector<16xf32>
        %mul3A_274 = vector.broadcast %squeeze3A_269 : f32 to vector<16xf32>
        %mul3A_275 = arith.mulf %mul3A_274, %get3A_273 : vector<16xf32>
        %add3A_276 = arith.addf %add3A_267, %mul3A_275 : vector<16xf32>
        %slice3A_277 = vector.extract_strided_slice %get3A_135 {offsets = [7], sizes = [1], strides = [1]} : vector<16xf32> to vector<1xf32>
        %squeeze3A_278 = vector.extract %slice3A_277[0] : f32 from vector<1xf32>
        %get3A_279 = arith.index_cast %scan3A_132 : i32 to index
        %get3A_280 = arith.constant 464 : index
        %get3A_281 = tpu.vector_load %arg12[%get3A_279, %get3A_280] {strides = array<i32>} : memref<128x512xf32, #tpu.memory_space<vmem>>, vector<1x16xf32>,
        %get3A_282 = vector.shape_cast %get3A_281 : vector<1x16xf32> to vector<16xf32>
        %mul3A_283 = vector.broadcast %squeeze3A_278 : f32 to vector<16xf32>
        %mul3A_284 = arith.mulf %mul3A_283, %get3A_282 : vector<16xf32>
        %add3A_285 = arith.addf %add3A_276, %mul3A_284 : vector<16xf32>
        %swap3A_286 = arith.index_cast %scan3A_132 : i32 to index
        %swap3A_287 = arith.constant 16 : index
        %swap3A_288 = tpu.vector_load %arg17[%swap3A_286, %swap3A_287] {strides = array<i32>} : memref<128x64xf32, #tpu.memory_space<vmem>>, vector<1x16xf32>,
        %swap3A_289 = vector.shape_cast %swap3A_288 : vector<1x16xf32> to vector<16xf32>
        %swap3A_290 = vector.shape_cast %add3A_285 : vector<16xf32> to vector<1x16xf32>
        tpu.vector_store %arg17[%swap3A_286, %swap3A_287], %swap3A_290 {strides = array<i32>} : memref<128x64xf32, #tpu.memory_space<vmem>>, vector<1x16xf32>,
        %broadcast_in_dim3A_291 = arith.constant 0.000000e+00 : f32
        %broadcast_in_dim3A_292 = vector.broadcast %broadcast_in_dim3A_291 : f32 to vector<16xf32>
        %slice3A_293 = vector.extract_strided_slice %get3A_135 {offsets = [0], sizes = [1], strides = [1]} : vector<16xf32> to vector<1xf32>
        %squeeze3A_294 = vector.extract %slice3A_293[0] : f32 from vector<1xf32>
        %get3A_295 = arith.index_cast %scan3A_132 : i32 to index
        %get3A_296 = arith.constant 32 : index
        %get3A_297 = tpu.vector_load %arg12[%get3A_295, %get3A_296] {strides = array<i32>} : memref<128x512xf32, #tpu.memory_space<vmem>>, vector<1x16xf32>,
        %get3A_298 = vector.shape_cast %get3A_297 : vector<1x16xf32> to vector<16xf32>
        %mul3A_299 = vector.broadcast %squeeze3A_294 : f32 to vector<16xf32>
        %mul3A_300 = arith.mulf %mul3A_299, %get3A_298 : vector<16xf32>
        %add3A_301 = arith.addf %broadcast_in_dim3A_292, %mul3A_300 : vector<16xf32>
        %slice3A_302 = vector.extract_strided_slice %get3A_135 {offsets = [1], sizes = [1], strides = [1]} : vector<16xf32> to vector<1xf32>
        %squeeze3A_303 = vector.extract %slice3A_302[0] : f32 from vector<1xf32>
        %get3A_304 = arith.index_cast %scan3A_132 : i32 to index
        %get3A_305 = arith.constant 96 : index
        %get3A_306 = tpu.vector_load %arg12[%get3A_304, %get3A_305] {strides = array<i32>} : memref<128x512xf32, #tpu.memory_space<vmem>>, vector<1x16xf32>,
        %get3A_307 = vector.shape_cast %get3A_306 : vector<1x16xf32> to vector<16xf32>
        %mul3A_308 = vector.broadcast %squeeze3A_303 : f32 to vector<16xf32>
        %mul3A_309 = arith.mulf %mul3A_308, %get3A_307 : vector<16xf32>
        %add3A_310 = arith.addf %add3A_301, %mul3A_309 : vector<16xf32>
        %slice3A_311 = vector.extract_strided_slice %get3A_135 {offsets = [2], sizes = [1], strides = [1]} : vector<16xf32> to vector<1xf32>
        %squeeze3A_312 = vector.extract %slice3A_311[0] : f32 from vector<1xf32>
        %get3A_313 = arith.index_cast %scan3A_132 : i32 to index
        %get3A_314 = arith.constant 160 : index
        %get3A_315 = tpu.vector_load %arg12[%get3A_313, %get3A_314] {strides = array<i32>} : memref<128x512xf32, #tpu.memory_space<vmem>>, vector<1x16xf32>,
        %get3A_316 = vector.shape_cast %get3A_315 : vector<1x16xf32> to vector<16xf32>
        %mul3A_317 = vector.broadcast %squeeze3A_312 : f32 to vector<16xf32>
        %mul3A_318 = arith.mulf %mul3A_317, %get3A_316 : vector<16xf32>
        %add3A_319 = arith.addf %add3A_310, %mul3A_318 : vector<16xf32>
        %slice3A_320 = vector.extract_strided_slice %get3A_135 {offsets = [3], sizes = [1], strides = [1]} : vector<16xf32> to vector<1xf32>
        %squeeze3A_321 = vector.extract %slice3A_320[0] : f32 from vector<1xf32>
        %get3A_322 = arith.index_cast %scan3A_132 : i32 to index
        %get3A_323 = arith.constant 224 : index
        %get3A_324 = tpu.vector_load %arg12[%get3A_322, %get3A_323] {strides = array<i32>} : memref<128x512xf32, #tpu.memory_space<vmem>>, vector<1x16xf32>,
        %get3A_325 = vector.shape_cast %get3A_324 : vector<1x16xf32> to vector<16xf32>
        %mul3A_326 = vector.broadcast %squeeze3A_321 : f32 to vector<16xf32>
        %mul3A_327 = arith.mulf %mul3A_326, %get3A_325 : vector<16xf32>
        %add3A_328 = arith.addf %add3A_319, %mul3A_327 : vector<16xf32>
        %slice3A_329 = vector.extract_strided_slice %get3A_135 {offsets = [4], sizes = [1], strides = [1]} : vector<16xf32> to vector<1xf32>
        %squeeze3A_330 = vector.extract %slice3A_329[0] : f32 from vector<1xf32>
        %get3A_331 = arith.index_cast %scan3A_132 : i32 to index
        %get3A_332 = arith.constant 288 : index
        %get3A_333 = tpu.vector_load %arg12[%get3A_331, %get3A_332] {strides = array<i32>} : memref<128x512xf32, #tpu.memory_space<vmem>>, vector<1x16xf32>,
        %get3A_334 = vector.shape_cast %get3A_333 : vector<1x16xf32> to vector<16xf32>
        %mul3A_335 = vector.broadcast %squeeze3A_330 : f32 to vector<16xf32>
        %mul3A_336 = arith.mulf %mul3A_335, %get3A_334 : vector<16xf32>
        %add3A_337 = arith.addf %add3A_328, %mul3A_336 : vector<16xf32>
        %slice3A_338 = vector.extract_strided_slice %get3A_135 {offsets = [5], sizes = [1], strides = [1]} : vector<16xf32> to vector<1xf32>
        %squeeze3A_339 = vector.extract %slice3A_338[0] : f32 from vector<1xf32>
        %get3A_340 = arith.index_cast %scan3A_132 : i32 to index
        %get3A_341 = arith.constant 352 : index
        %get3A_342 = tpu.vector_load %arg12[%get3A_340, %get3A_341] {strides = array<i32>} : memref<128x512xf32, #tpu.memory_space<vmem>>, vector<1x16xf32>,
        %get3A_343 = vector.shape_cast %get3A_342 : vector<1x16xf32> to vector<16xf32>
        %mul3A_344 = vector.broadcast %squeeze3A_339 : f32 to vector<16xf32>
        %mul3A_345 = arith.mulf %mul3A_344, %get3A_343 : vector<16xf32>
        %add3A_346 = arith.addf %add3A_337, %mul3A_345 : vector<16xf32>
        %slice3A_347 = vector.extract_strided_slice %get3A_135 {offsets = [6], sizes = [1], strides = [1]} : vector<16xf32> to vector<1xf32>
        %squeeze3A_348 = vector.extract %slice3A_347[0] : f32 from vector<1xf32>
        %get3A_349 = arith.index_cast %scan3A_132 : i32 to index
        %get3A_350 = arith.constant 416 : index
        %get3A_351 = tpu.vector_load %arg12[%get3A_349, %get3A_350] {strides = array<i32>} : memref<128x512xf32, #tpu.memory_space<vmem>>, vector<1x16xf32>,
        %get3A_352 = vector.shape_cast %get3A_351 : vector<1x16xf32> to vector<16xf32>
        %mul3A_353 = vector.broadcast %squeeze3A_348 : f32 to vector<16xf32>
        %mul3A_354 = arith.mulf %mul3A_353, %get3A_352 : vector<16xf32>
        %add3A_355 = arith.addf %add3A_346, %mul3A_354 : vector<16xf32>
        %slice3A_356 = vector.extract_strided_slice %get3A_135 {offsets = [7], sizes = [1], strides = [1]} : vector<16xf32> to vector<1xf32>
        %squeeze3A_357 = vector.extract %slice3A_356[0] : f32 from vector<1xf32>
        %get3A_358 = arith.index_cast %scan3A_132 : i32 to index
        %get3A_359 = arith.constant 480 : index
        %get3A_360 = tpu.vector_load %arg12[%get3A_358, %get3A_359] {strides = array<i32>} : memref<128x512xf32, #tpu.memory_space<vmem>>, vector<1x16xf32>,
        %get3A_361 = vector.shape_cast %get3A_360 : vector<1x16xf32> to vector<16xf32>
        %mul3A_362 = vector.broadcast %squeeze3A_357 : f32 to vector<16xf32>
        %mul3A_363 = arith.mulf %mul3A_362, %get3A_361 : vector<16xf32>
        %add3A_364 = arith.addf %add3A_355, %mul3A_363 : vector<16xf32>
        %swap3A_365 = arith.index_cast %scan3A_132 : i32 to index
        %swap3A_366 = arith.constant 32 : index
        %swap3A_367 = tpu.vector_load %arg17[%swap3A_365, %swap3A_366] {strides = array<i32>} : memref<128x64xf32, #tpu.memory_space<vmem>>, vector<1x16xf32>,
        %swap3A_368 = vector.shape_cast %swap3A_367 : vector<1x16xf32> to vector<16xf32>
        %swap3A_369 = vector.shape_cast %add3A_364 : vector<16xf32> to vector<1x16xf32>
        tpu.vector_store %arg17[%swap3A_365, %swap3A_366], %swap3A_369 {strides = array<i32>} : memref<128x64xf32, #tpu.memory_space<vmem>>, vector<1x16xf32>,
        %broadcast_in_dim3A_370 = arith.constant 0.000000e+00 : f32
        %broadcast_in_dim3A_371 = vector.broadcast %broadcast_in_dim3A_370 : f32 to vector<16xf32>
        %slice3A_372 = vector.extract_strided_slice %get3A_135 {offsets = [0], sizes = [1], strides = [1]} : vector<16xf32> to vector<1xf32>
        %squeeze3A_373 = vector.extract %slice3A_372[0] : f32 from vector<1xf32>
        %get3A_374 = arith.index_cast %scan3A_132 : i32 to index
        %get3A_375 = arith.constant 48 : index
        %get3A_376 = tpu.vector_load %arg12[%get3A_374, %get3A_375] {strides = array<i32>} : memref<128x512xf32, #tpu.memory_space<vmem>>, vector<1x16xf32>,
        %get3A_377 = vector.shape_cast %get3A_376 : vector<1x16xf32> to vector<16xf32>
        %mul3A_378 = vector.broadcast %squeeze3A_373 : f32 to vector<16xf32>
        %mul3A_379 = arith.mulf %mul3A_378, %get3A_377 : vector<16xf32>
        %add3A_380 = arith.addf %broadcast_in_dim3A_371, %mul3A_379 : vector<16xf32>
        %slice3A_381 = vector.extract_strided_slice %get3A_135 {offsets = [1], sizes = [1], strides = [1]} : vector<16xf32> to vector<1xf32>
        %squeeze3A_382 = vector.extract %slice3A_381[0] : f32 from vector<1xf32>
        %get3A_383 = arith.index_cast %scan3A_132 : i32 to index
        %get3A_384 = arith.constant 112 : index
        %get3A_385 = tpu.vector_load %arg12[%get3A_383, %get3A_384] {strides = array<i32>} : memref<128x512xf32, #tpu.memory_space<vmem>>, vector<1x16xf32>,
        %get3A_386 = vector.shape_cast %get3A_385 : vector<1x16xf32> to vector<16xf32>
        %mul3A_387 = vector.broadcast %squeeze3A_382 : f32 to vector<16xf32>
        %mul3A_388 = arith.mulf %mul3A_387, %get3A_386 : vector<16xf32>
        %add3A_389 = arith.addf %add3A_380, %mul3A_388 : vector<16xf32>
        %slice3A_390 = vector.extract_strided_slice %get3A_135 {offsets = [2], sizes = [1], strides = [1]} : vector<16xf32> to vector<1xf32>
        %squeeze3A_391 = vector.extract %slice3A_390[0] : f32 from vector<1xf32>
        %get3A_392 = arith.index_cast %scan3A_132 : i32 to index
        %get3A_393 = arith.constant 176 : index
        %get3A_394 = tpu.vector_load %arg12[%get3A_392, %get3A_393] {strides = array<i32>} : memref<128x512xf32, #tpu.memory_space<vmem>>, vector<1x16xf32>,
        %get3A_395 = vector.shape_cast %get3A_394 : vector<1x16xf32> to vector<16xf32>
        %mul3A_396 = vector.broadcast %squeeze3A_391 : f32 to vector<16xf32>
        %mul3A_397 = arith.mulf %mul3A_396, %get3A_395 : vector<16xf32>
        %add3A_398 = arith.addf %add3A_389, %mul3A_397 : vector<16xf32>
        %slice3A_399 = vector.extract_strided_slice %get3A_135 {offsets = [3], sizes = [1], strides = [1]} : vector<16xf32> to vector<1xf32>
        %squeeze3A_400 = vector.extract %slice3A_399[0] : f32 from vector<1xf32>
        %get3A_401 = arith.index_cast %scan3A_132 : i32 to index
        %get3A_402 = arith.constant 240 : index
        %get3A_403 = tpu.vector_load %arg12[%get3A_401, %get3A_402] {strides = array<i32>} : memref<128x512xf32, #tpu.memory_space<vmem>>, vector<1x16xf32>,
        %get3A_404 = vector.shape_cast %get3A_403 : vector<1x16xf32> to vector<16xf32>
        %mul3A_405 = vector.broadcast %squeeze3A_400 : f32 to vector<16xf32>
        %mul3A_406 = arith.mulf %mul3A_405, %get3A_404 : vector<16xf32>
        %add3A_407 = arith.addf %add3A_398, %mul3A_406 : vector<16xf32>
        %slice3A_408 = vector.extract_strided_slice %get3A_135 {offsets = [4], sizes = [1], strides = [1]} : vector<16xf32> to vector<1xf32>
        %squeeze3A_409 = vector.extract %slice3A_408[0] : f32 from vector<1xf32>
        %get3A_410 = arith.index_cast %scan3A_132 : i32 to index
        %get3A_411 = arith.constant 304 : index
        %get3A_412 = tpu.vector_load %arg12[%get3A_410, %get3A_411] {strides = array<i32>} : memref<128x512xf32, #tpu.memory_space<vmem>>, vector<1x16xf32>,
        %get3A_413 = vector.shape_cast %get3A_412 : vector<1x16xf32> to vector<16xf32>
        %mul3A_414 = vector.broadcast %squeeze3A_409 : f32 to vector<16xf32>
        %mul3A_415 = arith.mulf %mul3A_414, %get3A_413 : vector<16xf32>
        %add3A_416 = arith.addf %add3A_407, %mul3A_415 : vector<16xf32>
        %slice3A_417 = vector.extract_strided_slice %get3A_135 {offsets = [5], sizes = [1], strides = [1]} : vector<16xf32> to vector<1xf32>
        %squeeze3A_418 = vector.extract %slice3A_417[0] : f32 from vector<1xf32>
        %get3A_419 = arith.index_cast %scan3A_132 : i32 to index
        %get3A_420 = arith.constant 368 : index
        %get3A_421 = tpu.vector_load %arg12[%get3A_419, %get3A_420] {strides = array<i32>} : memref<128x512xf32, #tpu.memory_space<vmem>>, vector<1x16xf32>,
        %get3A_422 = vector.shape_cast %get3A_421 : vector<1x16xf32> to vector<16xf32>
        %mul3A_423 = vector.broadcast %squeeze3A_418 : f32 to vector<16xf32>
        %mul3A_424 = arith.mulf %mul3A_423, %get3A_422 : vector<16xf32>
        %add3A_425 = arith.addf %add3A_416, %mul3A_424 : vector<16xf32>
        %slice3A_426 = vector.extract_strided_slice %get3A_135 {offsets = [6], sizes = [1], strides = [1]} : vector<16xf32> to vector<1xf32>
        %squeeze3A_427 = vector.extract %slice3A_426[0] : f32 from vector<1xf32>
        %get3A_428 = arith.index_cast %scan3A_132 : i32 to index
        %get3A_429 = arith.constant 432 : index
        %get3A_430 = tpu.vector_load %arg12[%get3A_428, %get3A_429] {strides = array<i32>} : memref<128x512xf32, #tpu.memory_space<vmem>>, vector<1x16xf32>,
        %get3A_431 = vector.shape_cast %get3A_430 : vector<1x16xf32> to vector<16xf32>
        %mul3A_432 = vector.broadcast %squeeze3A_427 : f32 to vector<16xf32>
        %mul3A_433 = arith.mulf %mul3A_432, %get3A_431 : vector<16xf32>
        %add3A_434 = arith.addf %add3A_425, %mul3A_433 : vector<16xf32>
        %slice3A_435 = vector.extract_strided_slice %get3A_135 {offsets = [7], sizes = [1], strides = [1]} : vector<16xf32> to vector<1xf32>
        %squeeze3A_436 = vector.extract %slice3A_435[0] : f32 from vector<1xf32>
        %get3A_437 = arith.index_cast %scan3A_132 : i32 to index
        %get3A_438 = arith.constant 496 : index
        %get3A_439 = tpu.vector_load %arg12[%get3A_437, %get3A_438] {strides = array<i32>} : memref<128x512xf32, #tpu.memory_space<vmem>>, vector<1x16xf32>,
        %get3A_440 = vector.shape_cast %get3A_439 : vector<1x16xf32> to vector<16xf32>
        %mul3A_441 = vector.broadcast %squeeze3A_436 : f32 to vector<16xf32>
        %mul3A_442 = arith.mulf %mul3A_441, %get3A_440 : vector<16xf32>
        %add3A_443 = arith.addf %add3A_434, %mul3A_442 : vector<16xf32>
        %swap3A_444 = arith.index_cast %scan3A_132 : i32 to index
        %swap3A_445 = arith.constant 48 : index
        %swap3A_446 = tpu.vector_load %arg17[%swap3A_444, %swap3A_445] {strides = array<i32>} : memref<128x64xf32, #tpu.memory_space<vmem>>, vector<1x16xf32>,
        %swap3A_447 = vector.shape_cast %swap3A_446 : vector<1x16xf32> to vector<16xf32>
        %swap3A_448 = vector.shape_cast %add3A_443 : vector<16xf32> to vector<1x16xf32>
        tpu.vector_store %arg17[%swap3A_444, %swap3A_445], %swap3A_448 {strides = array<i32>} : memref<128x64xf32, #tpu.memory_space<vmem>>, vector<1x16xf32>,
      }
      %scan3A_131 = arith.constant 128 : i32
      %run_scoped3A = arith.constant 0 : i32
      "tpu.region"() ({
        %run_scoped3A_132 = tpu.sem_alloc : memref<!tpu.dma_semaphore, #tpu.memory_space<semaphore_mem>>
        %dma_start3A_133 = arith.constant 0 : i32
        %dma_start3A_134 = tpu.memref_slice %arg11[%run_scoped3A, %dma_start3A_133] : memref<1x128xi32, #tpu.memory_space<vmem>> -> memref<1x128xi32, #tpu.memory_space<vmem>>
        %dma_start3A_135 = tpu.memref_squeeze %dma_start3A_134 : memref<1x128xi32, #tpu.memory_space<vmem>> -> memref<128xi32, #tpu.memory_space<vmem>>
        %dma_start3A_136 = arith.constant 0 : i32
        %dma_start3A_137 = arith.constant 0 : i32
        %dma_start3A_138 = tpu.memref_slice %arg19[%dma_start3A_136, %dma_start3A_137] : memref<10240x64xf32, #tpu.memory_space<vmem_shared>> -> memref<10240x64xf32, #tpu.memory_space<vmem_shared>>
        tpu.enqueue_indirect_dma source(%arg17 : memref<128x64xf32, #tpu.memory_space<vmem>>) target(%dma_start3A_138 : memref<10240x64xf32, #tpu.memory_space<vmem_shared>>) offsets(%dma_start3A_135 : memref<128xi32, #tpu.memory_space<vmem>>) semaphore(%run_scoped3A_132 : memref<!tpu.dma_semaphore, #tpu.memory_space<semaphore_mem>>) {add = true}
        %dma_wait3A_139 = arith.constant 0 : i32
        %dma_wait3A_140 = tpu.memref_slice %arg11[%run_scoped3A, %dma_wait3A_139] : memref<1x128xi32, #tpu.memory_space<vmem>> -> memref<1x128xi32, #tpu.memory_space<vmem>>
        %dma_wait3A_141 = tpu.memref_squeeze %dma_wait3A_140 : memref<1x128xi32, #tpu.memory_space<vmem>> -> memref<128xi32, #tpu.memory_space<vmem>>
        %dma_wait3A_142 = arith.constant 0 : i32
        %dma_wait3A_143 = arith.constant 0 : i32
        %dma_wait3A_144 = tpu.memref_slice %arg19[%dma_wait3A_142, %dma_wait3A_143] : memref<10240x64xf32, #tpu.memory_space<vmem_shared>> -> memref<10240x64xf32, #tpu.memory_space<vmem_shared>>
        tpu.wait_indirect_dma semaphore(%run_scoped3A_132 : memref<!tpu.dma_semaphore, #tpu.memory_space<semaphore_mem>>) src(%arg17 : memref<128x64xf32, #tpu.memory_space<vmem>>) dst(%dma_wait3A_144 : memref<10240x64xf32, #tpu.memory_space<vmem_shared>>)
        tpu.yield
      }) : () -> ()
    }
    %scan3A_54 = arith.constant 40 : i32
    %barrier3A_55 = arith.constant 0 : index
    tpu.barrier barrier_id(%barrier3A_55)
    %eq3A = arith.constant 0 : i32
    %eq3A_56 = arith.cmpi eq, %arg1, %eq3A : i32
    %eq3A_57 = arith.constant 0 : i32
    %eq3A_58 = arith.cmpi eq, %arg0, %eq3A_57 : i32
    %and3A = arith.andi %eq3A_56, %eq3A_58 : i1
    %convert_element_type3A = arith.extui %and3A : i1 to i32
    %cond3A = arith.constant 0 : i32
    %cond3A_59 = arith.cmpi ne, %convert_element_type3A, %cond3A : i32
    scf.if %cond3A_59 {
      "tpu.region"() ({
        %run_scoped3A = tpu.sem_alloc : memref<!tpu.dma_semaphore, #tpu.memory_space<semaphore_mem>>
        tpu.enqueue_dma source(%arg19 : memref<10240x64xf32, #tpu.memory_space<vmem_shared>>) target(%arg8 : memref<10240x64xf32, #tpu.memory_space<hbm>>) target_semaphore(%run_scoped3A : memref<!tpu.dma_semaphore, #tpu.memory_space<semaphore_mem>>)
        tpu.wait_dma2 semaphore(%run_scoped3A : memref<!tpu.dma_semaphore, #tpu.memory_space<semaphore_mem>>) src(%arg19 : memref<10240x64xf32, #tpu.memory_space<vmem_shared>>) dst(%arg8 : memref<10240x64xf32, #tpu.memory_space<hbm>>)
        tpu.yield
      }) : () -> ()
    } else {
    }
    %eq3A_60 = arith.constant 0 : i32
    %eq3A_61 = arith.cmpi eq, %arg1, %eq3A_60 : i32
    %eq3A_62 = arith.constant 1 : i32
    %eq3A_63 = arith.cmpi eq, %arg0, %eq3A_62 : i32
    %and3A_64 = arith.andi %eq3A_61, %eq3A_63 : i1
    %convert_element_type3A_65 = arith.extui %and3A_64 : i1 to i32
    %cond3A_66 = arith.constant 0 : i32
    %cond3A_67 = arith.cmpi ne, %convert_element_type3A_65, %cond3A_66 : i32
    scf.if %cond3A_67 {
      "tpu.region"() ({
        %run_scoped3A = tpu.sem_alloc : memref<!tpu.dma_semaphore, #tpu.memory_space<semaphore_mem>>
        tpu.enqueue_dma source(%arg19 : memref<10240x64xf32, #tpu.memory_space<vmem_shared>>) target(%arg9 : memref<10240x64xf32, #tpu.memory_space<hbm>>) target_semaphore(%run_scoped3A : memref<!tpu.dma_semaphore, #tpu.memory_space<semaphore_mem>>)
        tpu.wait_dma2 semaphore(%run_scoped3A : memref<!tpu.dma_semaphore, #tpu.memory_space<semaphore_mem>>) src(%arg19 : memref<10240x64xf32, #tpu.memory_space<vmem_shared>>) dst(%arg9 : memref<10240x64xf32, #tpu.memory_space<hbm>>)
        tpu.yield
      }) : () -> ()
    } else {
    }
    return
  }
}

module attributes {stable_mosaic.version = 14 : i64} {
  func.func @_dense_body(%arg0: i32, %arg1: memref<256x256xf32, #tpu.memory_space<vmem>>, %arg2: memref<256x512xf32, #tpu.memory_space<vmem>>, %arg3: memref<1x512xf32, #tpu.memory_space<vmem>>, %arg4: memref<512x256xf32, #tpu.memory_space<vmem>>, %arg5: memref<1x256xf32, #tpu.memory_space<vmem>>, %arg6: memref<256x256xf32, #tpu.memory_space<vmem>>, %arg7: memref<1x256xf32, #tpu.memory_space<vmem>>, %arg8: memref<256x512xf32, #tpu.memory_space<vmem>>, %arg9: memref<1x512xf32, #tpu.memory_space<vmem>>, %arg10: memref<1x512xf32, #tpu.memory_space<vmem>>, %arg11: memref<512x8xf32, #tpu.memory_space<vmem>>, %arg12: memref<256x512xf32, #tpu.memory_space<vmem>>, %arg13: memref<256x16xf32, #tpu.memory_space<vmem>>, %arg14: memref<256x16xf32, #tpu.memory_space<vmem>>, %arg15: memref<2x16xf32, #tpu.memory_space<vmem>>) attributes {dimension_semantics = [#tpu.dimension_semantics<arbitrary>], iteration_bounds = array<i64: 40>, scalar_prefetch = 0 : i64, scratch_operands = 0 : i64, tpu.core_type = #tpu.core_type<tc>, window_params = [{transform_indices = @transform_0, window_bounds = array<i64: 256, 256>}, {pipeline_mode = #tpu.pipeline_mode<synchronous>, transform_indices = @transform_1, window_bounds = array<i64: 256, 512>}, {pipeline_mode = #tpu.pipeline_mode<synchronous>, transform_indices = @transform_2, window_bounds = array<i64: 1, 512>}, {pipeline_mode = #tpu.pipeline_mode<synchronous>, transform_indices = @transform_3, window_bounds = array<i64: 512, 256>}, {pipeline_mode = #tpu.pipeline_mode<synchronous>, transform_indices = @transform_4, window_bounds = array<i64: 1, 256>}, {pipeline_mode = #tpu.pipeline_mode<synchronous>, transform_indices = @transform_5, window_bounds = array<i64: 256, 256>}, {pipeline_mode = #tpu.pipeline_mode<synchronous>, transform_indices = @transform_6, window_bounds = array<i64: 1, 256>}, {pipeline_mode = #tpu.pipeline_mode<synchronous>, transform_indices = @transform_7, window_bounds = array<i64: 256, 512>}, {pipeline_mode = #tpu.pipeline_mode<synchronous>, transform_indices = @transform_8, window_bounds = array<i64: 1, 512>}, {pipeline_mode = #tpu.pipeline_mode<synchronous>, transform_indices = @transform_9, window_bounds = array<i64: 1, 512>}, {pipeline_mode = #tpu.pipeline_mode<synchronous>, transform_indices = @transform_10, window_bounds = array<i64: 512, 8>}, {transform_indices = @transform_11, window_bounds = array<i64: 256, 512>}, {transform_indices = @transform_12, window_bounds = array<i64: 256, 16>}, {transform_indices = @transform_13, window_bounds = array<i64: 256, 16>}, {pipeline_mode = #tpu.pipeline_mode<synchronous>, transform_indices = @transform_14, window_bounds = array<i64: 2, 16>}]} {
    %get3A = arith.constant 0 : index
    %get3A_0 = arith.constant 0 : index
    %get3A_1 = vector.load %arg1[%get3A, %get3A_0] : memref<256x256xf32, #tpu.memory_space<vmem>>, vector<256x256xf32>
    %get3A_2 = arith.constant 0 : index
    %get3A_3 = arith.constant 0 : index
    %get3A_4 = vector.load %arg2[%get3A_2, %get3A_3] : memref<256x512xf32, #tpu.memory_space<vmem>>, vector<256x512xf32>
    %dot_general3A = arith.constant dense<0.000000e+00> : vector<256x512xf32>
    %dot_general3A_5 = tpu.matmul %get3A_1, %get3A_4, %dot_general3A {dimension_numbers = #tpu.dot_dimension_numbers<[1], [0], [0], [1], [0, 0, 1, 1], [], []>, transpose_lhs_hint = false} : vector<256x256xf32>, vector<256x512xf32>, vector<256x512xf32> -> vector<256x512xf32>
    %get3A_6 = arith.constant 0 : index
    %get3A_7 = arith.constant 0 : index
    %get3A_8 = vector.load %arg3[%get3A_6, %get3A_7] : memref<1x512xf32, #tpu.memory_space<vmem>>, vector<1x512xf32>
    %add3A = vector.broadcast %get3A_8 : vector<1x512xf32> to vector<256x512xf32>
    %add3A_9 = arith.addf %dot_general3A_5, %add3A : vector<256x512xf32>
    %max3A = arith.constant 0.000000e+00 : f32
    %max3A_10 = vector.broadcast %max3A : f32 to vector<256x512xf32>
    %max3A_11 = arith.maximumf %add3A_9, %max3A_10 : vector<256x512xf32>
    %get3A_12 = arith.constant 0 : index
    %get3A_13 = arith.constant 0 : index
    %get3A_14 = vector.load %arg4[%get3A_12, %get3A_13] : memref<512x256xf32, #tpu.memory_space<vmem>>, vector<512x256xf32>
    %dot_general3A_15 = arith.constant dense<0.000000e+00> : vector<256x256xf32>
    %dot_general3A_16 = tpu.matmul %max3A_11, %get3A_14, %dot_general3A_15 {dimension_numbers = #tpu.dot_dimension_numbers<[1], [0], [0], [1], [0, 0, 1, 1], [], []>, transpose_lhs_hint = false} : vector<256x512xf32>, vector<512x256xf32>, vector<256x256xf32> -> vector<256x256xf32>
    %get3A_17 = arith.constant 0 : index
    %get3A_18 = arith.constant 0 : index
    %get3A_19 = vector.load %arg5[%get3A_17, %get3A_18] : memref<1x256xf32, #tpu.memory_space<vmem>>, vector<1x256xf32>
    %add3A_20 = vector.broadcast %get3A_19 : vector<1x256xf32> to vector<256x256xf32>
    %add3A_21 = arith.addf %dot_general3A_16, %add3A_20 : vector<256x256xf32>
    %get3A_22 = arith.constant 0 : index
    %get3A_23 = arith.constant 0 : index
    %get3A_24 = vector.load %arg6[%get3A_22, %get3A_23] : memref<256x256xf32, #tpu.memory_space<vmem>>, vector<256x256xf32>
    %dot_general3A_25 = arith.constant dense<0.000000e+00> : vector<256x256xf32>
    %dot_general3A_26 = tpu.matmul %add3A_21, %get3A_24, %dot_general3A_25 {dimension_numbers = #tpu.dot_dimension_numbers<[1], [0], [0], [1], [0, 0, 1, 1], [], []>, transpose_lhs_hint = false} : vector<256x256xf32>, vector<256x256xf32>, vector<256x256xf32> -> vector<256x256xf32>
    %get3A_27 = arith.constant 0 : index
    %get3A_28 = arith.constant 0 : index
    %get3A_29 = vector.load %arg7[%get3A_27, %get3A_28] : memref<1x256xf32, #tpu.memory_space<vmem>>, vector<1x256xf32>
    %add3A_30 = vector.broadcast %get3A_29 : vector<1x256xf32> to vector<256x256xf32>
    %add3A_31 = arith.addf %dot_general3A_26, %add3A_30 : vector<256x256xf32>
    %get3A_32 = arith.constant 0 : index
    %get3A_33 = arith.constant 0 : index
    %get3A_34 = vector.load %arg8[%get3A_32, %get3A_33] : memref<256x512xf32, #tpu.memory_space<vmem>>, vector<256x512xf32>
    %dot_general3A_35 = arith.constant dense<0.000000e+00> : vector<256x512xf32>
    %dot_general3A_36 = tpu.matmul %add3A_31, %get3A_34, %dot_general3A_35 {dimension_numbers = #tpu.dot_dimension_numbers<[1], [0], [0], [1], [0, 0, 1, 1], [], []>, transpose_lhs_hint = false} : vector<256x256xf32>, vector<256x512xf32>, vector<256x512xf32> -> vector<256x512xf32>
    %swap3A = arith.constant 0 : index
    %swap3A_37 = arith.constant 0 : index
    %swap3A_38 = vector.load %arg12[%swap3A, %swap3A_37] : memref<256x512xf32, #tpu.memory_space<vmem>>, vector<256x512xf32>
    tpu.vector_store %arg12[%swap3A, %swap3A_37], %dot_general3A_36 {strides = array<i32>} : memref<256x512xf32, #tpu.memory_space<vmem>>, vector<256x512xf32>,
    %get3A_39 = arith.constant 0 : index
    %get3A_40 = arith.constant 0 : index
    %get3A_41 = vector.load %arg9[%get3A_39, %get3A_40] : memref<1x512xf32, #tpu.memory_space<vmem>>, vector<1x512xf32>
    %mul3A = vector.broadcast %get3A_41 : vector<1x512xf32> to vector<256x512xf32>
    %mul3A_42 = arith.mulf %dot_general3A_36, %mul3A : vector<256x512xf32>
    %get3A_43 = arith.constant 0 : index
    %get3A_44 = arith.constant 0 : index
    %get3A_45 = vector.load %arg11[%get3A_43, %get3A_44] : memref<512x8xf32, #tpu.memory_space<vmem>>, vector<512x8xf32>
    %dot_general3A_46 = arith.constant dense<0.000000e+00> : vector<256x8xf32>
    %dot_general3A_47 = tpu.matmul %mul3A_42, %get3A_45, %dot_general3A_46 {dimension_numbers = #tpu.dot_dimension_numbers<[1], [0], [0], [1], [0, 0, 1, 1], [], []>, transpose_lhs_hint = false} : vector<256x512xf32>, vector<512x8xf32>, vector<256x8xf32> -> vector<256x8xf32>
    %get3A_48 = arith.constant 0 : index
    %get3A_49 = arith.constant 0 : index
    %get3A_50 = vector.load %arg10[%get3A_48, %get3A_49] : memref<1x512xf32, #tpu.memory_space<vmem>>, vector<1x512xf32>
    %mul3A_51 = vector.broadcast %get3A_50 : vector<1x512xf32> to vector<256x512xf32>
    %mul3A_52 = arith.mulf %dot_general3A_36, %mul3A_51 : vector<256x512xf32>
    %get3A_53 = arith.constant 0 : index
    %get3A_54 = arith.constant 0 : index
    %get3A_55 = vector.load %arg11[%get3A_53, %get3A_54] : memref<512x8xf32, #tpu.memory_space<vmem>>, vector<512x8xf32>
    %dot_general3A_56 = arith.constant dense<0.000000e+00> : vector<256x8xf32>
    %dot_general3A_57 = tpu.matmul %mul3A_52, %get3A_55, %dot_general3A_56 {dimension_numbers = #tpu.dot_dimension_numbers<[1], [0], [0], [1], [0, 0, 1, 1], [], []>, transpose_lhs_hint = false} : vector<256x512xf32>, vector<512x8xf32>, vector<256x8xf32> -> vector<256x8xf32>
    %mul3A_58 = arith.constant 256 : i32
    %mul3A_59 = arith.muli %arg0, %mul3A_58 : i32
    %iota3A = tpu.iota {dimensions = array<i32: 0>} : vector<256x1xi32>
    %add3A_60 = vector.broadcast %mul3A_59 : i32 to vector<256x1xi32>
    %add3A_61 = arith.addi %add3A_60, %iota3A : vector<256x1xi32>
    %lt3A = arith.constant 10000 : i32
    %lt3A_62 = vector.broadcast %lt3A : i32 to vector<256x1xi32>
    %lt3A_63 = arith.cmpi slt, %add3A_61, %lt3A_62 : vector<256x1xi32>
    %broadcast_in_dim3A = arith.constant -1.000000e+30 : f32
    %broadcast_in_dim3A_64 = vector.broadcast %broadcast_in_dim3A : f32 to vector<256x8xf32>
    %broadcast_in_dim3A_65 = vector.shape_cast %lt3A_63 : vector<256x1xi1> to vector<256x1xi1>
    %broadcast_in_dim3A_66 = vector.broadcast %broadcast_in_dim3A_65 : vector<256x1xi1> to vector<256x8xi1>
    %select_n3A = arith.select %broadcast_in_dim3A_66, %dot_general3A_47, %broadcast_in_dim3A_64 : vector<256x8xi1>, vector<256x8xf32>
    %broadcast_in_dim3A_67 = vector.shape_cast %lt3A_63 : vector<256x1xi1> to vector<256x1xi1>
    %broadcast_in_dim3A_68 = vector.broadcast %broadcast_in_dim3A_67 : vector<256x1xi1> to vector<256x8xi1>
    %select_n3A_69 = arith.select %broadcast_in_dim3A_68, %dot_general3A_57, %broadcast_in_dim3A_64 : vector<256x8xi1>, vector<256x8xf32>
    %broadcast_in_dim3A_70 = arith.constant 0.000000e+00 : f32
    %broadcast_in_dim3A_71 = vector.broadcast %broadcast_in_dim3A_70 : f32 to vector<256x8xf32>
    %concatenate3A = tpu.concatenate %select_n3A, %broadcast_in_dim3A_71 in 1 : vector<256x8xf32>, vector<256x8xf32> -> vector<256x16xf32>
    %swap3A_72 = arith.constant 0 : index
    %swap3A_73 = arith.constant 0 : index
    %swap3A_74 = vector.load %arg13[%swap3A_72, %swap3A_73] : memref<256x16xf32, #tpu.memory_space<vmem>>, vector<256x16xf32>
    tpu.vector_store %arg13[%swap3A_72, %swap3A_73], %concatenate3A {strides = array<i32>} : memref<256x16xf32, #tpu.memory_space<vmem>>, vector<256x16xf32>,
    %concatenate3A_75 = tpu.concatenate %select_n3A_69, %broadcast_in_dim3A_71 in 1 : vector<256x8xf32>, vector<256x8xf32> -> vector<256x16xf32>
    %swap3A_76 = arith.constant 0 : index
    %swap3A_77 = arith.constant 0 : index
    %swap3A_78 = vector.load %arg14[%swap3A_76, %swap3A_77] : memref<256x16xf32, #tpu.memory_space<vmem>>, vector<256x16xf32>
    tpu.vector_store %arg14[%swap3A_76, %swap3A_77], %concatenate3A_75 {strides = array<i32>} : memref<256x16xf32, #tpu.memory_space<vmem>>, vector<256x16xf32>,
    %reduce_max3A = arith.constant dense<0xFF800000> : vector<8xf32>
    %reduce_max3A_79 = vector.multi_reduction <maximumf>, %select_n3A, %reduce_max3A [0] : vector<256x8xf32> to vector<8xf32>
    %broadcast_in_dim3A_80 = vector.shape_cast %reduce_max3A_79 : vector<8xf32> to vector<1x8xf32>
    %reduce_max3A_81 = arith.constant dense<0xFF800000> : vector<8xf32>
    %reduce_max3A_82 = vector.multi_reduction <maximumf>, %select_n3A_69, %reduce_max3A_81 [0] : vector<256x8xf32> to vector<8xf32>
    %broadcast_in_dim3A_83 = vector.shape_cast %reduce_max3A_82 : vector<8xf32> to vector<1x8xf32>
    %concatenate3A_84 = tpu.concatenate %broadcast_in_dim3A_80, %broadcast_in_dim3A_83 in 0 : vector<1x8xf32>, vector<1x8xf32> -> vector<2x8xf32>
    %broadcast_in_dim3A_85 = arith.constant 0.000000e+00 : f32
    %broadcast_in_dim3A_86 = vector.broadcast %broadcast_in_dim3A_85 : f32 to vector<2x8xf32>
    %concatenate3A_87 = tpu.concatenate %concatenate3A_84, %broadcast_in_dim3A_86 in 1 : vector<2x8xf32>, vector<2x8xf32> -> vector<2x16xf32>
    %eq3A = arith.constant 0 : i32
    %eq3A_88 = arith.cmpi eq, %arg0, %eq3A : i32
    %broadcast_in_dim3A_89 = arith.constant -1.000000e+30 : f32
    %broadcast_in_dim3A_90 = vector.broadcast %broadcast_in_dim3A_89 : f32 to vector<2x16xf32>
    %get3A_91 = arith.constant 0 : index
    %get3A_92 = arith.constant 0 : index
    %get3A_93 = vector.load %arg15[%get3A_91, %get3A_92] : memref<2x16xf32, #tpu.memory_space<vmem>>, vector<2x16xf32>
    %select_n3A_94 = arith.select %eq3A_88, %broadcast_in_dim3A_90, %get3A_93 : vector<2x16xf32>
    %max3A_95 = arith.maximumf %select_n3A_94, %concatenate3A_87 : vector<2x16xf32>
    %swap3A_96 = arith.constant 0 : index
    %swap3A_97 = arith.constant 0 : index
    %swap3A_98 = vector.load %arg15[%swap3A_96, %swap3A_97] : memref<2x16xf32, #tpu.memory_space<vmem>>, vector<2x16xf32>
    tpu.vector_store %arg15[%swap3A_96, %swap3A_97], %max3A_95 {strides = array<i32>} : memref<2x16xf32, #tpu.memory_space<vmem>>, vector<2x16xf32>,
    return
  }
  func.func @transform_0(%arg0: i32) -> (i32, i32) {
    %c0_i32 = arith.constant 0 : i32
    %c0_i32_0 = arith.constant 0 : i32
    return %arg0, %c0_i32 : i32, i32
  }
  func.func @transform_1(%arg0: i32) -> (i32, i32) {
    %c0_i32 = arith.constant 0 : i32
    %c0_i32_0 = arith.constant 0 : i32
    %c0_i32_1 = arith.constant 0 : i32
    return %c0_i32, %c0_i32_0 : i32, i32
  }
  func.func @transform_2(%arg0: i32) -> (i32, i32) {
    %c0_i32 = arith.constant 0 : i32
    %c0_i32_0 = arith.constant 0 : i32
    %c0_i32_1 = arith.constant 0 : i32
    return %c0_i32, %c0_i32_0 : i32, i32
  }
  func.func @transform_3(%arg0: i32) -> (i32, i32) {
    %c0_i32 = arith.constant 0 : i32
    %c0_i32_0 = arith.constant 0 : i32
    %c0_i32_1 = arith.constant 0 : i32
    return %c0_i32, %c0_i32_0 : i32, i32
  }
  func.func @transform_4(%arg0: i32) -> (i32, i32) {
    %c0_i32 = arith.constant 0 : i32
    %c0_i32_0 = arith.constant 0 : i32
    %c0_i32_1 = arith.constant 0 : i32
    return %c0_i32, %c0_i32_0 : i32, i32
  }
  func.func @transform_5(%arg0: i32) -> (i32, i32) {
    %c0_i32 = arith.constant 0 : i32
    %c0_i32_0 = arith.constant 0 : i32
    %c0_i32_1 = arith.constant 0 : i32
    return %c0_i32, %c0_i32_0 : i32, i32
  }
  func.func @transform_6(%arg0: i32) -> (i32, i32) {
    %c0_i32 = arith.constant 0 : i32
    %c0_i32_0 = arith.constant 0 : i32
    %c0_i32_1 = arith.constant 0 : i32
    return %c0_i32, %c0_i32_0 : i32, i32
  }
  func.func @transform_7(%arg0: i32) -> (i32, i32) {
    %c0_i32 = arith.constant 0 : i32
    %c0_i32_0 = arith.constant 0 : i32
    %c0_i32_1 = arith.constant 0 : i32
    return %c0_i32, %c0_i32_0 : i32, i32
  }
  func.func @transform_8(%arg0: i32) -> (i32, i32) {
    %c0_i32 = arith.constant 0 : i32
    %c0_i32_0 = arith.constant 0 : i32
    %c0_i32_1 = arith.constant 0 : i32
    return %c0_i32, %c0_i32_0 : i32, i32
  }
  func.func @transform_9(%arg0: i32) -> (i32, i32) {
    %c0_i32 = arith.constant 0 : i32
    %c0_i32_0 = arith.constant 0 : i32
    %c0_i32_1 = arith.constant 0 : i32
    return %c0_i32, %c0_i32_0 : i32, i32
  }
  func.func @transform_10(%arg0: i32) -> (i32, i32) {
    %c0_i32 = arith.constant 0 : i32
    %c0_i32_0 = arith.constant 0 : i32
    %c0_i32_1 = arith.constant 0 : i32
    return %c0_i32, %c0_i32_0 : i32, i32
  }
  func.func @transform_11(%arg0: i32) -> (i32, i32) {
    %c0_i32 = arith.constant 0 : i32
    %c0_i32_0 = arith.constant 0 : i32
    return %arg0, %c0_i32 : i32, i32
  }
  func.func @transform_12(%arg0: i32) -> (i32, i32) {
    %c0_i32 = arith.constant 0 : i32
    %c0_i32_0 = arith.constant 0 : i32
    return %arg0, %c0_i32 : i32, i32
  }
  func.func @transform_13(%arg0: i32) -> (i32, i32) {
    %c0_i32 = arith.constant 0 : i32
    %c0_i32_0 = arith.constant 0 : i32
    return %arg0, %c0_i32 : i32, i32
  }
  func.func @transform_14(%arg0: i32) -> (i32, i32) {
    %c0_i32 = arith.constant 0 : i32
    %c0_i32_0 = arith.constant 0 : i32
    %c0_i32_1 = arith.constant 0 : i32
    return %c0_i32, %c0_i32_0 : i32, i32
  }
}

module attributes {stable_mosaic.version = 14 : i64} {
  func.func @_comb_body(%arg0: i32, %arg1: memref<256x64xf32, #tpu.memory_space<vmem>>, %arg2: memref<256x64xf32, #tpu.memory_space<vmem>>, %arg3: memref<1x64xf32, #tpu.memory_space<vmem>>, %arg4: memref<256x64xf32, #tpu.memory_space<vmem>>) attributes {dimension_semantics = [#tpu.dimension_semantics<arbitrary>], iteration_bounds = array<i64: 40>, scalar_prefetch = 0 : i64, scratch_operands = 0 : i64, tpu.core_type = #tpu.core_type<tc>, window_params = [{transform_indices = @transform_0, window_bounds = array<i64: 256, 64>}, {transform_indices = @transform_1, window_bounds = array<i64: 256, 64>}, {pipeline_mode = #tpu.pipeline_mode<synchronous>, transform_indices = @transform_2, window_bounds = array<i64: 1, 64>}, {transform_indices = @transform_3, window_bounds = array<i64: 256, 64>}]} {
    %get3A = arith.constant 0 : index
    %get3A_0 = arith.constant 0 : index
    %get3A_1 = vector.load %arg1[%get3A, %get3A_0] : memref<256x64xf32, #tpu.memory_space<vmem>>, vector<256x64xf32>
    %get3A_2 = arith.constant 0 : index
    %get3A_3 = arith.constant 0 : index
    %get3A_4 = vector.load %arg2[%get3A_2, %get3A_3] : memref<256x64xf32, #tpu.memory_space<vmem>>, vector<256x64xf32>
    %add3A = arith.addf %get3A_1, %get3A_4 : vector<256x64xf32>
    %get3A_5 = arith.constant 0 : index
    %get3A_6 = arith.constant 0 : index
    %get3A_7 = vector.load %arg3[%get3A_5, %get3A_6] : memref<1x64xf32, #tpu.memory_space<vmem>>, vector<1x64xf32>
    %add3A_8 = vector.broadcast %get3A_7 : vector<1x64xf32> to vector<256x64xf32>
    %add3A_9 = arith.addf %add3A, %add3A_8 : vector<256x64xf32>
    %swap3A = arith.constant 0 : index
    %swap3A_10 = arith.constant 0 : index
    %swap3A_11 = vector.load %arg4[%swap3A, %swap3A_10] : memref<256x64xf32, #tpu.memory_space<vmem>>, vector<256x64xf32>
    tpu.vector_store %arg4[%swap3A, %swap3A_10], %add3A_9 {strides = array<i32>} : memref<256x64xf32, #tpu.memory_space<vmem>>, vector<256x64xf32>,
    return
  }
  func.func @transform_0(%arg0: i32) -> (i32, i32) {
    %c0_i32 = arith.constant 0 : i32
    %c0_i32_0 = arith.constant 0 : i32
    return %arg0, %c0_i32 : i32, i32
  }
  func.func @transform_1(%arg0: i32) -> (i32, i32) {
    %c0_i32 = arith.constant 0 : i32
    %c0_i32_0 = arith.constant 0 : i32
    return %arg0, %c0_i32 : i32, i32
  }
  func.func @transform_2(%arg0: i32) -> (i32, i32) {
    %c0_i32 = arith.constant 0 : i32
    %c0_i32_0 = arith.constant 0 : i32
    %c0_i32_1 = arith.constant 0 : i32
    return %c0_i32, %c0_i32_0 : i32, i32
  }
  func.func @transform_3(%arg0: i32) -> (i32, i32) {
    %c0_i32 = arith.constant 0 : i32
    %c0_i32_0 = arith.constant 0 : i32
    return %arg0, %c0_i32 : i32, i32
  }
}

</mosaic_0001>

<sc_bundles>
// kernel: kernel.6.cloned.1.call-start
scs
__scs_entry_jumppad:
0x0: {  	(pc) =	sbr.rel $0x88, $3  }
0x1: {  	(tag) =	ssettag $0x0;
	lr =	simm.s32 $0x1  }
0x2: {  	[smem:$0x3F95] =	sst lr;
	_ =	strace $0xD0000000  }
0x3: {  	_ = 	snop  }
0x4: {  	_ = 	snop  }
0x5: {  	_ = 	snop  }
0x6: {  	_ = 	snop  }
0x7: {  	_ = 	snop  }
__scs_overlays_trampoline_lowered:
0x8: {  	[smem:$0x3FA4] =	sst s0  }
0x9: {  	[smem:$0x3FA5] =	sst s1  }
0xa: {  	[smem:$0x3FA6] =	sst s2  }
0xb: {  	[smem:$0x3FA7] =	sst s3  }
0xc: {  	[smem:$0x3FA8] =	sst s4  }
0xd: {  	[smem:$0x3FA9] =	sst s5  }
0xe: {  	[smem:$0x3FAA] =	sst s6  }
0xf: {  	[smem:$0x3FAB] =	sst s7  }
0x10: {  	[smem:$0x3FAC] =	sst s8  }
0x11: {  	[smem:$0x3FAD] =	sst s9;
	s0 =	simm.s32 @!p0 $0x0  }
0x12: {  	s1 =	sld [smem:$0x3F93];
	s0 =	simm.s32 @p0 $0x1  }
0x13: {  	[smem:$0x3FAE] =	sst s0;
	s0 =	simm.s32 @!p1 $0x0  }
0x14: {  	s2 =	sld [smem:$0x3F92];
	s0 =	simm.s32 @p1 $0x1  }
0x15: {  	[smem:$0x3FAF] =	sst s0;
	s0 =	simm.s32 @!p2 $0x0  }
0x16: {  	s3 =	sld [smem:$0x3FDB];
	s0 =	simm.s32 @p2 $0x1  }
0x17: {  	s4 =	simm.s32 $0x1BF5;
	[smem:$0x3FB1] =	sst s0  }
0x18: {  	s0 =	sld [smem:$0x3F94];
	_ =	swait.ge [sflag:s4], $0x0  }
0x19: {  	s7 =	sld [smem:$0x3F95]  }
0x1a: {  	s8 =	sadd.s32 $0xFFFFE003, lr  }
0x1b: {  	s9 =	sadd.s32 $0xFFFFFEF7, lr;
	s5 =	simm.s32 $0xFFFFFFFF;
	p2 =	slt.u32 s8, $0xFFFFF086  }
0x1c: {  	p1 =	slt.u32 s9, $0xF7A;
	s5 =	simm.s32 @!p2 $0x0  }
0x1d: {  	s5 =	simm.s32 @p1 $0x1;
	p0 =	seq.s32 s7, s2  }
0x1e: {  	s7 =	smul.u32 @!p0 $0xF7A, s2;
	p2 =	seq.s32 @!p0 s5, $0x0  }
0x1f: {  	s9 =	smul.u32 $0xF7A, s1;
	s8 =	simm.s32 @!p0 $0x1BF5;
	p2 =	por !p2, p0  }
0x20: {  	[sflag:s8] =	ssyncset.s32 @!p0 $0xFFFFF086;
	s6 =	sadd.s32 @!p0 s3, s7;
	s7 =	simm.s32 @!p0 $0x108  }
0x21: {  	s3 =	sadd.s32 s3, s9;
	s6 =	sadd.s32 @!p0 $0x88, s6;
	s7 =	simm.s32 @p2 $0x1082  }
0x22: {  	[simem:s7], [sflag:s8] =	dma.local @!p0 [hbm:s6], $0xF7A  }
0x23: {  	s9 =	sor.u32 $0xD0000000, s2;
	s6 =	simm.s32 $0x108;
	_ =	swait.ge @!p0 [sflag:s8], $0x0  }
0x24: {  	s3 =	sadd.s32 $0x88, s3;
	s6 =	simm.s32 @!p1 $0x1082;
	[sflag:s4] =	ssyncset.s32 $0xFFFFF086  }
0x25: {  	[simem:s6], [sflag:s4] =	dma.local [hbm:s3], $0xF7A  }
0x26: {  	[smem:$0x3F95] =	sst s1;
	(tag) =	ssettag s2;
	_ =	strace s9  }
0x27: {  	s1 =	sld [smem:$0x3FA5]  }
0x28: {  	s2 =	sld [smem:$0x3FA6]  }
0x29: {  	s4 =	sld [smem:$0x3FA8]  }
0x2a: {  	p0 =	seq.s32 s5, $0x0;
	s5 =	sld [smem:$0x3FA9]  }
0x2b: {  	s6 =	sld [smem:$0x3FAA]  }
0x2c: {  	s7 =	sld [smem:$0x3FAB]  }
0x2d: {  	s3 =	simm.s32 $0x108;
	s8 =	sld [smem:$0x3FAC]  }
0x2e: {  	s3 =	simm.s32 @!p0 $0x1082;
	s9 =	sld [smem:$0x3FAD]  }
0x2f: {  	lr =	sadd.s32 s0, s3;
	s0 =	sld [smem:$0x3FA4]  }
0x30: {  	s3 =	sld [smem:$0x3FA7]  }
0x31: {  	[smem:$0x3FB0] =	sst s10  }
0x32: {  	s10 =	sld [smem:$0x3FAE];
	_ =	sdelay $0x3  }
0x33: {  	p0 =	seq.s32 s10, $0x1;
	s10 =	sld [smem:$0x3FB0];
	_ =	sdelay $0x3  }
0x34: {  	[smem:$0x3FB0] =	sst s10  }
0x35: {  	s10 =	sld [smem:$0x3FAF];
	_ =	sdelay $0x3  }
0x36: {  	p1 =	seq.s32 s10, $0x1;
	s10 =	sld [smem:$0x3FB0];
	_ =	sdelay $0x3  }
0x37: {  	[smem:$0x3FB0] =	sst s10  }
0x38: {  	s10 =	sld [smem:$0x3FB1]  }
0x39: {  	_ = 	snop;
	(pc) =	sbr.ind lr, $3  }
0x3a: {  	_ = 	snop  }
0x3b: {  	_ = 	snop  }
0x3c: {  	p2 =	seq.s32 s10, $0x1;
	s10 =	sld [smem:$0x3FB0]  }
0x3d: {  	_ =	shalt  }
0x3e: {  	_ =	shalt  }
0x3f: {  	_ =	shalt  }
0x40: {  	_ =	shalt  }
0x41: {  	_ =	shalt  }
0x42: {  	_ =	shalt  }
0x43: {  	_ =	shalt  }
0x44: {  	_ =	shalt  }
0x45: {  	_ =	shalt  }
0x46: {  	_ =	shalt  }
0x47: {  	_ =	shalt  }
0x48: {  	_ =	shalt  }
0x49: {  	_ =	shalt  }
0x4a: {  	_ =	shalt  }
0x4b: {  	_ =	shalt  }
0x4c: {  	_ =	shalt  }
0x4d: {  	_ =	shalt  }
0x4e: {  	_ =	shalt  }
0x4f: {  	_ =	shalt  }
0x50: {  	_ =	shalt  }
0x51: {  	_ =	shalt  }
0x52: {  	_ =	shalt  }
0x53: {  	_ =	shalt  }
0x54: {  	_ =	shalt  }
0x55: {  	_ =	shalt  }
0x56: {  	_ =	shalt  }
0x57: {  	_ =	shalt  }
0x58: {  	_ =	shalt  }
0x59: {  	_ =	shalt  }
0x5a: {  	_ =	shalt  }
0x5b: {  	_ =	shalt  }
0x5c: {  	_ =	shalt  }
0x5d: {  	_ =	shalt  }
0x5e: {  	_ =	shalt  }
0x5f: {  	_ =	shalt  }
0x60: {  	_ =	shalt  }
0x61: {  	_ =	shalt  }
0x62: {  	_ =	shalt  }
0x63: {  	_ =	shalt  }
0x64: {  	_ =	shalt  }
0x65: {  	_ =	shalt  }
0x66: {  	_ =	shalt  }
0x67: {  	_ =	shalt  }
0x68: {  	_ =	shalt  }
0x69: {  	_ =	shalt  }
0x6a: {  	_ =	shalt  }
0x6b: {  	_ =	shalt  }
0x6c: {  	_ =	shalt  }
0x6d: {  	_ =	shalt  }
0x6e: {  	_ =	shalt  }
0x6f: {  	_ =	shalt  }
0x70: {  	_ =	shalt  }
0x71: {  	_ =	shalt  }
0x72: {  	_ =	shalt  }
0x73: {  	_ =	shalt  }
0x74: {  	_ =	shalt  }
0x75: {  	_ =	shalt  }
0x76: {  	_ =	shalt  }
0x77: {  	_ =	shalt  }
0x78: {  	_ =	shalt  }
0x79: {  	_ =	shalt  }
0x7a: {  	_ =	shalt  }
0x7b: {  	_ =	shalt  }
0x7c: {  	_ =	shalt  }
0x7d: {  	_ =	shalt  }
0x7e: {  	_ =	shalt  }
0x7f: {  	_ =	shalt  }
0x80: {  	_ =	shalt  }
0x81: {  	_ =	shalt  }
0x82: {  	_ =	shalt  }
0x83: {  	_ =	shalt  }
0x84: {  	_ =	shalt  }
0x85: {  	_ =	shalt  }
0x86: {  	_ =	shalt  }
0x87: {  	_ =	shalt  }
.Lfunc_end0:
.L_simem_size_0:
called_computation_lowered:
.L_overlay_start_0:
0x88: {  	s2 =	sld [smem:$0x3FD9]  }
0x89: {  	s3 =	sld [smem:$0x3FFE];
	_ =	sdelay $0x1  }
0x8a: {  	s1 =	srdreg.scid  }
0x8b: {  	s0 =	sand.u32 $0x1, s1  }
0x8c: {  	s17 =	sshll.u32 s0, $0xA;
	s2 =	sadd.s32 s3, s2  }
0x8d: {  	s2 =	sadd.s32 s2, s17  }
0x8e: {  	[smem:$0x3FBC] =	sst s2  }
0x8f: {  	_ = 	snop  }
0x90: {  	s2 =	sld [smem:$0x3FD0];
	(tm) =	ssettm $0x1  }
0x91: {  	s18 =	sld [smem:$0x3FFB];
	_ =	sdelay $0x3  }
0x92: {  	_ =	strace s18  }
0x93: {  	s3 =	sld [smem:$0x3FFC];
	_ =	sdelay $0x3  }
0x94: {  	_ =	strace s3  }
0x95: {  	s3 =	sld [smem:$0x3FFD];
	_ =	sdelay $0x3  }
0x96: {  	_ =	strace s3  }
0x97: {  	_ =	strace $0x8FFFFFFF  }
0x98: {  	s19 =	sld [smem:$0x3FDB];
	_ =	sdelay $0x1  }
0x99: {  	s4 =	simm.s32 $_scs_section_size  }
0x9a: {  	s5 =	simm.s32 $_size__tile_overlayer_lowered;
	s6 =	simm.s32 $_tile_overlayer_lowered  }
0x9b: {  	s22 =	simm.s32 $0x1BFF;
	s21 =	sshll.u32 s6, $0x1;
	s3 =	sadd.s32 s4, s19  }
0x9c: {  	s7 =	simm.s32 $0x0;
	s20 =	sshll.u32 s5, $0x1;
	s5 =	sadd.s32 s21, s3  }
0x9d: {  	[timem:s7], [sflag:s22] =	dma.local [hbm:s5], s20  }
0x9e: {  	_ =	swait.ge [sflag:s22], s20  }
0x9f: {  	s4 =	ssub.s32 $0x0, s20;
	[sflag:s22] =	ssyncset.done $0x0  }
0xa0: {  	[sflag:s22] =	ssyncadd.s32 s4;
	_ =	sdelay $0x1  }
0xa1: {  	s23 =	simm.s32 $0x1B8B  }
0xa2: {  	_ =	swait.ge [sflag:s23], $0x1  }
0xa3: {  	[sflag:s23] =	ssyncset.done $0x0  }
0xa4: {  	s25 =	simm.s32 $0x1B8E;
	s24 =	sld [smem:$0x3FFE];
	[sflag:s23] =	ssyncadd.s32 $0xFFFFFFFF  }
0xa5: {  	s26 =	simm.s32 $execute0_lowered;
	[smem:$0x3FD2] =	sst s25  }
0xa6: {  	s5 =	sshll.u32 s26, $0x1;
	_ =	strace $0x80000046;
	[dreg:$0x1] =	wrdreg $0xFFFFFFFF  }
0xa7: {  	s28 =	simm.s32 $_size_execute0_lowered;
	s3 =	sadd.s32 s3, s5;
	[dreg:$0x0] =	wrdreg $0x0  }
0xa8: {  	s5 =	sshll.u32 s28, $0x1;
	[dreg:$0x2] =	wrdreg s3  }
0xa9: {  	[dreg:$0x3] =	wrdreg s5  }
0xaa: {  	[dreg:$0x4] =	wrdreg $0xC0  }
0xab: {  	_ =	task [dreg:s7], $0x5FFFF  }
0xac: {  	[dreg:$0x1] =	wrdreg $0xFFFFFFFF  }
0xad: {  	[dreg:$0x0] =	wrdreg $0x60  }
0xae: {  	[dreg:$0x2] =	wrdreg s2  }
0xaf: {  	[dreg:$0x3] =	wrdreg s24  }
0xb0: {  	[dreg:$0x4] =	wrdreg $0xF0200  }
0xb1: {  	[dreg:$0x5] =	wrdreg $0x9  }
0xb2: {  	_ =	task.clear_ibuf [dreg:s7], $0x6FFFF;
	_ =	strace $0x90000046  }
0xb3: {  	s29 =	simm.s32 $0x9;
	_ =	strace $0x80000048  }
0xb4: {  	_ =	swait.ge [sflag:s29], $0x1  }
0xb5: {  	[sflag:s29] =	ssyncadd.s32 $0xFFFFFFFF  }
0xb6: {  	_ =	strace $0x90000048  }
0xb7: {  	_ =	sfence  }
0xb8: {  	s30 =	sld [smem:$0x0];
	_ =	sdelay $0x2  }
0xb9: {  	s31 =	sshll.u32 s1, $0xD;
	s1 =	sshrl.u32 s1, $0x2  }
0xba: {  	s3 =	sand.u32 $0x4000, s31;
	s1 =	sadd.s32 s1, s30  }
0xbb: {  	s0 =	sor.u32 s3, s0;
	s1 =	sshll.u32 s1, $0x11  }
0xbc: {  	s0 =	sor.u32 s1, s0  }
0xbd: {  	s0 =	sadd.s32 $0x8F2B, s0  }
0xbe: {  	[sflag:s0] =	ssyncadd.remote.s32 $0x1  }
0xbf: {  	_ =	sfence.sel $0xFFFF  }
0xc0: {  	[dreg:$0x0] =	wrdreg $0xFFFFFFFF;
	(pc) =	sbr.abs _section_cstart, $3  }
0xc1: {  	[dreg:$0x1] =	wrdreg $0xFFFFFFFF  }
0xc2: {  	_ =	task.clear_ibuf [dreg:s7], $0x2FFFF;
	_ =	strace $0x9FFFFFFF  }
0xc3: {  	(tm) =	ssettm $0x7FFFFFFF  }
tec
execute0_lowered:
.L_overlay_start_1:
0x0: {  	(tag) =	ssettag $0x1  }
0x1: {  	s0 =	rddreg [dreg:$0x1]  }
0x2: {  	s2 =	rddreg [dreg:$0x2]  }
0x3: {  	s1 =	simm.s32 $0x0;
	s22 =	srdreg.scid;
	s11 =	stileid.u32  }
0x4: {  	s16 =	simm.s32 $0x2;
	s18 =	simm.s32 $0x400;
	s19 =	simm.s32 $0x80  }
0x5: {  	s28 =	simm.s32 $0x500;
	s14 =	simm.s32 $0x680;
	s21 =	simm.s32 $0x700  }
0x6: {  	s30 =	simm.s32 $0x1;
	s31 =	simm.s32 $0x8800;
	s12 =	simm.s32 $0xB800  }
0x7: {  	s15 =	simm.s32 $0x0;
	[smem:$0x7FF] =	sst s1;
	s4 =	sadd.s32 $0x1C00, s0  }
0x8: {  	s5 =	sadd.s32 $0x6C00, s0;
	s6 =	sadd.s32 $0xBE00, s0;
	s3 =	sadd.s32 $0xBC00, s0  }
0x9: {  	s9 =	sadd.s32 $0xF6C00, s0;
	s1 =	sand.u32 $0x1, s22;
	s23 =	sadd.s32 $0x10E00, s0  }
0xa: {  	s8 =	sshll.u32 s11, $0x1;
	_ =	strace $0x80000047;
	[dreg:$0x4] =	wrdreg s3  }
0xb: {  	s10 =	smul.u32 $0xA000, s11;
	s0 =	sadd.s32 $0x15E00, s0;
	[dreg:$0x5] =	wrdreg s23  }
0xc: {  	p0 =	seq.s32 s11, $0x0;
	s24 =	ssub.s32 $0x2, s1;
	[dreg:$0x6] =	wrdreg s0  }
0xd: {  	s26 =	sor.u32 s1, s8;
	p1 =	seq.s32 s1, $0x1;
	s1 =	sor.u32 s1, s11  }
0xe: {  	s23 =	simm.s32 $0x480;
	s11 =	simm.s32 $0xB000;
	s7 =	sshrl.u32 s24, $0x1  }
0xf: {  	s29 =	sshrl.u32 s10, $0x2;
	s13 =	smul.u32 $0x1400, s26;
	p0 =	por !p0, !p1  }
0x10: {  	p1 =	sne.s32 s1, $0x0;
	s26 =	simm.s32 $0x780;
	s10 =	simm.s32 $0xA800  }
0x11: {  	s1 =	simm.s32 $0xC000;
	s25 =	ssub.s32 s24, s7;
	s7 =	sadd.s32 s29, s2  }
0x12: {  	p0 =	por !p0, !p0;
	[dreg:$0x7] =	wrdreg s7;
	s0 =	smax.u32 s25, $0x1  }
0x13: {  	v0 =	vimm.f32 $0.0e+00;
	vm0 =	vmmov $0xff;
	s7 =	simm.s32 $0x600;
	[dreg:$0x8] =	wrdreg s0;
	s0 =	simm.s32 $0x580  }
.LBB2_1:
0x14: {  	[dreg:$0x9] =	wrdreg s15;
	s3 =	simm.s32 $0x40;
	s15 =	simm.s32 $0x0  }
.LBB2_2:
0x15: {  	p2 =	sne.s32 s3, $0x9FC0;
	[tilespmem:s15+$0xC820] =	vst v0;
	s15 =	smov.u32 s3;
	s3 =	sadd.s32 $0x40, s3  }
.Ltmp0:
0x16: {  	(pc) =	sbr.rel @p2 .LBB2_2-.Ltmp0, $2  }
0x17: {  	_ =	sdelay $0x2  }
0x18: {  	s15 =	sshra.s32 s15, $0x2  }
0x19: {  	[tilespmem:s15+$0xC820] =	vst v0;
	s3 =	rddreg [dreg:$0x7];
	s8 =	simm.s32 $0xC820  }
0x1a: {  	[spmem:s3] =	stream.linear.scatter [tilespmem:s8], [sflag:$0x2], $0x2800, $0x38;
	[tilespmem:$0x11820] =	vst v63  }
0x1b: {  	_ =	swait.ge [sflag:s16], $0x2800  }
0x1c: {  	s29 =	simm.s32 $0xC800;
	[sflag:s16] =	ssyncset.done $0x0  }
0x1d: {  	s3 =	simm.s32 $0x0;
	s25 =	rddreg [dreg:$0x4];
	[sflag:s16] =	ssyncadd.s32 $0xFFFFD800  }
0x1e: {  	[tilespmem:s29], [sflag:$0x2] =	stream.linear.gather [hbm4b:s25+s3], $0x20, $0x38;
	[tilespmem:$0x11820] =	vst v63  }
0x1f: {  	_ =	swait.ge [sflag:s16], $0x20  }
0x20: {  	[sflag:s16] =	ssyncset.done $0x0  }
0x21: {  	[sflag:s16] =	ssyncadd.s32 $0xFFFFFFE0  }
0x22: {  	[bflag:$0x0] =	sbarrier.arrive $0xFFFF  }
0x23: {  	v1 =	vld [tilespmem:$0xC800]  }
0x24: {  	v2 =	vld [tilespmem:$0xC810];
	_ =	sdelay $0x4  }
0x25: {  	v1 =	vadd.f32 v2, v1;
	_ =	sdelay $0x1  }
0x26: {  	s20 =	simm.s32 $0x0;
	v1 =	vmax.f32 v1, $0.0e+00  }
.LBB2_4:
0x27: {  	s15 =	sshll.u32 s20, $0xA  }
0x28: {  	s22 =	sadd.s32 s13, s15  }
0x29: {  	s8 =	rddreg [dreg:$0x0];
	s15 =	sshrl.u32 s22, $0x3  }
0x2a: {  	s17 =	sadd.s32 s8, s15  }
0x2b: {  	[tilespmem:s3], [sflag:$0x2] =	stream.linear.gather [hbm4b:s17+s3], $0x400, $0x38;
	[tilespmem:$0x11820] =	vst v63  }
0x2c: {  	_ =	swait.ge [sflag:s16], $0x400  }
0x2d: {  	[sflag:s16] =	ssyncset.done $0x0  }
0x2e: {  	s15 =	sadd.s32 s4, s15;
	[sflag:s16] =	ssyncadd.s32 $0xFFFFFC00  }
0x2f: {  	[tilespmem:s18], [sflag:$0x2] =	stream.linear.gather [hbm4b:s15+s3], $0x400, $0x38;
	[tilespmem:$0x11820] =	vst v63  }
0x30: {  	_ =	swait.ge [sflag:s16], $0x400  }
0x31: {  	[sflag:s16] =	ssyncset.done $0x0  }
0x32: {  	s24 =	simm.s32 $0x800;
	[sflag:s16] =	ssyncadd.s32 $0xFFFFFC00  }
0x33: {  	[tilespmem:s24], [sflag:$0x1] =	stream.indirect.gather [hbm4b:s5+s19], $0x10, s3, s19, $0xb8;
	[tilespmem:$0x11820] =	vst v63  }
0x34: {  	s25 =	simm.s32 $0x4800  }
0x35: {  	[tilespmem:s25], [sflag:$0x1] =	stream.indirect.gather [hbm4b:s6+s19], $0x10, s18, s19, $0xb8;
	[tilespmem:$0x11820] =	vst v63  }
0x36: {  	s15 =	simm.s32 $0x1000  }
0x37: {  	[tilespmem:s15], [sflag:$0x1] =	stream.indirect.gather [hbm4b:s5+s19], $0x10, s19, s19, $0xb8;
	[tilespmem:$0x11820] =	vst v63  }
0x38: {  	s17 =	simm.s32 $0x5000  }
0x39: {  	[tilespmem:s17], [sflag:$0x1] =	stream.indirect.gather [hbm4b:s6+s19], $0x10, s23, s19, $0xb8;
	[tilespmem:$0x11820] =	vst v63  }
0x3a: {  	s24 =	simm.s32 $0x100;
	s25 =	simm.s32 $0x1800  }
0x3b: {  	[tilespmem:s25], [sflag:$0x1] =	stream.indirect.gather [hbm4b:s5+s19], $0x10, s24, s19, $0xb8;
	[tilespmem:$0x11820] =	vst v63  }
0x3c: {  	s17 =	simm.s32 $0x5800  }
0x3d: {  	[tilespmem:s17], [sflag:$0x1] =	stream.indirect.gather [hbm4b:s6+s19], $0x10, s28, s19, $0xb8;
	[tilespmem:$0x11820] =	vst v63  }
0x3e: {  	s24 =	simm.s32 $0x180;
	s25 =	simm.s32 $0x2000  }
0x3f: {  	[tilespmem:s25], [sflag:$0x1] =	stream.indirect.gather [hbm4b:s5+s19], $0x10, s24, s19, $0xb8;
	[tilespmem:$0x11820] =	vst v63  }
0x40: {  	s17 =	simm.s32 $0x6000  }
0x41: {  	[tilespmem:s17], [sflag:$0x1] =	stream.indirect.gather [hbm4b:s6+s19], $0x10, s0, s19, $0xb8;
	[tilespmem:$0x11820] =	vst v63  }
0x42: {  	s24 =	simm.s32 $0x200;
	s25 =	simm.s32 $0x2800  }
0x43: {  	[tilespmem:s25], [sflag:$0x1] =	stream.indirect.gather [hbm4b:s5+s19], $0x10, s24, s19, $0xb8;
	[tilespmem:$0x11820] =	vst v63  }
0x44: {  	s17 =	simm.s32 $0x6800  }
0x45: {  	[tilespmem:s17], [sflag:$0x1] =	stream.indirect.gather [hbm4b:s6+s19], $0x10, s7, s19, $0xb8;
	[tilespmem:$0x11820] =	vst v63  }
0x46: {  	s24 =	simm.s32 $0x280;
	s25 =	simm.s32 $0x3000  }
0x47: {  	[tilespmem:s25], [sflag:$0x1] =	stream.indirect.gather [hbm4b:s5+s19], $0x10, s24, s19, $0xb8;
	[tilespmem:$0x11820] =	vst v63  }
0x48: {  	s17 =	simm.s32 $0x7000  }
0x49: {  	[tilespmem:s17], [sflag:$0x1] =	stream.indirect.gather [hbm4b:s6+s19], $0x10, s14, s19, $0xb8;
	[tilespmem:$0x11820] =	vst v63  }
0x4a: {  	s24 =	simm.s32 $0x300;
	s25 =	simm.s32 $0x3800  }
0x4b: {  	[tilespmem:s25], [sflag:$0x1] =	stream.indirect.gather [hbm4b:s5+s19], $0x10, s24, s19, $0xb8;
	[tilespmem:$0x11820] =	vst v63  }
0x4c: {  	s15 =	simm.s32 $0x7800  }
0x4d: {  	[tilespmem:s15], [sflag:$0x1] =	stream.indirect.gather [hbm4b:s6+s19], $0x10, s21, s19, $0xb8;
	[tilespmem:$0x11820] =	vst v63  }
0x4e: {  	s17 =	simm.s32 $0x380;
	s24 =	simm.s32 $0x4000  }
0x4f: {  	[tilespmem:s24], [sflag:$0x1] =	stream.indirect.gather [hbm4b:s5+s19], $0x10, s17, s19, $0xb8;
	[tilespmem:$0x11820] =	vst v63  }
0x50: {  	s25 =	simm.s32 $0x8000  }
0x51: {  	[tilespmem:s25], [sflag:$0x1] =	stream.indirect.gather [hbm4b:s6+s19], $0x10, s26, s19, $0xb8;
	[tilespmem:$0x11820] =	vst v63  }
0x52: {  	_ =	swait.ge [sflag:s30], $0x800  }
0x53: {  	[sflag:s30] =	ssyncset.done $0x0  }
0x54: {  	[sflag:s30] =	ssyncadd.s32 $0xFFFFF800  }
0x55: {  	_ =	swait.ge [sflag:s30], $0x800  }
0x56: {  	[sflag:s30] =	ssyncset.done $0x0  }
0x57: {  	[sflag:s30] =	ssyncadd.s32 $0xFFFFF800  }
0x58: {  	_ =	swait.ge [sflag:s30], $0x800  }
0x59: {  	[sflag:s30] =	ssyncset.done $0x0  }
0x5a: {  	[sflag:s30] =	ssyncadd.s32 $0xFFFFF800  }
0x5b: {  	_ =	swait.ge [sflag:s30], $0x800  }
0x5c: {  	[sflag:s30] =	ssyncset.done $0x0  }
0x5d: {  	[sflag:s30] =	ssyncadd.s32 $0xFFFFF800  }
0x5e: {  	_ =	swait.ge [sflag:s30], $0x800  }
0x5f: {  	[sflag:s30] =	ssyncset.done $0x0  }
0x60: {  	[sflag:s30] =	ssyncadd.s32 $0xFFFFF800  }
0x61: {  	_ =	swait.ge [sflag:s30], $0x800  }
0x62: {  	[sflag:s30] =	ssyncset.done $0x0  }
0x63: {  	[sflag:s30] =	ssyncadd.s32 $0xFFFFF800  }
0x64: {  	_ =	swait.ge [sflag:s30], $0x800  }
0x65: {  	[sflag:s30] =	ssyncset.done $0x0  }
0x66: {  	[sflag:s30] =	ssyncadd.s32 $0xFFFFF800  }
0x67: {  	_ =	swait.ge [sflag:s30], $0x800  }
0x68: {  	[sflag:s30] =	ssyncset.done $0x0  }
0x69: {  	[sflag:s30] =	ssyncadd.s32 $0xFFFFF800  }
0x6a: {  	_ =	swait.ge [sflag:s30], $0x800  }
0x6b: {  	[sflag:s30] =	ssyncset.done $0x0  }
0x6c: {  	[sflag:s30] =	ssyncadd.s32 $0xFFFFF800  }
0x6d: {  	_ =	swait.ge [sflag:s30], $0x800  }
0x6e: {  	[sflag:s30] =	ssyncset.done $0x0  }
0x6f: {  	[sflag:s30] =	ssyncadd.s32 $0xFFFFF800  }
0x70: {  	_ =	swait.ge [sflag:s30], $0x800  }
0x71: {  	[sflag:s30] =	ssyncset.done $0x0  }
0x72: {  	[sflag:s30] =	ssyncadd.s32 $0xFFFFF800  }
0x73: {  	_ =	swait.ge [sflag:s30], $0x800  }
0x74: {  	[sflag:s30] =	ssyncset.done $0x0  }
0x75: {  	[sflag:s30] =	ssyncadd.s32 $0xFFFFF800  }
0x76: {  	_ =	swait.ge [sflag:s30], $0x800  }
0x77: {  	[sflag:s30] =	ssyncset.done $0x0  }
0x78: {  	[sflag:s30] =	ssyncadd.s32 $0xFFFFF800  }
0x79: {  	_ =	swait.ge [sflag:s30], $0x800  }
0x7a: {  	[sflag:s30] =	ssyncset.done $0x0  }
0x7b: {  	[sflag:s30] =	ssyncadd.s32 $0xFFFFF800  }
0x7c: {  	_ =	swait.ge [sflag:s30], $0x800  }
0x7d: {  	[sflag:s30] =	ssyncset.done $0x0  }
0x7e: {  	[sflag:s30] =	ssyncadd.s32 $0xFFFFF800  }
0x7f: {  	_ =	swait.ge [sflag:s30], $0x800  }
0x80: {  	[sflag:s30] =	ssyncset.done $0x0  }
0x81: {  	s24 =	simm.s32 $0x0;
	[sflag:s30] =	ssyncadd.s32 $0xFFFFF800  }
0x82: {  	v2 =	vld [tilespmem:s24+$0x800]  }
0x83: {  	v3 =	vld [tilespmem:s24+$0x4800];
	_ =	sdelay $0x1  }
0x84: {  	s25 =	simm.s32 $0x10  }
0x85: {  	v4 =	vld [tilespmem:s25+$0x800]  }
0x86: {  	v5 =	vld [tilespmem:s25+$0x4800]  }
0x87: {  	v2 =	vadd.f32 v3, v2;
	_ =	sdelay $0x1  }
0x88: {  	v6 =	vmul.f32 $2.000000030e-01, v2  }
0x89: {  	vm1 =	vge.f32 v2, $0.0e+00  }
0x8a: {  	v4 =	vadd.f32 v5, v4;
	v2 =	vsel vm1, v2, v6  }
0x8b: {  	s29 =	simm.s32 $0x20;
	v2 =	vsub.f32 v2, v1  }
0x8c: {  	v3 =	vld [tilespmem:s29+$0x800];
	v7 =	vmul.f32 $2.000000030e-01, v4  }
0x8d: {  	v5 =	vld [tilespmem:s29+$0x4800];
	vm1 =	vge.f32 v4, $0.0e+00;
	v2 =	vmul.f32 $1.442695020e+00, v2  }
0x8e: {  	v4 =	vsel vm1, v4, v7  }
0x8f: {  	v4 =	vsub.f32 v4, v1;
	(erf) = vpow2.f32 v2;
	_ =	sdelay $0x1  }
0x90: {  	s15 =	simm.s32 $0x30;
	v4 =	vmul.f32 $1.442695020e+00, v4  }
0x91: {  	v5 =	vadd.f32 v5, v3;
	v3 =	vld [tilespmem:s15+$0x4800]  }
0x92: {  	v2 =	vld [tilespmem:s15+$0x800];
	(erf) = vpow2.f32 v4  }
0x93: {  	v6 =	vmul.f32 $2.000000030e-01, v5  }
0x94: {  	vm1 =	vge.f32 v5, $0.0e+00  }
0x95: {  	s17 =	simm.s32 $0x100;
	v4 =	vsel vm1, v5, v6  }
.LBB2_5:
0x96: {  	s8 =	sshra.s32 s17, $0x2;
	v4 =	vsub.f32 v4, v1;
	p2 =	sne.s32 s17, $0xFFC0  }
.Ltmp1:
0x97: {  	s17 =	sadd.s32 $0x40, s17;
	v5 =	vadd.f32 v3, v2;
	v2 =	vld [tilespmem:s8+$0x800];
	v6 =	vpop (erf);
	(pc) =	sbr.rel @p2 .LBB2_5-.Ltmp1, $4  }
0x98: {  	v3 =	vld [tilespmem:s8+$0x4800];
	v4 =	vmul.f32 $1.442695020e+00, v4;
	v6 =	vnsel vm0, $0x0, v6  }
0x99: {  	v7 =	vmul.f32 $2.000000030e-01, v5;
	[tilespmem:s24+$0x8800] =	vst v6;
	s24 =	smov.u32 s25;
	s25 =	smov.u32 s29;
	s29 =	smov.u32 s15  }
0x9a: {  	vm1 =	vge.f32 v5, $0.0e+00;
	s15 =	smov.u32 s8;
	(erf) = vpow2.f32 v4  }
0x9b: {  	v4 =	vsel vm1, v5, v7  }
0x9c: {  	_ = 	snop  }
0x9d: {  	v2 =	vadd.f32 v3, v2;
	_ =	sdelay $0x1  }
0x9e: {  	v3 =	vmul.f32 $2.000000030e-01, v2  }
0x9f: {  	vm1 =	vge.f32 v2, $0.0e+00  }
0xa0: {  	v4 =	vsub.f32 v4, v1;
	v2 =	vsel vm1, v2, v3  }
0xa1: {  	v2 =	vsub.f32 v2, v1  }
0xa2: {  	v3 =	vmul.f32 $1.442695020e+00, v4  }
0xa3: {  	v2 =	vmul.f32 $1.442695020e+00, v2  }
0xa4: {  	(erf) = vpow2.f32 v3  }
0xa5: {  	(erf) = vpow2.f32 v2;
	_ =	sdelay $0x5  }
0xa6: {  	v2 =	vpop (erf)  }
0xa7: {  	v3 =	vpop (erf);
	v2 =	vnsel vm0, $0x0, v2  }
0xa8: {  	[tilespmem:s24+$0x8800] =	vst v2;
	v2 =	vnsel vm0, $0x0, v3;
	v3 =	vpop (erf)  }
0xa9: {  	[tilespmem:s25+$0x8800] =	vst v2;
	v2 =	vnsel vm0, $0x0, v3;
	v3 =	vpop (erf)  }
0xaa: {  	[tilespmem:s29+$0x8800] =	vst v2;
	v2 =	vnsel vm0, $0x0, v3  }
0xab: {  	[tilespmem:s15+$0x8800] =	vst v2  }
0xac: {  	[spmem:s2] =	stream.indirect.scatter.add.f32 [tilespmem:s31], [sflag:$0x2], $0x10, s18, s19, $0xb8;
	[tilespmem:$0x11820] =	vst v63  }
0xad: {  	_ =	swait.ge [sflag:s16], $0x800  }
0xae: {  	[sflag:s16] =	ssyncset.done $0x0  }
0xaf: {  	s8 =	simm.s32 $0x9000;
	[sflag:s16] =	ssyncadd.s32 $0xFFFFF800  }
0xb0: {  	[spmem:s2] =	stream.indirect.scatter.add.f32 [tilespmem:s8], [sflag:$0x2], $0x10, s23, s19, $0xb8;
	[tilespmem:$0x11820] =	vst v63  }
0xb1: {  	_ =	swait.ge [sflag:s16], $0x800  }
0xb2: {  	[sflag:s16] =	ssyncset.done $0x0  }
0xb3: {  	s17 =	simm.s32 $0x9800;
	[sflag:s16] =	ssyncadd.s32 $0xFFFFF800  }
0xb4: {  	[spmem:s2] =	stream.indirect.scatter.add.f32 [tilespmem:s17], [sflag:$0x2], $0x10, s28, s19, $0xb8;
	[tilespmem:$0x11820] =	vst v63  }
0xb5: {  	_ =	swait.ge [sflag:s16], $0x800  }
0xb6: {  	[sflag:s16] =	ssyncset.done $0x0  }
0xb7: {  	s24 =	simm.s32 $0xA000;
	[sflag:s16] =	ssyncadd.s32 $0xFFFFF800  }
0xb8: {  	[spmem:s2] =	stream.indirect.scatter.add.f32 [tilespmem:s24], [sflag:$0x2], $0x10, s0, s19, $0xb8;
	[tilespmem:$0x11820] =	vst v63  }
0xb9: {  	_ =	swait.ge [sflag:s16], $0x800  }
0xba: {  	[sflag:s16] =	ssyncset.done $0x0  }
0xbb: {  	[sflag:s16] =	ssyncadd.s32 $0xFFFFF800  }
0xbc: {  	[spmem:s2] =	stream.indirect.scatter.add.f32 [tilespmem:s10], [sflag:$0x2], $0x10, s7, s19, $0xb8;
	[tilespmem:$0x11820] =	vst v63  }
0xbd: {  	_ =	swait.ge [sflag:s16], $0x800  }
0xbe: {  	[sflag:s16] =	ssyncset.done $0x0  }
0xbf: {  	[sflag:s16] =	ssyncadd.s32 $0xFFFFF800  }
0xc0: {  	[spmem:s2] =	stream.indirect.scatter.add.f32 [tilespmem:s11], [sflag:$0x2], $0x10, s14, s19, $0xb8;
	[tilespmem:$0x11820] =	vst v63  }
0xc1: {  	_ =	swait.ge [sflag:s16], $0x800  }
0xc2: {  	[sflag:s16] =	ssyncset.done $0x0  }
0xc3: {  	[sflag:s16] =	ssyncadd.s32 $0xFFFFF800  }
0xc4: {  	[spmem:s2] =	stream.indirect.scatter.add.f32 [tilespmem:s12], [sflag:$0x2], $0x10, s21, s19, $0xb8;
	[tilespmem:$0x11820] =	vst v63  }
0xc5: {  	_ =	swait.ge [sflag:s16], $0x800  }
0xc6: {  	[sflag:s16] =	ssyncset.done $0x0  }
0xc7: {  	s20 =	sadd.s32 $0x1, s20;
	[sflag:s16] =	ssyncadd.s32 $0xFFFFF800  }
0xc8: {  	[spmem:s2] =	stream.indirect.scatter.add.f32 [tilespmem:s1], [sflag:$0x2], $0x10, s26, s19, $0xb8;
	[tilespmem:$0x11820] =	vst v63  }
0xc9: {  	p2 =	sne.s32 s20, $0x5;
	_ =	swait.ge [sflag:s16], $0x800  }
0xca: {  	s25 =	sshll.u32 s22, $0x1;
	s29 =	simm.s32 $0x0;
	[sflag:s16] =	ssyncset.done $0x0  }
.Ltmp2:
0xcb: {  	s8 =	sadd.s32 s9, s25;
	[sflag:s16] =	ssyncadd.s32 $0xFFFFF800;
	(pc) =	sbr.rel @p2 .LBB2_4-.Ltmp2, $4  }
0xcc: {  	[hbm4b:s8+s29] =	stream.linear.scatter [tilespmem:s31], [sflag:$0x2], $0x4000, $0x38;
	[tilespmem:$0x11820] =	vst v63  }
0xcd: {  	_ =	swait.ge [sflag:s16], $0x4000  }
0xce: {  	[sflag:s16] =	ssyncset.done $0x0  }
0xcf: {  	[sflag:s16] =	ssyncadd.s32 $0xFFFFC000  }
0xd0: {  	s3 =	stileid.u32  }
0xd1: {  	[bflag:$0x0] =	sbarrier.arrive $0xFFFF;
	s3 =	sshll.u32 @!p1 s3, $0x6  }
0xd2: {  	s8 =	sshrl.u32 @!p1 s2, $0x3;
	s15 =	rddreg [dreg:$0x5];
	s3 =	sor.u32 @!p1 $0x1C02, s3  }
0xd3: {  	[hbm:s15], [sflag:s3] =	dma.local @!p1 [spmem:s8], $0x5000  }
0xd4: {  	s3 =	simm.s32 @!p1 $0x2  }
0xd5: {  	_ =	swait.ge @!p1 [sflag:s3], $0x5000  }
0xd6: {  	s8 =	simm.s32 @p0 $0x1C02;
	[sflag:s3] =	ssyncset.done @!p1 $0x0  }
0xd7: {  	s15 =	rddreg [dreg:$0x6];
	[sflag:s3] =	ssyncadd.s32 @!p1 $0xFFFFB000;
	s3 =	sshrl.u32 @p0 s2, $0x3  }
0xd8: {  	[hbm:s15], [sflag:s8] =	dma.local @p0 [spmem:s3], $0x5000  }
0xd9: {  	s3 =	simm.s32 @p0 $0x2  }
0xda: {  	_ =	swait.ge @p0 [sflag:s3], $0x5000  }
0xdb: {  	s25 =	rddreg [dreg:$0x9]  }
0xdc: {  	s29 =	rddreg [dreg:$0x8];
	s15 =	sadd.s32 $0x1, s25  }
0xdd: {  	p2 =	sne.s32 s15, s29  }
.Ltmp3:
0xde: {  	_ = 	snop;
	(pc) =	sbr.rel @p2 .LBB2_1-.Ltmp3, $3  }
0xdf: {  	_ =	sdelay $0x1  }
0xe0: {  	[sflag:s3] =	ssyncset.done @p0 $0x0  }
0xe1: {  	[sflag:s3] =	ssyncadd.s32 @p0 $0xFFFFB000  }
0xe2: {  	_ =	sfence.sel $0x180000  }
0xe3: {  	[bflag:$0x0] =	sbarrier.arrive $0xFFFF  }
0xe4: {  	_ =	strace $0x90000047  }
0xe5: {  	s0 =	stileid.u32;
	[bflag:$0x2] =	sbarrier.arrive $0xFFFF  }
0xe6: {  	p0 =	sne.s32 s0, $0x0;
	s0 =	rddreg [dreg:$0x3]  }
0xe7: {  	s0 =	sadd.s32 @!p0 $0x100000, s0  }
0xe8: {  	[sflag:s0] =	ssyncadd.tile.s32 @!p0 $0x1;
	_ =	shalt  }
.Lfunc_end2:
_tile_overlayer_lowered:
.L_overlay_start_2:
0xe9: {  	(tag) =	ssettag $0x2  }
0xea: {  	s0 =	rddreg [dreg:$0x0];
	s2 =	stileid.u32  }
0xeb: {  	s1 =	rddreg [dreg:$0x1];
	p0 =	sne.s32 s2, $0x0  }
0xec: {  	s3 =	rddreg [dreg:$0x2];
	[bflag:$0x3] =	sbarrier.arrive $0xFFFF;
	s2 =	simm.s32 @!p0 $0x1C02  }
0xed: {  	[timem:s3], [sflag:s2] =	dma.local @!p0 [hbm:s0], s1  }
0xee: {  	s0 =	simm.s32 @!p0 $0x2  }
0xef: {  	_ =	swait.ge @!p0 [sflag:s0], s1  }
0xf0: {  	s1 =	ssub.s32 @!p0 $0x0, s1;
	[sflag:s0] =	ssyncset.done @!p0 $0x0  }
0xf1: {  	[sflag:s0] =	ssyncadd.s32 @!p0 s1  }
0xf2: {  	[bflag:$0x3] =	sbarrier.arrive $0xFFFF  }
0xf3: {  	_ =	shalt  }

// kernel: kernel.9.cloned.1.call-start
scs
__scs_entry_jumppad:
0x0: {  	(pc) =	sbr.rel $0x88, $3  }
0x1: {  	(tag) =	ssettag $0x0;
	lr =	simm.s32 $0x1  }
0x2: {  	[smem:$0x3F95] =	sst lr;
	_ =	strace $0xD0000000  }
0x3: {  	_ = 	snop  }
0x4: {  	_ = 	snop  }
0x5: {  	_ = 	snop  }
0x6: {  	_ = 	snop  }
0x7: {  	_ = 	snop  }
__scs_overlays_trampoline_lowered:
0x8: {  	[smem:$0x3FA4] =	sst s0  }
0x9: {  	[smem:$0x3FA5] =	sst s1  }
0xa: {  	[smem:$0x3FA6] =	sst s2  }
0xb: {  	[smem:$0x3FA7] =	sst s3  }
0xc: {  	[smem:$0x3FA8] =	sst s4  }
0xd: {  	[smem:$0x3FA9] =	sst s5  }
0xe: {  	[smem:$0x3FAA] =	sst s6  }
0xf: {  	[smem:$0x3FAB] =	sst s7  }
0x10: {  	[smem:$0x3FAC] =	sst s8  }
0x11: {  	[smem:$0x3FAD] =	sst s9;
	s0 =	simm.s32 @!p0 $0x0  }
0x12: {  	s1 =	sld [smem:$0x3F93];
	s0 =	simm.s32 @p0 $0x1  }
0x13: {  	[smem:$0x3FAE] =	sst s0;
	s0 =	simm.s32 @!p1 $0x0  }
0x14: {  	s2 =	sld [smem:$0x3F92];
	s0 =	simm.s32 @p1 $0x1  }
0x15: {  	[smem:$0x3FAF] =	sst s0;
	s0 =	simm.s32 @!p2 $0x0  }
0x16: {  	s3 =	sld [smem:$0x3FDB];
	s0 =	simm.s32 @p2 $0x1  }
0x17: {  	s4 =	simm.s32 $0x1BF5;
	[smem:$0x3FB1] =	sst s0  }
0x18: {  	s0 =	sld [smem:$0x3F94];
	_ =	swait.ge [sflag:s4], $0x0  }
0x19: {  	s7 =	sld [smem:$0x3F95]  }
0x1a: {  	s8 =	sadd.s32 $0xFFFFE003, lr  }
0x1b: {  	s9 =	sadd.s32 $0xFFFFFEF7, lr;
	s5 =	simm.s32 $0xFFFFFFFF;
	p2 =	slt.u32 s8, $0xFFFFF086  }
0x1c: {  	p1 =	slt.u32 s9, $0xF7A;
	s5 =	simm.s32 @!p2 $0x0  }
0x1d: {  	s5 =	simm.s32 @p1 $0x1;
	p0 =	seq.s32 s7, s2  }
0x1e: {  	s7 =	smul.u32 @!p0 $0xF7A, s2;
	p2 =	seq.s32 @!p0 s5, $0x0  }
0x1f: {  	s9 =	smul.u32 $0xF7A, s1;
	s8 =	simm.s32 @!p0 $0x1BF5;
	p2 =	por !p2, p0  }
0x20: {  	[sflag:s8] =	ssyncset.s32 @!p0 $0xFFFFF086;
	s6 =	sadd.s32 @!p0 s3, s7;
	s7 =	simm.s32 @!p0 $0x108  }
0x21: {  	s3 =	sadd.s32 s3, s9;
	s6 =	sadd.s32 @!p0 $0x88, s6;
	s7 =	simm.s32 @p2 $0x1082  }
0x22: {  	[simem:s7], [sflag:s8] =	dma.local @!p0 [hbm:s6], $0xF7A  }
0x23: {  	s9 =	sor.u32 $0xD0000000, s2;
	s6 =	simm.s32 $0x108;
	_ =	swait.ge @!p0 [sflag:s8], $0x0  }
0x24: {  	s3 =	sadd.s32 $0x88, s3;
	s6 =	simm.s32 @!p1 $0x1082;
	[sflag:s4] =	ssyncset.s32 $0xFFFFF086  }
0x25: {  	[simem:s6], [sflag:s4] =	dma.local [hbm:s3], $0xF7A  }
0x26: {  	[smem:$0x3F95] =	sst s1;
	(tag) =	ssettag s2;
	_ =	strace s9  }
0x27: {  	s1 =	sld [smem:$0x3FA5]  }
0x28: {  	s2 =	sld [smem:$0x3FA6]  }
0x29: {  	s4 =	sld [smem:$0x3FA8]  }
0x2a: {  	p0 =	seq.s32 s5, $0x0;
	s5 =	sld [smem:$0x3FA9]  }
0x2b: {  	s6 =	sld [smem:$0x3FAA]  }
0x2c: {  	s7 =	sld [smem:$0x3FAB]  }
0x2d: {  	s3 =	simm.s32 $0x108;
	s8 =	sld [smem:$0x3FAC]  }
0x2e: {  	s3 =	simm.s32 @!p0 $0x1082;
	s9 =	sld [smem:$0x3FAD]  }
0x2f: {  	lr =	sadd.s32 s0, s3;
	s0 =	sld [smem:$0x3FA4]  }
0x30: {  	s3 =	sld [smem:$0x3FA7]  }
0x31: {  	[smem:$0x3FB0] =	sst s10  }
0x32: {  	s10 =	sld [smem:$0x3FAE];
	_ =	sdelay $0x3  }
0x33: {  	p0 =	seq.s32 s10, $0x1;
	s10 =	sld [smem:$0x3FB0];
	_ =	sdelay $0x3  }
0x34: {  	[smem:$0x3FB0] =	sst s10  }
0x35: {  	s10 =	sld [smem:$0x3FAF];
	_ =	sdelay $0x3  }
0x36: {  	p1 =	seq.s32 s10, $0x1;
	s10 =	sld [smem:$0x3FB0];
	_ =	sdelay $0x3  }
0x37: {  	[smem:$0x3FB0] =	sst s10  }
0x38: {  	s10 =	sld [smem:$0x3FB1]  }
0x39: {  	_ = 	snop;
	(pc) =	sbr.ind lr, $3  }
0x3a: {  	_ = 	snop  }
0x3b: {  	_ = 	snop  }
0x3c: {  	p2 =	seq.s32 s10, $0x1;
	s10 =	sld [smem:$0x3FB0]  }
0x3d: {  	_ =	shalt  }
0x3e: {  	_ =	shalt  }
0x3f: {  	_ =	shalt  }
0x40: {  	_ =	shalt  }
0x41: {  	_ =	shalt  }
0x42: {  	_ =	shalt  }
0x43: {  	_ =	shalt  }
0x44: {  	_ =	shalt  }
0x45: {  	_ =	shalt  }
0x46: {  	_ =	shalt  }
0x47: {  	_ =	shalt  }
0x48: {  	_ =	shalt  }
0x49: {  	_ =	shalt  }
0x4a: {  	_ =	shalt  }
0x4b: {  	_ =	shalt  }
0x4c: {  	_ =	shalt  }
0x4d: {  	_ =	shalt  }
0x4e: {  	_ =	shalt  }
0x4f: {  	_ =	shalt  }
0x50: {  	_ =	shalt  }
0x51: {  	_ =	shalt  }
0x52: {  	_ =	shalt  }
0x53: {  	_ =	shalt  }
0x54: {  	_ =	shalt  }
0x55: {  	_ =	shalt  }
0x56: {  	_ =	shalt  }
0x57: {  	_ =	shalt  }
0x58: {  	_ =	shalt  }
0x59: {  	_ =	shalt  }
0x5a: {  	_ =	shalt  }
0x5b: {  	_ =	shalt  }
0x5c: {  	_ =	shalt  }
0x5d: {  	_ =	shalt  }
0x5e: {  	_ =	shalt  }
0x5f: {  	_ =	shalt  }
0x60: {  	_ =	shalt  }
0x61: {  	_ =	shalt  }
0x62: {  	_ =	shalt  }
0x63: {  	_ =	shalt  }
0x64: {  	_ =	shalt  }
0x65: {  	_ =	shalt  }
0x66: {  	_ =	shalt  }
0x67: {  	_ =	shalt  }
0x68: {  	_ =	shalt  }
0x69: {  	_ =	shalt  }
0x6a: {  	_ =	shalt  }
0x6b: {  	_ =	shalt  }
0x6c: {  	_ =	shalt  }
0x6d: {  	_ =	shalt  }
0x6e: {  	_ =	shalt  }
0x6f: {  	_ =	shalt  }
0x70: {  	_ =	shalt  }
0x71: {  	_ =	shalt  }
0x72: {  	_ =	shalt  }
0x73: {  	_ =	shalt  }
0x74: {  	_ =	shalt  }
0x75: {  	_ =	shalt  }
0x76: {  	_ =	shalt  }
0x77: {  	_ =	shalt  }
0x78: {  	_ =	shalt  }
0x79: {  	_ =	shalt  }
0x7a: {  	_ =	shalt  }
0x7b: {  	_ =	shalt  }
0x7c: {  	_ =	shalt  }
0x7d: {  	_ =	shalt  }
0x7e: {  	_ =	shalt  }
0x7f: {  	_ =	shalt  }
0x80: {  	_ =	shalt  }
0x81: {  	_ =	shalt  }
0x82: {  	_ =	shalt  }
0x83: {  	_ =	shalt  }
0x84: {  	_ =	shalt  }
0x85: {  	_ =	shalt  }
0x86: {  	_ =	shalt  }
0x87: {  	_ =	shalt  }
.Lfunc_end0:
.L_simem_size_0:
called_computation.1_lowered:
.L_overlay_start_0:
0x88: {  	s2 =	sld [smem:$0x3FD9]  }
0x89: {  	s3 =	sld [smem:$0x3FFE];
	_ =	sdelay $0x1  }
0x8a: {  	s1 =	srdreg.scid  }
0x8b: {  	s0 =	sand.u32 $0x1, s1  }
0x8c: {  	s17 =	sshll.u32 s0, $0xA;
	s2 =	sadd.s32 s3, s2  }
0x8d: {  	s2 =	sadd.s32 s2, s17  }
0x8e: {  	[smem:$0x3FBC] =	sst s2  }
0x8f: {  	_ = 	snop  }
0x90: {  	s2 =	sld [smem:$0x3FD0];
	(tm) =	ssettm $0x1  }
0x91: {  	s18 =	sld [smem:$0x3FFB];
	_ =	sdelay $0x3  }
0x92: {  	_ =	strace s18  }
0x93: {  	s3 =	sld [smem:$0x3FFC];
	_ =	sdelay $0x3  }
0x94: {  	_ =	strace s3  }
0x95: {  	s3 =	sld [smem:$0x3FFD];
	_ =	sdelay $0x3  }
0x96: {  	_ =	strace s3  }
0x97: {  	_ =	strace $0x8FFFFFFF  }
0x98: {  	s19 =	sld [smem:$0x3FDB];
	_ =	sdelay $0x1  }
0x99: {  	s4 =	simm.s32 $_scs_section_size  }
0x9a: {  	s5 =	simm.s32 $_size__tile_overlayer_lowered;
	s6 =	simm.s32 $_tile_overlayer_lowered  }
0x9b: {  	s22 =	simm.s32 $0x1BFF;
	s21 =	sshll.u32 s6, $0x1;
	s3 =	sadd.s32 s4, s19  }
0x9c: {  	s7 =	simm.s32 $0x0;
	s20 =	sshll.u32 s5, $0x1;
	s5 =	sadd.s32 s21, s3  }
0x9d: {  	[timem:s7], [sflag:s22] =	dma.local [hbm:s5], s20  }
0x9e: {  	_ =	swait.ge [sflag:s22], s20  }
0x9f: {  	s4 =	ssub.s32 $0x0, s20;
	[sflag:s22] =	ssyncset.done $0x0  }
0xa0: {  	[sflag:s22] =	ssyncadd.s32 s4;
	_ =	sdelay $0x1  }
0xa1: {  	s23 =	simm.s32 $0x1B8B  }
0xa2: {  	_ =	swait.ge [sflag:s23], $0x1  }
0xa3: {  	[sflag:s23] =	ssyncset.done $0x0  }
0xa4: {  	s25 =	simm.s32 $0x1B8E;
	s24 =	sld [smem:$0x3FFE];
	[sflag:s23] =	ssyncadd.s32 $0xFFFFFFFF  }
0xa5: {  	s26 =	simm.s32 $execute0_lowered;
	[smem:$0x3FD2] =	sst s25  }
0xa6: {  	s5 =	sshll.u32 s26, $0x1;
	_ =	strace $0x80000049;
	[dreg:$0x1] =	wrdreg $0xFFFFFFFF  }
0xa7: {  	s28 =	simm.s32 $_size_execute0_lowered;
	s3 =	sadd.s32 s3, s5;
	[dreg:$0x0] =	wrdreg $0x0  }
0xa8: {  	s5 =	sshll.u32 s28, $0x1;
	[dreg:$0x2] =	wrdreg s3  }
0xa9: {  	[dreg:$0x3] =	wrdreg s5  }
0xaa: {  	[dreg:$0x4] =	wrdreg $0xC0  }
0xab: {  	_ =	task [dreg:s7], $0x5FFFF  }
0xac: {  	[dreg:$0x1] =	wrdreg $0xFFFFFFFF  }
0xad: {  	[dreg:$0x0] =	wrdreg $0x60  }
0xae: {  	[dreg:$0x2] =	wrdreg s2  }
0xaf: {  	[dreg:$0x3] =	wrdreg s24  }
0xb0: {  	[dreg:$0x4] =	wrdreg $0x151000  }
0xb1: {  	[dreg:$0x5] =	wrdreg $0x9  }
0xb2: {  	_ =	task.clear_ibuf [dreg:s7], $0x6FFFF;
	_ =	strace $0x90000049  }
0xb3: {  	s29 =	simm.s32 $0x9;
	_ =	strace $0x8000004B  }
0xb4: {  	_ =	swait.ge [sflag:s29], $0x1  }
0xb5: {  	[sflag:s29] =	ssyncadd.s32 $0xFFFFFFFF  }
0xb6: {  	_ =	strace $0x9000004B  }
0xb7: {  	_ =	sfence  }
0xb8: {  	s30 =	sld [smem:$0x0];
	_ =	sdelay $0x2  }
0xb9: {  	s31 =	sshll.u32 s1, $0xD;
	s1 =	sshrl.u32 s1, $0x2  }
0xba: {  	s3 =	sand.u32 $0x4000, s31;
	s1 =	sadd.s32 s1, s30  }
0xbb: {  	s0 =	sor.u32 s3, s0;
	s1 =	sshll.u32 s1, $0x11  }
0xbc: {  	s0 =	sor.u32 s1, s0  }
0xbd: {  	s0 =	sadd.s32 $0x8F2B, s0  }
0xbe: {  	[sflag:s0] =	ssyncadd.remote.s32 $0x1  }
0xbf: {  	_ =	sfence.sel $0xFFFF  }
0xc0: {  	[dreg:$0x0] =	wrdreg $0xFFFFFFFF;
	(pc) =	sbr.abs _section_cstart, $3  }
0xc1: {  	[dreg:$0x1] =	wrdreg $0xFFFFFFFF  }
0xc2: {  	_ =	task.clear_ibuf [dreg:s7], $0x2FFFF;
	_ =	strace $0x9FFFFFFF  }
0xc3: {  	(tm) =	ssettm $0x7FFFFFFF  }
tec
execute0_lowered:
.L_overlay_start_1:
0x0: {  	(tag) =	ssettag $0x1  }
0x1: {  	s1 =	rddreg [dreg:$0x0]  }
0x2: {  	s0 =	rddreg [dreg:$0x1]  }
0x3: {  	s2 =	rddreg [dreg:$0x2];
	s3 =	simm.s32 $0x0;
	s5 =	srdreg.scid  }
0x4: {  	s13 =	stileid.u32;
	s28 =	simm.s32 $0x100;
	s29 =	simm.s32 $0x10900  }
0x5: {  	s30 =	simm.s32 $0x11100;
	s31 =	simm.s32 $0x10100;
	[smem:$0x7FF] =	sst s3  }
0x6: {  	s4 =	sadd.s32 $0x1C00, s0;
	s6 =	sadd.s32 $0xF6C00, s0;
	s7 =	sadd.s32 $0x10E00, s0  }
0x7: {  	s8 =	sadd.s32 $0x15E00, s0;
	s5 =	sand.u32 $0x1, s5;
	s10 =	smul.u32 $0x28000, s13  }
0x8: {  	s9 =	sadd.s32 $0x146C00, s0;
	s11 =	sadd.s32 $0x2EE00, s0;
	s0 =	sadd.s32 $0x1AE00, s0  }
0x9: {  	s18 =	sshll.u32 s13, $0x1;
	p0 =	seq.s32 s13, $0x0;
	_ =	strace $0x8000004A  }
0xa: {  	[dreg:$0x4] =	wrdreg s11;
	s16 =	ssub.s32 $0x2, s5;
	s10 =	sshrl.u32 s10, $0x2  }
0xb: {  	[dreg:$0x5] =	wrdreg s0;
	s19 =	sor.u32 s5, s18;
	s12 =	sadd.s32 s10, s2  }
0xc: {  	p1 =	seq.s32 s5, $0x1;
	s5 =	sor.u32 s5, s13;
	s20 =	sadd.s32 $0x1000, s12  }
0xd: {  	s17 =	sshrl.u32 s16, $0x1;
	s21 =	sadd.s32 $0x2000, s12;
	[dreg:$0x6] =	wrdreg s20  }
0xe: {  	p0 =	por !p0, !p1;
	s22 =	sadd.s32 $0x3000, s12;
	[dreg:$0x7] =	wrdreg s21  }
0xf: {  	p1 =	sne.s32 s5, $0x0;
	s23 =	sadd.s32 $0x4000, s12;
	[dreg:$0x8] =	wrdreg s22  }
0x10: {  	s5 =	simm.s32 $0x12100;
	s24 =	sadd.s32 $0x5000, s12;
	[dreg:$0x9] =	wrdreg s23  }
0x11: {  	s0 =	ssub.s32 s16, s17;
	s25 =	sadd.s32 $0x6000, s12;
	[dreg:$0xa] =	wrdreg s24  }
0x12: {  	p0 =	por !p0, !p0;
	s26 =	sadd.s32 $0x7000, s12;
	[dreg:$0xb] =	wrdreg s25  }
0x13: {  	[dreg:$0xc] =	wrdreg s26;
	s20 =	sadd.s32 $0x8000, s12;
	s21 =	sadd.s32 $0x9000, s12  }
0x14: {  	s22 =	smul.u32 $0x28, s19;
	s23 =	smax.u32 s0, $0x1;
	s24 =	simm.s32 $0x14100  }
0x15: {  	v0 =	vimm.f32 $0.0e+00;
	s25 =	simm.s32 $0x2;
	s26 =	simm.s32 $0x80;
	s0 =	simm.s32 $0x1  }
.LBB2_1:
0x16: {  	s11 =	simm.s32 $0x100;
	s10 =	simm.s32 $0x0  }
.LBB2_2:
0x17: {  	p2 =	sne.s32 s11, $0x3F00;
	[tilespmem:s10+$0x14130] =	vst v0;
	s13 =	smov.u32 s11;
	s11 =	sadd.s32 $0x100, s11  }
.Ltmp0:
0x18: {  	[tilespmem:s10+$0x14120] =	vst v0;
	(pc) =	sbr.rel @p2 .LBB2_2-.Ltmp0, $3  }
0x19: {  	[tilespmem:s10+$0x14100] =	vst v0  }
0x1a: {  	[tilespmem:s10+$0x14110] =	vst v0;
	_ =	sdelay $0x1  }
0x1b: {  	s10 =	sshra.s32 s13, $0x2  }
0x1c: {  	[tilespmem:s10+$0x14130] =	vst v0  }
0x1d: {  	[tilespmem:s10+$0x14120] =	vst v0  }
0x1e: {  	[tilespmem:s10+$0x14100] =	vst v0  }
0x1f: {  	[tilespmem:s10+$0x14110] =	vst v0  }
0x20: {  	[spmem:s12] =	stream.linear.scatter [tilespmem:s24], [sflag:$0x2], $0x1000, $0x38;
	[tilespmem:$0x1F100] =	vst v63  }
0x21: {  	_ =	swait.ge [sflag:s25], $0x1000  }
0x22: {  	[sflag:s25] =	ssyncset.done $0x0  }
0x23: {  	s13 =	rddreg [dreg:$0x6];
	[sflag:s25] =	ssyncadd.s32 $0xFFFFF000  }
0x24: {  	[spmem:s13] =	stream.linear.scatter [tilespmem:s24], [sflag:$0x2], $0x1000, $0x38;
	[tilespmem:$0x1F100] =	vst v63  }
0x25: {  	_ =	swait.ge [sflag:s25], $0x1000  }
0x26: {  	[sflag:s25] =	ssyncset.done $0x0  }
0x27: {  	s14 =	rddreg [dreg:$0x7];
	[sflag:s25] =	ssyncadd.s32 $0xFFFFF000  }
0x28: {  	[spmem:s14] =	stream.linear.scatter [tilespmem:s24], [sflag:$0x2], $0x1000, $0x38;
	[tilespmem:$0x1F100] =	vst v63  }
0x29: {  	_ =	swait.ge [sflag:s25], $0x1000  }
0x2a: {  	[sflag:s25] =	ssyncset.done $0x0  }
0x2b: {  	s15 =	rddreg [dreg:$0x8];
	[sflag:s25] =	ssyncadd.s32 $0xFFFFF000  }
0x2c: {  	[spmem:s15] =	stream.linear.scatter [tilespmem:s24], [sflag:$0x2], $0x1000, $0x38;
	[tilespmem:$0x1F100] =	vst v63  }
0x2d: {  	_ =	swait.ge [sflag:s25], $0x1000  }
0x2e: {  	[sflag:s25] =	ssyncset.done $0x0  }
0x2f: {  	s16 =	rddreg [dreg:$0x9];
	[sflag:s25] =	ssyncadd.s32 $0xFFFFF000  }
0x30: {  	[spmem:s16] =	stream.linear.scatter [tilespmem:s24], [sflag:$0x2], $0x1000, $0x38;
	[tilespmem:$0x1F100] =	vst v63  }
0x31: {  	_ =	swait.ge [sflag:s25], $0x1000  }
0x32: {  	[sflag:s25] =	ssyncset.done $0x0  }
0x33: {  	s17 =	rddreg [dreg:$0xa];
	[sflag:s25] =	ssyncadd.s32 $0xFFFFF000  }
0x34: {  	[spmem:s17] =	stream.linear.scatter [tilespmem:s24], [sflag:$0x2], $0x1000, $0x38;
	[tilespmem:$0x1F100] =	vst v63  }
0x35: {  	_ =	swait.ge [sflag:s25], $0x1000  }
0x36: {  	[sflag:s25] =	ssyncset.done $0x0  }
0x37: {  	s18 =	rddreg [dreg:$0xb];
	[sflag:s25] =	ssyncadd.s32 $0xFFFFF000  }
0x38: {  	[spmem:s18] =	stream.linear.scatter [tilespmem:s24], [sflag:$0x2], $0x1000, $0x38;
	[tilespmem:$0x1F100] =	vst v63  }
0x39: {  	_ =	swait.ge [sflag:s25], $0x1000  }
0x3a: {  	[sflag:s25] =	ssyncset.done $0x0  }
0x3b: {  	s19 =	rddreg [dreg:$0xc];
	[sflag:s25] =	ssyncadd.s32 $0xFFFFF000  }
0x3c: {  	[spmem:s19] =	stream.linear.scatter [tilespmem:s24], [sflag:$0x2], $0x1000, $0x38;
	[tilespmem:$0x1F100] =	vst v63  }
0x3d: {  	_ =	swait.ge [sflag:s25], $0x1000  }
0x3e: {  	[sflag:s25] =	ssyncset.done $0x0  }
0x3f: {  	[sflag:s25] =	ssyncadd.s32 $0xFFFFF000  }
0x40: {  	[spmem:s20] =	stream.linear.scatter [tilespmem:s24], [sflag:$0x2], $0x1000, $0x38;
	[tilespmem:$0x1F100] =	vst v63  }
0x41: {  	_ =	swait.ge [sflag:s25], $0x1000  }
0x42: {  	[sflag:s25] =	ssyncset.done $0x0  }
0x43: {  	[sflag:s25] =	ssyncadd.s32 $0xFFFFF000  }
0x44: {  	[spmem:s21] =	stream.linear.scatter [tilespmem:s24], [sflag:$0x2], $0x1000, $0x38;
	[tilespmem:$0x1F100] =	vst v63  }
0x45: {  	_ =	swait.ge [sflag:s25], $0x1000  }
0x46: {  	[sflag:s25] =	ssyncset.done $0x0  }
0x47: {  	[sflag:s25] =	ssyncadd.s32 $0xFFFFF000  }
0x48: {  	s10 =	simm.s32 $0x0;
	s11 =	simm.s32 $0x0;
	[bflag:$0x0] =	sbarrier.arrive $0xFFFF  }
.LBB2_4:
0x49: {  	s13 =	sadd.s32 s22, s11  }
0x4a: {  	s14 =	sshll.u32 s13, $0x4  }
0x4b: {  	s15 =	sadd.s32 s1, s14  }
0x4c: {  	[tilespmem:s10], [sflag:$0x2] =	stream.linear.gather [hbm4b:s15+s10], $0x80, $0x38;
	[tilespmem:$0x1F100] =	vst v63  }
0x4d: {  	_ =	swait.ge [sflag:s25], $0x80  }
0x4e: {  	[sflag:s25] =	ssyncset.done $0x0  }
0x4f: {  	s14 =	sadd.s32 s4, s14;
	[sflag:s25] =	ssyncadd.s32 $0xFFFFFF80  }
0x50: {  	[tilespmem:s26], [sflag:$0x2] =	stream.linear.gather [hbm4b:s14+s10], $0x80, $0x38;
	[tilespmem:$0x1F100] =	vst v63  }
0x51: {  	_ =	swait.ge [sflag:s25], $0x80  }
0x52: {  	[sflag:s25] =	ssyncset.done $0x0  }
0x53: {  	[sflag:s25] =	ssyncadd.s32 $0xFFFFFF80  }
0x54: {  	[tilespmem:s28], [sflag:$0x1] =	stream.indirect.gather [hbm4b:s9+s26], $0x200, s10, s26, $0xb8;
	[tilespmem:$0x1F100] =	vst v63  }
0x55: {  	_ = 	snop  }
0x56: {  	[tilespmem:s29], [sflag:$0x1] =	stream.indirect.gather [hbm4b:s7+s26], $0x10, s26, s26, $0xb8;
	[tilespmem:$0x1F100] =	vst v63  }
0x57: {  	s13 =	sshll.u32 s13, $0x8  }
0x58: {  	[tilespmem:s30], [sflag:$0x1] =	stream.indirect.gather [hbm4b:s8+s26], $0x10, s26, s26, $0xb8;
	[tilespmem:$0x1F100] =	vst v63  }
0x59: {  	s13 =	sadd.s32 s6, s13  }
0x5a: {  	[tilespmem:s31], [sflag:$0x1] =	stream.linear.gather [hbm4b:s13+s10], $0x800, $0x38;
	[tilespmem:$0x1F100] =	vst v63  }
0x5b: {  	_ =	swait.ge [sflag:s0], $0x10000  }
0x5c: {  	[sflag:s0] =	ssyncset.done $0x0  }
0x5d: {  	[sflag:s0] =	ssyncadd.s32 $0xFFFF0000  }
0x5e: {  	_ =	swait.ge [sflag:s0], $0x800  }
0x5f: {  	[sflag:s0] =	ssyncset.done $0x0  }
0x60: {  	[sflag:s0] =	ssyncadd.s32 $0xFFFFF800  }
0x61: {  	_ =	swait.ge [sflag:s0], $0x800  }
0x62: {  	[sflag:s0] =	ssyncset.done $0x0  }
0x63: {  	[sflag:s0] =	ssyncadd.s32 $0xFFFFF800  }
0x64: {  	_ =	swait.ge [sflag:s0], $0x800  }
0x65: {  	[sflag:s0] =	ssyncset.done $0x0  }
0x66: {  	s15 =	simm.s32 $0x0;
	[sflag:s0] =	ssyncadd.s32 $0xFFFFF800  }
0x67: {  	v1 =	vld [tilespmem:s15+$0x10900]  }
0x68: {  	v2 =	vld [tilespmem:s15+$0x11100];
	_ =	sdelay $0x4  }
0x69: {  	v1 =	vadd.f32 v2, v1;
	_ =	sdelay $0x1  }
0x6a: {  	s14 =	simm.s32 $0x10;
	v1 =	vadd.f32 $1.000000020e-16, v1  }
0x6b: {  	v2 =	vld [tilespmem:s14+$0x10900]  }
0x6c: {  	s13 =	simm.s32 $0x20;
	(erf) = vrcp.f32 v1;
	v1 =	vld [tilespmem:s14+$0x11100]  }
0x6d: {  	v3 =	vld [tilespmem:s13+$0x10900]  }
0x6e: {  	v4 =	vld [tilespmem:s13+$0x11100];
	_ =	sdelay $0x2  }
0x6f: {  	v1 =	vadd.f32 v1, v2;
	_ =	sdelay $0x1  }
0x70: {  	v2 =	vadd.f32 v4, v3;
	v3 =	vadd.f32 $1.000000020e-16, v1  }
0x71: {  	v5 =	vld [tilespmem:s15+$0x10100]  }
0x72: {  	v4 =	vpop (erf);
	(erf) = vrcp.f32 v3  }
0x73: {  	s16 =	simm.s32 $0x30;
	v6 =	vadd.f32 $1.000000020e-16, v2  }
0x74: {  	v1 =	vld [tilespmem:s16+$0x10900]  }
0x75: {  	v3 =	vld [tilespmem:s16+$0x11100];
	(erf) = vrcp.f32 v6  }
0x76: {  	v4 =	vmul.f32 v4, v5  }
0x77: {  	v2 =	vld [tilespmem:s14+$0x10100]  }
0x78: {  	s17 =	simm.s32 $0x100;
	v4 =	vmul.f32 $1.250000000e-01, v4  }
.LBB2_5:
0x79: {  	s18 =	sshra.s32 s17, $0x2;
	p2 =	sne.s32 s17, $0x1FC0  }
.Ltmp1:
0x7a: {  	s17 =	sadd.s32 $0x40, s17;
	v5 =	vadd.f32 v3, v1;
	v1 =	vld [tilespmem:s18+$0x10900];
	[tilespmem:s15+$0x11900] =	vst v4;
	(pc) =	sbr.rel @p2 .LBB2_5-.Ltmp1, $4  }
0x7b: {  	s15 =	smov.u32 s14;
	s14 =	smov.u32 s13;
	s13 =	smov.u32 s16;
	v3 =	vld [tilespmem:s18+$0x11100];
	v4 =	vpop (erf)  }
0x7c: {  	s16 =	smov.u32 s18;
	v5 =	vadd.f32 $1.000000020e-16, v5;
	v4 =	vmul.f32 v4, v2  }
0x7d: {  	v2 =	vld [tilespmem:s14+$0x10100]  }
0x7e: {  	(erf) = vrcp.f32 v5;
	v4 =	vmul.f32 $1.250000000e-01, v4  }
0x7f: {  	_ = 	snop  }
0x80: {  	v1 =	vadd.f32 v3, v1;
	_ =	sdelay $0x1  }
0x81: {  	v1 =	vadd.f32 $1.000000020e-16, v1  }
0x82: {  	v3 =	vpop (erf)  }
0x83: {  	v2 =	vmul.f32 v3, v2;
	(erf) = vrcp.f32 v1;
	_ =	sdelay $0x1  }
0x84: {  	v1 =	vmul.f32 $1.250000000e-01, v2  }
0x85: {  	[tilespmem:s15+$0x11900] =	vst v4  }
0x86: {  	v2 =	vld [tilespmem:s13+$0x10100];
	[tilespmem:s14+$0x11900] =	vst v1  }
0x87: {  	v1 =	vld [tilespmem:s16+$0x10100];
	_ =	sdelay $0x2  }
0x88: {  	v3 =	vpop (erf)  }
0x89: {  	v2 =	vmul.f32 v3, v2;
	v3 =	vpop (erf)  }
0x8a: {  	v1 =	vmul.f32 v3, v1  }
0x8b: {  	v2 =	vmul.f32 $1.250000000e-01, v2  }
0x8c: {  	v1 =	vmul.f32 $1.250000000e-01, v1  }
0x8d: {  	[tilespmem:s13+$0x11900] =	vst v2  }
0x8e: {  	s19 =	simm.s32 $0x0;
	[tilespmem:s16+$0x11900] =	vst v1  }
0x8f: {  	v1 =	vld [tilespmem:s19+$0x11900]  }
0x90: {  	s13 =	simm.s32 $0x200  }
0x91: {  	v2 =	vld [tilespmem:s13+$0xFFFFFF00];
	_ =	sdelay $0x1  }
0x92: {  	v3 =	vld [tilespmem:s13+$0xFFFFFF40]  }
0x93: {  	v43 =	vbroadcast v1, $0x0  }
0x94: {  	v5 =	vld [tilespmem:s13+$0xFFFFFF80]  }
0x95: {  	v6 =	vbroadcast v1, $0x1;
	v2 =	vmul.f32 v2, v43  }
0x96: {  	v7 =	vld [tilespmem:s13+$0xFFFFFFC0]  }
0x97: {  	v8 =	vbroadcast v1, $0x2;
	v3 =	vmul.f32 v3, v6;
	v2 =	vadd.f32 $0.0e+00, v2  }
0x98: {  	v9 =	vld [tilespmem:s13+$0x0]  }
0x99: {  	v10 =	vbroadcast v1, $0x3;
	v2 =	vadd.f32 v3, v2;
	v3 =	vmul.f32 v5, v8  }
0x9a: {  	v44 =	vld [tilespmem:s13+$0x40]  }
0x9b: {  	v11 =	vbroadcast v1, $0x4;
	v2 =	vadd.f32 v3, v2;
	v3 =	vmul.f32 v7, v10  }
0x9c: {  	v45 =	vld [tilespmem:s13+$0x80]  }
0x9d: {  	v12 =	vbroadcast v1, $0x5;
	v2 =	vadd.f32 v3, v2;
	v3 =	vmul.f32 v9, v11  }
0x9e: {  	v46 =	vld [tilespmem:s13+$0xC0]  }
0x9f: {  	v13 =	vbroadcast v1, $0x6;
	v2 =	vadd.f32 v3, v2;
	v3 =	vmul.f32 v44, v12;
	_ =	sdelay $0x1  }
0xa0: {  	v1 =	vbroadcast v1, $0x7;
	v2 =	vadd.f32 v3, v2;
	v3 =	vmul.f32 v45, v13;
	_ =	sdelay $0x1  }
0xa1: {  	v2 =	vadd.f32 v3, v2;
	v3 =	vmul.f32 v46, v1;
	_ =	sdelay $0x1  }
0xa2: {  	v2 =	vadd.f32 v3, v2  }
0xa3: {  	s15 =	simm.s32 $0x12120  }
0xa4: {  	[tilespmem:s15+$0xFFFFFFE0] =	vst v2  }
0xa5: {  	v2 =	vld [tilespmem:s13+$0xFFFFFF10];
	_ =	sdelay $0x1  }
0xa6: {  	v3 =	vld [tilespmem:s13+$0xFFFFFF50];
	_ =	sdelay $0x1  }
0xa7: {  	v47 =	vld [tilespmem:s13+$0xFFFFFF90]  }
0xa8: {  	v2 =	vmul.f32 v2, v43  }
0xa9: {  	v48 =	vld [tilespmem:s13+$0xFFFFFFD0]  }
0xaa: {  	v3 =	vmul.f32 v3, v6;
	v2 =	vadd.f32 $0.0e+00, v2  }
0xab: {  	v49 =	vld [tilespmem:s13+$0x10]  }
0xac: {  	v2 =	vadd.f32 v3, v2;
	v3 =	vmul.f32 v47, v8  }
0xad: {  	v50 =	vld [tilespmem:s13+$0x50]  }
0xae: {  	v2 =	vadd.f32 v3, v2;
	v3 =	vmul.f32 v48, v10  }
0xaf: {  	v51 =	vld [tilespmem:s13+$0x90]  }
0xb0: {  	v2 =	vadd.f32 v3, v2;
	v3 =	vmul.f32 v49, v11  }
0xb1: {  	v52 =	vld [tilespmem:s13+$0xD0]  }
0xb2: {  	v2 =	vadd.f32 v3, v2;
	v3 =	vmul.f32 v50, v12;
	_ =	sdelay $0x1  }
0xb3: {  	v2 =	vadd.f32 v3, v2;
	v3 =	vmul.f32 v51, v13;
	_ =	sdelay $0x1  }
0xb4: {  	v2 =	vadd.f32 v3, v2;
	v3 =	vmul.f32 v52, v1;
	_ =	sdelay $0x1  }
0xb5: {  	v2 =	vadd.f32 v3, v2;
	_ =	sdelay $0x1  }
0xb6: {  	[tilespmem:s15+$0xFFFFFFF0] =	vst v2  }
0xb7: {  	v2 =	vld [tilespmem:s13+$0xFFFFFF20];
	_ =	sdelay $0x1  }
0xb8: {  	v3 =	vld [tilespmem:s13+$0xFFFFFF60];
	_ =	sdelay $0x1  }
0xb9: {  	v53 =	vld [tilespmem:s13+$0xFFFFFFA0]  }
0xba: {  	v2 =	vmul.f32 v2, v43  }
0xbb: {  	v54 =	vld [tilespmem:s13+$0xFFFFFFE0]  }
0xbc: {  	v3 =	vmul.f32 v3, v6;
	v2 =	vadd.f32 $0.0e+00, v2  }
0xbd: {  	v55 =	vld [tilespmem:s13+$0x20]  }
0xbe: {  	v2 =	vadd.f32 v3, v2;
	v3 =	vmul.f32 v53, v8  }
0xbf: {  	v56 =	vld [tilespmem:s13+$0x60]  }
0xc0: {  	v2 =	vadd.f32 v3, v2;
	v3 =	vmul.f32 v54, v10  }
0xc1: {  	v57 =	vld [tilespmem:s13+$0xA0]  }
0xc2: {  	v2 =	vadd.f32 v3, v2;
	v3 =	vmul.f32 v55, v11  }
0xc3: {  	v58 =	vld [tilespmem:s13+$0xE0]  }
0xc4: {  	v2 =	vadd.f32 v3, v2;
	v3 =	vmul.f32 v56, v12;
	_ =	sdelay $0x1  }
0xc5: {  	v2 =	vadd.f32 v3, v2;
	v3 =	vmul.f32 v57, v13;
	_ =	sdelay $0x1  }
0xc6: {  	v2 =	vadd.f32 v3, v2;
	v3 =	vmul.f32 v58, v1;
	_ =	sdelay $0x1  }
0xc7: {  	v2 =	vadd.f32 v3, v2;
	_ =	sdelay $0x1  }
0xc8: {  	[tilespmem:s15+$0x0] =	vst v2  }
0xc9: {  	v2 =	vld [tilespmem:s13+$0xFFFFFF30];
	_ =	sdelay $0x1  }
0xca: {  	v3 =	vld [tilespmem:s13+$0xFFFFFF70];
	_ =	sdelay $0x1  }
0xcb: {  	v59 =	vld [tilespmem:s13+$0xFFFFFFB0]  }
0xcc: {  	v2 =	vmul.f32 v2, v43  }
0xcd: {  	v60 =	vld [tilespmem:s13+$0xFFFFFFF0]  }
0xce: {  	v3 =	vmul.f32 v3, v6;
	v2 =	vadd.f32 $0.0e+00, v2  }
0xcf: {  	v61 =	vld [tilespmem:s13+$0x30]  }
0xd0: {  	v5 =	vmul.f32 v59, v8;
	v2 =	vadd.f32 v3, v2  }
0xd1: {  	v3 =	vld [tilespmem:s13+$0x70]  }
0xd2: {  	v4 =	vmul.f32 v60, v10;
	v2 =	vadd.f32 v5, v2  }
0xd3: {  	v62 =	vld [tilespmem:s13+$0xB0]  }
0xd4: {  	v6 =	vmul.f32 v61, v11;
	v2 =	vadd.f32 v4, v2  }
0xd5: {  	v63 =	vld [tilespmem:s13+$0xF0]  }
0xd6: {  	v3 =	vmul.f32 v3, v12;
	v2 =	vadd.f32 v6, v2;
	_ =	sdelay $0x1  }
0xd7: {  	v5 =	vmul.f32 v62, v13;
	v2 =	vadd.f32 v3, v2;
	_ =	sdelay $0x1  }
0xd8: {  	v1 =	vmul.f32 v63, v1;
	v2 =	vadd.f32 v5, v2;
	_ =	sdelay $0x1  }
0xd9: {  	s17 =	simm.s32 $0x80;
	s14 =	simm.s32 $0x12160;
	s16 =	simm.s32 $0x40;
	v1 =	vadd.f32 v1, v2  }
.LBB2_7:
0xda: {  	s19 =	sshra.s32 s16, $0x2;
	s13 =	sadd.s32 $0x200, s13  }
0xdb: {  	[tilespmem:s15+$0x10] =	vst v1;
	s16 =	smov.u32 s17;
	s18 =	sadd.s32 $0x40, s17;
	s15 =	smov.u32 s14  }
0xdc: {  	p2 =	sne.s32 s17, $0x1FC0;
	v5 =	vld [tilespmem:s19+$0x11900];
	_ =	sdelay $0x1  }
0xdd: {  	v1 =	vld [tilespmem:s13+$0xFFFFFF00];
	_ =	sdelay $0x1  }
0xde: {  	v9 =	vld [tilespmem:s13+$0xFFFFFF40]  }
0xdf: {  	v8 =	vbroadcast v5, $0x0;
	v7 =	vbroadcast v5, $0x1  }
0xe0: {  	v6 =	vbroadcast v5, $0x2;
	v2 =	vbroadcast v5, $0x3;
	v10 =	vld [tilespmem:s13+$0xFFFFFF80]  }
0xe1: {  	v3 =	vbroadcast v5, $0x4;
	v11 =	vmul.f32 v1, v8  }
0xe2: {  	v4 =	vbroadcast v5, $0x5;
	v1 =	vbroadcast v5, $0x6;
	v12 =	vld [tilespmem:s13+$0xFFFFFFC0]  }
0xe3: {  	v5 =	vbroadcast v5, $0x7;
	v11 =	vadd.f32 $0.0e+00, v11;
	v9 =	vmul.f32 v9, v7  }
0xe4: {  	v13 =	vld [tilespmem:s13+$0x0]  }
0xe5: {  	v9 =	vadd.f32 v9, v11;
	v10 =	vmul.f32 v10, v6  }
0xe6: {  	v11 =	vld [tilespmem:s13+$0x40]  }
0xe7: {  	v9 =	vadd.f32 v10, v9;
	v10 =	vmul.f32 v12, v2  }
0xe8: {  	v12 =	vld [tilespmem:s13+$0x80]  }
0xe9: {  	v9 =	vadd.f32 v10, v9;
	v10 =	vmul.f32 v13, v3  }
0xea: {  	v13 =	vld [tilespmem:s13+$0xC0]  }
0xeb: {  	v9 =	vadd.f32 v10, v9;
	v10 =	vmul.f32 v11, v4;
	_ =	sdelay $0x1  }
0xec: {  	v9 =	vadd.f32 v10, v9;
	v10 =	vmul.f32 v12, v1;
	_ =	sdelay $0x1  }
0xed: {  	v9 =	vadd.f32 v10, v9;
	v10 =	vmul.f32 v13, v5;
	_ =	sdelay $0x1  }
0xee: {  	v9 =	vadd.f32 v10, v9;
	_ =	sdelay $0x1  }
0xef: {  	[tilespmem:s14+$0xFFFFFFE0] =	vst v9  }
0xf0: {  	v9 =	vld [tilespmem:s13+$0xFFFFFF10];
	_ =	sdelay $0x1  }
0xf1: {  	v10 =	vld [tilespmem:s13+$0xFFFFFF50];
	_ =	sdelay $0x1  }
0xf2: {  	v11 =	vld [tilespmem:s13+$0xFFFFFF90]  }
0xf3: {  	v9 =	vmul.f32 v9, v8  }
0xf4: {  	v12 =	vld [tilespmem:s13+$0xFFFFFFD0]  }
0xf5: {  	v9 =	vadd.f32 $0.0e+00, v9;
	v10 =	vmul.f32 v10, v7  }
0xf6: {  	v13 =	vld [tilespmem:s13+$0x10]  }
0xf7: {  	v9 =	vadd.f32 v10, v9;
	v10 =	vmul.f32 v11, v6  }
0xf8: {  	v11 =	vld [tilespmem:s13+$0x50]  }
0xf9: {  	v9 =	vadd.f32 v10, v9;
	v10 =	vmul.f32 v12, v2  }
0xfa: {  	v12 =	vld [tilespmem:s13+$0x90]  }
0xfb: {  	v9 =	vadd.f32 v10, v9;
	v10 =	vmul.f32 v13, v3  }
0xfc: {  	v13 =	vld [tilespmem:s13+$0xD0]  }
0xfd: {  	v9 =	vadd.f32 v10, v9;
	v10 =	vmul.f32 v11, v4;
	_ =	sdelay $0x1  }
0xfe: {  	v9 =	vadd.f32 v10, v9;
	v10 =	vmul.f32 v12, v1;
	_ =	sdelay $0x1  }
0xff: {  	v9 =	vadd.f32 v10, v9;
	v10 =	vmul.f32 v13, v5;
	_ =	sdelay $0x1  }
0x100: {  	v9 =	vadd.f32 v10, v9;
	_ =	sdelay $0x1  }
0x101: {  	[tilespmem:s14+$0xFFFFFFF0] =	vst v9  }
0x102: {  	v9 =	vld [tilespmem:s13+$0xFFFFFF20];
	_ =	sdelay $0x1  }
0x103: {  	v10 =	vld [tilespmem:s13+$0xFFFFFF60];
	_ =	sdelay $0x1  }
0x104: {  	v11 =	vld [tilespmem:s13+$0xFFFFFFA0]  }
0x105: {  	v9 =	vmul.f32 v9, v8  }
0x106: {  	v12 =	vld [tilespmem:s13+$0xFFFFFFE0]  }
0x107: {  	v9 =	vadd.f32 $0.0e+00, v9;
	v10 =	vmul.f32 v10, v7  }
0x108: {  	v13 =	vld [tilespmem:s13+$0x20]  }
0x109: {  	v9 =	vadd.f32 v10, v9;
	v10 =	vmul.f32 v11, v6  }
0x10a: {  	v11 =	vld [tilespmem:s13+$0x60]  }
0x10b: {  	v9 =	vadd.f32 v10, v9;
	v10 =	vmul.f32 v12, v2  }
0x10c: {  	v12 =	vld [tilespmem:s13+$0xA0]  }
0x10d: {  	v9 =	vadd.f32 v10, v9;
	v10 =	vmul.f32 v13, v3  }
0x10e: {  	v13 =	vld [tilespmem:s13+$0xE0]  }
0x10f: {  	v9 =	vadd.f32 v10, v9;
	v10 =	vmul.f32 v11, v4;
	_ =	sdelay $0x1  }
0x110: {  	v9 =	vadd.f32 v10, v9;
	v10 =	vmul.f32 v12, v1;
	_ =	sdelay $0x1  }
0x111: {  	v9 =	vadd.f32 v10, v9;
	v10 =	vmul.f32 v13, v5;
	_ =	sdelay $0x1  }
0x112: {  	v9 =	vadd.f32 v10, v9;
	_ =	sdelay $0x1  }
0x113: {  	[tilespmem:s14+$0x0] =	vst v9  }
0x114: {  	v9 =	vld [tilespmem:s13+$0xFFFFFF30]  }
0x115: {  	v10 =	vld [tilespmem:s13+$0xFFFFFF70]  }
0x116: {  	v11 =	vld [tilespmem:s13+$0xFFFFFFB0]  }
0x117: {  	v12 =	vld [tilespmem:s13+$0xFFFFFFF0]  }
0x118: {  	v13 =	vld [tilespmem:s13+$0x30]  }
0x119: {  	v8 =	vmul.f32 v9, v8;
	v9 =	vld [tilespmem:s13+$0x70]  }
0x11a: {  	v7 =	vmul.f32 v10, v7;
	v10 =	vld [tilespmem:s13+$0xB0]  }
0x11b: {  	v8 =	vadd.f32 $0.0e+00, v8;
	v6 =	vmul.f32 v11, v6;
	v11 =	vld [tilespmem:s13+$0xF0]  }
0x11c: {  	v2 =	vmul.f32 v12, v2  }
0x11d: {  	v7 =	vadd.f32 v7, v8;
	v3 =	vmul.f32 v13, v3  }
0x11e: {  	v4 =	vmul.f32 v9, v4  }
0x11f: {  	v6 =	vadd.f32 v6, v7;
	v1 =	vmul.f32 v10, v1  }
0x120: {  	v5 =	vmul.f32 v11, v5  }
0x121: {  	v2 =	vadd.f32 v2, v6;
	_ =	sdelay $0x1  }
0x122: {  	v2 =	vadd.f32 v3, v2;
	_ =	sdelay $0x1  }
0x123: {  	v2 =	vadd.f32 v4, v2  }
.Ltmp2:
0x124: {  	(pc) =	sbr.rel @p2 .LBB2_7-.Ltmp2, $3  }
0x125: {  	v1 =	vadd.f32 v1, v2;
	_ =	sdelay $0x1  }
0x126: {  	v1 =	vadd.f32 v5, v1  }
0x127: {  	s17 =	smov.u32 s18;
	s14 =	sadd.s32 $0x40, s14  }
0x128: {  	s16 =	sshra.s32 s16, $0x2;
	[tilespmem:s15+$0x10] =	vst v1  }
0x129: {  	v1 =	vld [tilespmem:s16+$0x11900]  }
0x12a: {  	s13 =	sadd.s32 $0x200, s13  }
0x12b: {  	v2 =	vld [tilespmem:s13+$0xFFFFFF00];
	_ =	sdelay $0x1  }
0x12c: {  	v3 =	vld [tilespmem:s13+$0xFFFFFF40]  }
0x12d: {  	v4 =	vbroadcast v1, $0x0  }
0x12e: {  	v5 =	vld [tilespmem:s13+$0xFFFFFF80]  }
0x12f: {  	v6 =	vbroadcast v1, $0x1;
	v2 =	vmul.f32 v2, v4  }
0x130: {  	v7 =	vld [tilespmem:s13+$0xFFFFFFC0]  }
0x131: {  	v8 =	vbroadcast v1, $0x2;
	v3 =	vmul.f32 v3, v6;
	v2 =	vadd.f32 $0.0e+00, v2  }
0x132: {  	v9 =	vld [tilespmem:s13+$0x0]  }
0x133: {  	v10 =	vbroadcast v1, $0x3;
	v2 =	vadd.f32 v3, v2;
	v3 =	vmul.f32 v5, v8  }
0x134: {  	v44 =	vld [tilespmem:s13+$0x40]  }
0x135: {  	v11 =	vbroadcast v1, $0x4;
	v2 =	vadd.f32 v3, v2;
	v3 =	vmul.f32 v7, v10  }
0x136: {  	v45 =	vld [tilespmem:s13+$0x80]  }
0x137: {  	v12 =	vbroadcast v1, $0x5;
	v2 =	vadd.f32 v3, v2;
	v3 =	vmul.f32 v9, v11  }
0x138: {  	v46 =	vld [tilespmem:s13+$0xC0]  }
0x139: {  	v13 =	vbroadcast v1, $0x6;
	v2 =	vadd.f32 v3, v2;
	v3 =	vmul.f32 v44, v12;
	_ =	sdelay $0x1  }
0x13a: {  	v1 =	vbroadcast v1, $0x7;
	v2 =	vadd.f32 v3, v2;
	v3 =	vmul.f32 v45, v13;
	_ =	sdelay $0x1  }
0x13b: {  	v2 =	vadd.f32 v3, v2;
	v3 =	vmul.f32 v46, v1;
	_ =	sdelay $0x1  }
0x13c: {  	v2 =	vadd.f32 v3, v2;
	_ =	sdelay $0x1  }
0x13d: {  	[tilespmem:s14+$0xFFFFFFE0] =	vst v2  }
0x13e: {  	v2 =	vld [tilespmem:s13+$0xFFFFFF10];
	_ =	sdelay $0x1  }
0x13f: {  	v3 =	vld [tilespmem:s13+$0xFFFFFF50];
	_ =	sdelay $0x1  }
0x140: {  	v47 =	vld [tilespmem:s13+$0xFFFFFF90]  }
0x141: {  	v2 =	vmul.f32 v2, v4  }
0x142: {  	v48 =	vld [tilespmem:s13+$0xFFFFFFD0]  }
0x143: {  	v3 =	vmul.f32 v3, v6;
	v2 =	vadd.f32 $0.0e+00, v2  }
0x144: {  	v49 =	vld [tilespmem:s13+$0x10]  }
0x145: {  	v2 =	vadd.f32 v3, v2;
	v3 =	vmul.f32 v47, v8  }
0x146: {  	v50 =	vld [tilespmem:s13+$0x50]  }
0x147: {  	v2 =	vadd.f32 v3, v2;
	v3 =	vmul.f32 v48, v10  }
0x148: {  	v51 =	vld [tilespmem:s13+$0x90]  }
0x149: {  	v2 =	vadd.f32 v3, v2;
	v3 =	vmul.f32 v49, v11  }
0x14a: {  	v52 =	vld [tilespmem:s13+$0xD0]  }
0x14b: {  	v2 =	vadd.f32 v3, v2;
	v3 =	vmul.f32 v50, v12;
	_ =	sdelay $0x1  }
0x14c: {  	v2 =	vadd.f32 v3, v2;
	v3 =	vmul.f32 v51, v13;
	_ =	sdelay $0x1  }
0x14d: {  	v2 =	vadd.f32 v3, v2;
	v3 =	vmul.f32 v52, v1;
	_ =	sdelay $0x1  }
0x14e: {  	v2 =	vadd.f32 v3, v2;
	_ =	sdelay $0x1  }
0x14f: {  	[tilespmem:s14+$0xFFFFFFF0] =	vst v2  }
0x150: {  	v2 =	vld [tilespmem:s13+$0xFFFFFF20];
	_ =	sdelay $0x1  }
0x151: {  	v3 =	vld [tilespmem:s13+$0xFFFFFF60];
	_ =	sdelay $0x1  }
0x152: {  	v53 =	vld [tilespmem:s13+$0xFFFFFFA0]  }
0x153: {  	v2 =	vmul.f32 v2, v4  }
0x154: {  	v54 =	vld [tilespmem:s13+$0xFFFFFFE0]  }
0x155: {  	v3 =	vmul.f32 v3, v6;
	v2 =	vadd.f32 $0.0e+00, v2  }
0x156: {  	v55 =	vld [tilespmem:s13+$0x20]  }
0x157: {  	v2 =	vadd.f32 v3, v2;
	v3 =	vmul.f32 v53, v8  }
0x158: {  	v56 =	vld [tilespmem:s13+$0x60]  }
0x159: {  	v2 =	vadd.f32 v3, v2;
	v3 =	vmul.f32 v54, v10  }
0x15a: {  	v57 =	vld [tilespmem:s13+$0xA0]  }
0x15b: {  	v2 =	vadd.f32 v3, v2;
	v3 =	vmul.f32 v55, v11  }
0x15c: {  	v58 =	vld [tilespmem:s13+$0xE0]  }
0x15d: {  	v2 =	vadd.f32 v3, v2;
	v3 =	vmul.f32 v56, v12;
	_ =	sdelay $0x1  }
0x15e: {  	v2 =	vadd.f32 v3, v2;
	v3 =	vmul.f32 v57, v13;
	_ =	sdelay $0x1  }
0x15f: {  	v2 =	vadd.f32 v3, v2;
	v3 =	vmul.f32 v58, v1;
	_ =	sdelay $0x1  }
0x160: {  	v2 =	vadd.f32 v3, v2;
	_ =	sdelay $0x1  }
0x161: {  	[tilespmem:s14+$0x0] =	vst v2  }
0x162: {  	v2 =	vld [tilespmem:s13+$0xFFFFFF30];
	_ =	sdelay $0x1  }
0x163: {  	v3 =	vld [tilespmem:s13+$0xFFFFFF70];
	_ =	sdelay $0x1  }
0x164: {  	v59 =	vld [tilespmem:s13+$0xFFFFFFB0]  }
0x165: {  	v2 =	vmul.f32 v2, v4  }
0x166: {  	v60 =	vld [tilespmem:s13+$0xFFFFFFF0]  }
0x167: {  	v3 =	vmul.f32 v3, v6;
	v2 =	vadd.f32 $0.0e+00, v2  }
0x168: {  	v61 =	vld [tilespmem:s13+$0x30]  }
0x169: {  	v5 =	vmul.f32 v59, v8;
	v2 =	vadd.f32 v3, v2  }
0x16a: {  	v3 =	vld [tilespmem:s13+$0x70]  }
0x16b: {  	v4 =	vmul.f32 v60, v10;
	v2 =	vadd.f32 v5, v2  }
0x16c: {  	v62 =	vld [tilespmem:s13+$0xB0]  }
0x16d: {  	v6 =	vmul.f32 v61, v11;
	v2 =	vadd.f32 v4, v2  }
0x16e: {  	v63 =	vld [tilespmem:s13+$0xF0]  }
0x16f: {  	v3 =	vmul.f32 v3, v12;
	v2 =	vadd.f32 v6, v2;
	_ =	sdelay $0x1  }
0x170: {  	v5 =	vmul.f32 v62, v13;
	v2 =	vadd.f32 v3, v2;
	_ =	sdelay $0x1  }
0x171: {  	v1 =	vmul.f32 v63, v1;
	v2 =	vadd.f32 v5, v2;
	_ =	sdelay $0x1  }
0x172: {  	s11 =	sadd.s32 $0x1, s11;
	v1 =	vadd.f32 v1, v2  }
0x173: {  	p2 =	sne.s32 s11, $0x28  }
.Ltmp3:
0x174: {  	[tilespmem:s14+$0x10] =	vst v1;
	(pc) =	sbr.rel @p2 .LBB2_4-.Ltmp3, $4  }
0x175: {  	[spmem:s2] =	stream.indirect.scatter.add.f32 [tilespmem:s5], [sflag:$0x2], $0x40, s26, s26, $0xb8;
	[tilespmem:$0x1F100] =	vst v63  }
0x176: {  	_ =	swait.ge [sflag:s25], $0x2000  }
0x177: {  	[sflag:s25] =	ssyncset.done $0x0  }
0x178: {  	[sflag:s25] =	ssyncadd.s32 $0xFFFFE000  }
0x179: {  	s10 =	stileid.u32  }
0x17a: {  	[bflag:$0x0] =	sbarrier.arrive $0xFFFF;
	s10 =	sshll.u32 @!p1 s10, $0x6  }
0x17b: {  	s11 =	sshrl.u32 @!p1 s2, $0x3;
	s13 =	rddreg [dreg:$0x4];
	s10 =	sor.u32 @!p1 $0x1C02, s10  }
0x17c: {  	[hbm:s13], [sflag:s10] =	dma.local @!p1 [spmem:s11], $0x14000  }
0x17d: {  	s10 =	simm.s32 @!p1 $0x2  }
0x17e: {  	s3 =	sadd.s32 $0x1, s3;
	_ =	swait.ge @!p1 [sflag:s10], $0x14000  }
0x17f: {  	p2 =	sne.s32 s3, s23;
	s11 =	simm.s32 @p0 $0x1C02;
	[sflag:s10] =	ssyncset.done @!p1 $0x0  }
0x180: {  	s13 =	rddreg [dreg:$0x5];
	[sflag:s10] =	ssyncadd.s32 @!p1 $0xFFFEC000;
	s10 =	sshrl.u32 @p0 s2, $0x3  }
0x181: {  	[hbm:s13], [sflag:s11] =	dma.local @p0 [spmem:s10], $0x14000  }
.Ltmp4:
0x182: {  	_ = 	snop;
	(pc) =	sbr.rel @p2 .LBB2_1-.Ltmp4, $4  }
0x183: {  	s10 =	simm.s32 @p0 $0x2  }
0x184: {  	_ =	swait.ge @p0 [sflag:s10], $0x14000  }
0x185: {  	[sflag:s10] =	ssyncset.done @p0 $0x0  }
0x186: {  	[sflag:s10] =	ssyncadd.s32 @p0 $0xFFFEC000  }
0x187: {  	_ =	sfence.sel $0x180000  }
0x188: {  	[bflag:$0x0] =	sbarrier.arrive $0xFFFF  }
0x189: {  	_ =	strace $0x9000004A  }
0x18a: {  	s0 =	stileid.u32;
	[bflag:$0x2] =	sbarrier.arrive $0xFFFF  }
0x18b: {  	p0 =	sne.s32 s0, $0x0;
	s0 =	rddreg [dreg:$0x3]  }
0x18c: {  	s0 =	sadd.s32 @!p0 $0x100000, s0  }
0x18d: {  	[sflag:s0] =	ssyncadd.tile.s32 @!p0 $0x1;
	_ =	shalt  }
.Lfunc_end2:
_tile_overlayer_lowered:
.L_overlay_start_2:
0x18e: {  	(tag) =	ssettag $0x2  }
0x18f: {  	s0 =	rddreg [dreg:$0x0];
	s2 =	stileid.u32  }
0x190: {  	s1 =	rddreg [dreg:$0x1];
	p0 =	sne.s32 s2, $0x0  }
0x191: {  	s3 =	rddreg [dreg:$0x2];
	[bflag:$0x3] =	sbarrier.arrive $0xFFFF;
	s2 =	simm.s32 @!p0 $0x1C02  }
0x192: {  	[timem:s3], [sflag:s2] =	dma.local @!p0 [hbm:s0], s1  }
0x193: {  	s0 =	simm.s32 @!p0 $0x2  }
0x194: {  	_ =	swait.ge @!p0 [sflag:s0], s1  }
0x195: {  	s1 =	ssub.s32 @!p0 $0x0, s1;
	[sflag:s0] =	ssyncset.done @!p0 $0x0  }
0x196: {  	[sflag:s0] =	ssyncadd.s32 @!p0 s1  }
0x197: {  	[bflag:$0x3] =	sbarrier.arrive $0xFFFF  }
0x198: {  	_ =	shalt  }

</sc_bundles>
